<compile_context>
chip_gen: v7x
topology: tpu7x:2x2x1
jax: 0.10.2.dev20260603
libtpu: 0.0.44.dev20260713+nightly
codegen_flags: <defaults>
</compile_context>

<pallas_src>
import jax
import jax.numpy as jnp
from jax import lax
from jax.experimental import pallas as pl
from jax.experimental.pallas import tpu as pltpu
from jax.experimental.pallas import tpu_sc as plsc

_B = 4096
_D = 64
_K = 8192
_COMMITMENT_COST = 0.25

_NCHUNK = 1
_CB = _B // _NCHUNK

_BB = 1024
_KT = 1024

_NC = 2
_NS = 16
_NW = _NC * _NS
_RPW = _CB // _NW
_LANE = 16
_RUNROLL = 4



def _argmin_block(r_ref, cb_ref, cn_ref, idx_ref):
    r = r_ref[...]
    r2 = r * 2.0
    rn = jnp.sum(r * r, axis=1)[:, None]
    runmin = jnp.full((_BB,), jnp.inf, dtype=jnp.float32)
    runidx = jnp.zeros((_BB,), dtype=jnp.float32)
    colsf = lax.broadcasted_iota(jnp.int32, (_BB, _KT), 1).astype(jnp.float32)
    for kt in range(_K // _KT):
        cb_t = cb_ref[kt * _KT:(kt + 1) * _KT, :]
        m2 = lax.dot_general(r2, cb_t, (((1,), (1,)), ((), ())),
                             preferred_element_type=jnp.float32)
        d = (rn - m2) + cn_ref[:, kt * _KT:(kt + 1) * _KT]
        tmin = jnp.min(d, axis=1)
        tidx = jnp.min(jnp.where(d == tmin[:, None], colsf, jnp.float32(_K)),
                       axis=1) + jnp.float32(kt * _KT)
        upd = tmin < runmin
        runmin = jnp.where(upd, tmin, runmin)
        runidx = jnp.where(upd, tidx, runidx)
    idx_ref[0, 0, :] = runidx.astype(jnp.int32)


def _argmin_call(residual, cb, cnorm):
    idx3 = pl.pallas_call(
        _argmin_block,
        grid=(_CB // _BB,),
        in_specs=[
            pl.BlockSpec((_BB, _D), lambda b: (b, 0)),
            pl.BlockSpec((_K, _D), lambda b: (0, 0)),
            pl.BlockSpec((1, _K), lambda b: (0, 0)),
        ],
        out_specs=pl.BlockSpec((1, 1, _BB), lambda b: (b, 0, 0)),
        out_shape=jax.ShapeDtypeStruct((_CB // _BB, 1, _BB), jnp.int32),
    )(residual, cb, cnorm)
    return idx3.reshape(_CB)



def _sc_body(cb_hbm, idx_hbm, r_hbm, qs_hbm, rn_hbm, cp_hbm,
             idx_v, q_v, r_v, qs_v, acc_v, sem_g, sem_r):
    wid = lax.axis_index("s") * _NC + lax.axis_index("c")
    base = wid * _RPW
    r_cp = pltpu.async_copy(r_hbm.at[pl.ds(base, _RPW)], r_v, sem_r)
    pltpu.sync_copy(idx_hbm.at[pl.ds(base, _RPW)], idx_v)
    g_cp = pltpu.async_copy(cb_hbm.at[idx_v], q_v, sem_g)
    r_cp.wait()
    g_cp.wait()

    def row_body(i, acc):
        for u in range(_RUNROLL):
            row = i * _RUNROLL + u
            for c in range(_D // _LANE):
                sl = pl.ds(c * _LANE, _LANE)
                q = q_v[row, sl]
                r = r_v[row, sl]
                t = q - r
                acc = acc + t * t
                qs = r + t
                qs_v[row, sl] = qs
                r_v[row, sl] = r - qs
        return acc

    acc = lax.fori_loop(0, _RPW // _RUNROLL, row_body,
                        jnp.zeros((_LANE,), jnp.float32))
    acc_v[...] = acc
    q_out = pltpu.async_copy(qs_v, qs_hbm.at[pl.ds(base, _RPW)], sem_g)
    r_out = pltpu.async_copy(r_v, rn_hbm.at[pl.ds(base, _RPW)], sem_r)
    pltpu.sync_copy(acc_v, cp_hbm.at[wid])
    q_out.wait()
    r_out.wait()


_sc_update = pl.kernel(
    _sc_body,
    out_type=(
        jax.ShapeDtypeStruct((_CB, _D), jnp.float32),
        jax.ShapeDtypeStruct((_CB, _D), jnp.float32),
        jax.ShapeDtypeStruct((_NW, _LANE), jnp.float32),
    ),
    mesh=plsc.VectorSubcoreMesh(core_axis_name="c", subcore_axis_name="s",
                                num_cores=_NC, num_subcores=_NS),
    scratch_types=(
        pltpu.VMEM((_RPW,), jnp.int32),
        pltpu.VMEM((_RPW, 2 * _D), jnp.float32),
        pltpu.VMEM((_RPW, _D), jnp.float32),
        pltpu.VMEM((_RPW, _D), jnp.float32),
        pltpu.VMEM((_LANE,), jnp.float32),
        pltpu.SemaphoreType.DMA,
        pltpu.SemaphoreType.DMA,
    ),
)



def kernel(x, cb0, cb1, cb2):
    cbs = (cb0, cb1, cb2)
    cnorms = [jnp.sum(cb ** 2, axis=1)[None, :] for cb in cbs]
    cb_pads = [jnp.pad(cb, ((0, 0), (0, _D))) for cb in cbs]

    residuals = [x[c * _CB:(c + 1) * _CB] for c in range(_NCHUNK)]
    q_stes = [[] for _ in range(_NCHUNK)]
    indices = [[] for _ in range(_NCHUNK)]
    commit_sums = []
    for lvl in range(3):
        cps = []
        for c in range(_NCHUNK):
            r = residuals[c]
            idx = _argmin_call(r, cbs[lvl], cnorms[lvl])
            q_ste, r_new, cp = _sc_update(cb_pads[lvl], idx, r)
            residuals[c] = r_new
            q_stes[c].append(q_ste)
            indices[c].append(idx)
            cps.append(cp)
        commit_sums.append(sum(jnp.sum(cp) for cp in cps))

    quantized_sum = jnp.concatenate(
        [(q_stes[c][0] + q_stes[c][1]) + q_stes[c][2] for c in range(_NCHUNK)])
    idx_stacked = jnp.stack(
        [jnp.concatenate([indices[c][lvl] for c in range(_NCHUNK)])
         for lvl in range(3)], axis=0)
    total_commitment_loss = jnp.float32(0.0)
    for s in commit_sums:
        total_commitment_loss = total_commitment_loss + s / jnp.float32(_B * _D)
    reconstruction_loss = jnp.mean((quantized_sum - x) ** 2)
    total_loss = reconstruction_loss + _COMMITMENT_COST * total_commitment_loss
    return (quantized_sum, idx_stacked,
            reconstruction_loss, total_commitment_loss, total_loss)

# --- scband reference (transcript-rebuilt; emitter-appended) ---
"""Pipeline reference for scband-residual-vector-quantizer-29892972380619 (READ-ONLY COPY).

The authoritative reference and input builder live on the scoring server;
editing this copy changes nothing except your own understanding.
"""

import jax, jax.numpy as jnp
import numpy as np

BATCH = 4096
DIM = 64
K = 8192
COMMITMENT_COST = 0.25


def setup_inputs(seed: int = 0) -> dict:
    key = jax.random.key(seed)
    kx, k0, k1, k2 = jax.random.split(key, 4)
    x = jax.random.normal(kx, (BATCH, DIM), dtype=jnp.float32)
    cb0 = jax.random.normal(k0, (K, DIM), dtype=jnp.float32) * 1.0
    cb1 = jax.random.normal(k1, (K, DIM), dtype=jnp.float32) * 1.0
    cb2 = jax.random.normal(k2, (K, DIM), dtype=jnp.float32) * 1.0
    return {"x": x, "cb0": cb0, "cb1": cb1, "cb2": cb2}


def _quantize(residual, codebook):
    # squared euclidean distances: ||r||^2 - 2 r.c + ||c||^2
    d = (jnp.sum(residual ** 2, axis=1, keepdims=True)
         - 2.0 * residual @ codebook.T
         + jnp.sum(codebook ** 2, axis=1)[None, :])
    idx = jnp.argmin(d, axis=1)
    q = jnp.take(codebook, idx, axis=0)
    commit = jnp.mean((jax.lax.stop_gradient(q) - residual) ** 2)
    # straight-through estimator
    q_ste = residual + jax.lax.stop_gradient(q - residual)
    return q_ste, idx, commit


def reference(x, cb0, cb1, cb2):
    residual = x
    quantized_sum = jnp.zeros_like(x)
    all_indices = []
    total_commitment_loss = jnp.float32(0.0)
    for cb in (cb0, cb1, cb2):
        q, idx, c = _quantize(residual, cb)
        all_indices.append(idx)
        quantized_sum = quantized_sum + q
        residual = residual - jax.lax.stop_gradient(q)
        total_commitment_loss = total_commitment_loss + c
    reconstruction_loss = jnp.mean((quantized_sum - x) ** 2)
    total_loss = reconstruction_loss + COMMITMENT_COST * total_commitment_loss
    return (quantized_sum, jnp.stack(all_indices, axis=0), reconstruction_loss, total_commitment_loss, total_loss)

if __name__ == "__main__":
    import jax
    _d = setup_inputs()
    print(jax.jit(kernel)(*tuple(_d.values())))

</pallas_src>

<mosaic_0001>
#map = affine_map<(d0, d1) -> (0, 0)>
#map1 = affine_map<(d0, d1) -> (0)>
module attributes {stable_mosaic.version = 14 : i64} {
  func.func @_sc_body(%arg0: i32, %arg1: i32, %arg2: memref<8192x128xf32, #tpu.memory_space<hbm>>, %arg3: memref<4096xi32, #tpu.memory_space<hbm>>, %arg4: memref<4096x64xf32, #tpu.memory_space<hbm>>, %arg5: memref<4096x64xf32, #tpu.memory_space<hbm>>, %arg6: memref<4096x64xf32, #tpu.memory_space<hbm>>, %arg7: memref<32x16xf32, #tpu.memory_space<hbm>>, %arg8: memref<128xi32, #tpu.memory_space<vmem>>, %arg9: memref<128x128xf32, #tpu.memory_space<vmem>>, %arg10: memref<128x64xf32, #tpu.memory_space<vmem>>, %arg11: memref<128x64xf32, #tpu.memory_space<vmem>>, %arg12: memref<16xf32, #tpu.memory_space<vmem>>, %arg13: memref<!tpu.dma_semaphore, #tpu.memory_space<semaphore_mem>>, %arg14: memref<!tpu.dma_semaphore, #tpu.memory_space<semaphore_mem>>) attributes {dimension_semantics = [#tpu.dimension_semantics<core_parallel>, #tpu.dimension_semantics<subcore_parallel>], iteration_bounds = array<i64: 2, 16>, scalar_prefetch = 0 : i64, scratch_operands = 7 : i64, tpu.core_type = #tpu.core_type<sc_vector_subcore>, window_params = [{transform_indices = #map}, {transform_indices = #map1}, {transform_indices = #map}, {transform_indices = #map}, {transform_indices = #map}, {transform_indices = #map}]} {
    %mul3A = arith.constant 2 : i32
    %mul3A_0 = arith.muli %arg1, %mul3A : i32
    %add3A = arith.addi %mul3A_0, %arg0 : i32
    %mul3A_1 = arith.constant 128 : i32
    %mul3A_2 = arith.muli %add3A, %mul3A_1 : i32
    %dma_start3A = arith.constant 0 : i32
    %dma_start3A_3 = tpu.memref_slice %arg4[%mul3A_2, %dma_start3A] : memref<4096x64xf32, #tpu.memory_space<hbm>> -> memref<128x64xf32, #tpu.memory_space<hbm>>
    %dma_start3A_4 = arith.constant 0 : i32
    %dma_start3A_5 = tpu.memref_slice %arg4[%mul3A_2, %dma_start3A_4] : memref<4096x64xf32, #tpu.memory_space<hbm>> -> memref<128x64xf32, #tpu.memory_space<hbm>>
    tpu.enqueue_dma source(%dma_start3A_5 : memref<128x64xf32, #tpu.memory_space<hbm>>) target(%arg10 : memref<128x64xf32, #tpu.memory_space<vmem>>) target_semaphore(%arg14 : memref<!tpu.dma_semaphore, #tpu.memory_space<semaphore_mem>>)
    "tpu.region"() ({
      %run_scoped3A = tpu.sem_alloc : memref<!tpu.dma_semaphore, #tpu.memory_space<semaphore_mem>>
      %dma_start3A_40 = tpu.memref_slice %arg3[%mul3A_2] : memref<4096xi32, #tpu.memory_space<hbm>> -> memref<128xi32, #tpu.memory_space<hbm>>
      %dma_start3A_41 = tpu.memref_slice %arg3[%mul3A_2] : memref<4096xi32, #tpu.memory_space<hbm>> -> memref<128xi32, #tpu.memory_space<hbm>>
      tpu.enqueue_dma source(%dma_start3A_41 : memref<128xi32, #tpu.memory_space<hbm>>) target(%arg8 : memref<128xi32, #tpu.memory_space<vmem>>) target_semaphore(%run_scoped3A : memref<!tpu.dma_semaphore, #tpu.memory_space<semaphore_mem>>)
      %dma_wait3A_42 = tpu.memref_slice %arg3[%mul3A_2] : memref<4096xi32, #tpu.memory_space<hbm>> -> memref<128xi32, #tpu.memory_space<hbm>>
      %dma_wait3A_43 = tpu.memref_slice %arg3[%mul3A_2] : memref<4096xi32, #tpu.memory_space<hbm>> -> memref<128xi32, #tpu.memory_space<hbm>>
      tpu.wait_dma2 semaphore(%run_scoped3A : memref<!tpu.dma_semaphore, #tpu.memory_space<semaphore_mem>>) src(%dma_wait3A_43 : memref<128xi32, #tpu.memory_space<hbm>>) dst(%arg8 : memref<128xi32, #tpu.memory_space<vmem>>)
      tpu.yield
    }) : () -> ()
    %dma_start3A_6 = arith.constant 0 : i32
    %dma_start3A_7 = arith.constant 0 : i32
    %dma_start3A_8 = tpu.memref_slice %arg2[%dma_start3A_6, %dma_start3A_7] : memref<8192x128xf32, #tpu.memory_space<hbm>> -> memref<8192x128xf32, #tpu.memory_space<hbm>>
    tpu.enqueue_indirect_dma source(%dma_start3A_8 : memref<8192x128xf32, #tpu.memory_space<hbm>>) target(%arg9 : memref<128x128xf32, #tpu.memory_space<vmem>>) offsets(%arg8 : memref<128xi32, #tpu.memory_space<vmem>>) semaphore(%arg13 : memref<!tpu.dma_semaphore, #tpu.memory_space<semaphore_mem>>)
    %dma_wait3A = arith.constant 0 : i32
    %dma_wait3A_9 = tpu.memref_slice %arg4[%mul3A_2, %dma_wait3A] : memref<4096x64xf32, #tpu.memory_space<hbm>> -> memref<128x64xf32, #tpu.memory_space<hbm>>
    %dma_wait3A_10 = arith.constant 0 : i32
    %dma_wait3A_11 = tpu.memref_slice %arg4[%mul3A_2, %dma_wait3A_10] : memref<4096x64xf32, #tpu.memory_space<hbm>> -> memref<128x64xf32, #tpu.memory_space<hbm>>
    tpu.wait_dma2 semaphore(%arg14 : memref<!tpu.dma_semaphore, #tpu.memory_space<semaphore_mem>>) src(%dma_wait3A_11 : memref<128x64xf32, #tpu.memory_space<hbm>>) dst(%arg10 : memref<128x64xf32, #tpu.memory_space<vmem>>)
    %dma_wait3A_12 = arith.constant 0 : i32
    %dma_wait3A_13 = arith.constant 0 : i32
    %dma_wait3A_14 = tpu.memref_slice %arg2[%dma_wait3A_12, %dma_wait3A_13] : memref<8192x128xf32, #tpu.memory_space<hbm>> -> memref<8192x128xf32, #tpu.memory_space<hbm>>
    tpu.wait_indirect_dma semaphore(%arg13 : memref<!tpu.dma_semaphore, #tpu.memory_space<semaphore_mem>>) src(%dma_wait3A_14 : memref<8192x128xf32, #tpu.memory_space<hbm>>) dst(%arg9 : memref<128x128xf32, #tpu.memory_space<vmem>>)
    %broadcast_in_dim3A = arith.constant 0.000000e+00 : f32
    %broadcast_in_dim3A_15 = vector.broadcast %broadcast_in_dim3A : f32 to vector<16xf32>
    %scan3A = arith.constant 0 : i32
    %scan3A_16 = arith.constant 32 : i32
    %scan3A_17 = arith.addi %scan3A, %scan3A_16 : i32
    %scan3A_18 = arith.constant 1 : i32
    %scan3A_19 = scf.for %scan3A_40 = %scan3A to %scan3A_17 step %scan3A_18 iter_args(%scan3A_41 = %broadcast_in_dim3A_15) -> (vector<16xf32>)  : i32 {
      %mul3A_42 = arith.constant 4 : i32
      %mul3A_43 = arith.muli %scan3A_40, %mul3A_42 : i32
      %add3A_44 = arith.constant 0 : i32
      %add3A_45 = arith.addi %mul3A_43, %add3A_44 : i32
      %get3A = arith.index_cast %add3A_45 : i32 to index
      %get3A_46 = arith.constant 0 : index
      %get3A_47 = tpu.vector_load %arg9[%get3A, %get3A_46] {strides = array<i32>} : memref<128x128xf32, #tpu.memory_space<vmem>>, vector<1x16xf32>,
      %get3A_48 = vector.shape_cast %get3A_47 : vector<1x16xf32> to vector<16xf32>
      %get3A_49 = arith.index_cast %add3A_45 : i32 to index
      %get3A_50 = arith.constant 0 : index
      %get3A_51 = tpu.vector_load %arg10[%get3A_49, %get3A_50] {strides = array<i32>} : memref<128x64xf32, #tpu.memory_space<vmem>>, vector<1x16xf32>,
      %get3A_52 = vector.shape_cast %get3A_51 : vector<1x16xf32> to vector<16xf32>
      %sub3A = arith.subf %get3A_48, %get3A_52 : vector<16xf32>
      %mul3A_53 = arith.mulf %sub3A, %sub3A : vector<16xf32>
      %add3A_54 = arith.addf %scan3A_41, %mul3A_53 : vector<16xf32>
      %add3A_55 = arith.addf %get3A_52, %sub3A : vector<16xf32>
      %swap3A_56 = arith.index_cast %add3A_45 : i32 to index
      %swap3A_57 = arith.constant 0 : index
      %swap3A_58 = tpu.vector_load %arg11[%swap3A_56, %swap3A_57] {strides = array<i32>} : memref<128x64xf32, #tpu.memory_space<vmem>>, vector<1x16xf32>,
      %swap3A_59 = vector.shape_cast %swap3A_58 : vector<1x16xf32> to vector<16xf32>
      %swap3A_60 = vector.shape_cast %add3A_55 : vector<16xf32> to vector<1x16xf32>
      tpu.vector_store %arg11[%swap3A_56, %swap3A_57], %swap3A_60 {strides = array<i32>} : memref<128x64xf32, #tpu.memory_space<vmem>>, vector<1x16xf32>,
      %sub3A_61 = arith.subf %get3A_52, %add3A_55 : vector<16xf32>
      %swap3A_62 = arith.index_cast %add3A_45 : i32 to index
      %swap3A_63 = arith.constant 0 : index
      %swap3A_64 = tpu.vector_load %arg10[%swap3A_62, %swap3A_63] {strides = array<i32>} : memref<128x64xf32, #tpu.memory_space<vmem>>, vector<1x16xf32>,
      %swap3A_65 = vector.shape_cast %swap3A_64 : vector<1x16xf32> to vector<16xf32>
      %swap3A_66 = vector.shape_cast %sub3A_61 : vector<16xf32> to vector<1x16xf32>
      tpu.vector_store %arg10[%swap3A_62, %swap3A_63], %swap3A_66 {strides = array<i32>} : memref<128x64xf32, #tpu.memory_space<vmem>>, vector<1x16xf32>,
      %get3A_67 = arith.index_cast %add3A_45 : i32 to index
      %get3A_68 = arith.constant 16 : index
      %get3A_69 = tpu.vector_load %arg9[%get3A_67, %get3A_68] {strides = array<i32>} : memref<128x128xf32, #tpu.memory_space<vmem>>, vector<1x16xf32>,
      %get3A_70 = vector.shape_cast %get3A_69 : vector<1x16xf32> to vector<16xf32>
      %get3A_71 = arith.index_cast %add3A_45 : i32 to index
      %get3A_72 = arith.constant 16 : index
      %get3A_73 = tpu.vector_load %arg10[%get3A_71, %get3A_72] {strides = array<i32>} : memref<128x64xf32, #tpu.memory_space<vmem>>, vector<1x16xf32>,
      %get3A_74 = vector.shape_cast %get3A_73 : vector<1x16xf32> to vector<16xf32>
      %sub3A_75 = arith.subf %get3A_70, %get3A_74 : vector<16xf32>
      %mul3A_76 = arith.mulf %sub3A_75, %sub3A_75 : vector<16xf32>
      %add3A_77 = arith.addf %add3A_54, %mul3A_76 : vector<16xf32>
      %add3A_78 = arith.addf %get3A_74, %sub3A_75 : vector<16xf32>
      %swap3A_79 = arith.index_cast %add3A_45 : i32 to index
      %swap3A_80 = arith.constant 16 : index
      %swap3A_81 = tpu.vector_load %arg11[%swap3A_79, %swap3A_80] {strides = array<i32>} : memref<128x64xf32, #tpu.memory_space<vmem>>, vector<1x16xf32>,
      %swap3A_82 = vector.shape_cast %swap3A_81 : vector<1x16xf32> to vector<16xf32>
      %swap3A_83 = vector.shape_cast %add3A_78 : vector<16xf32> to vector<1x16xf32>
      tpu.vector_store %arg11[%swap3A_79, %swap3A_80], %swap3A_83 {strides = array<i32>} : memref<128x64xf32, #tpu.memory_space<vmem>>, vector<1x16xf32>,
      %sub3A_84 = arith.subf %get3A_74, %add3A_78 : vector<16xf32>
      %swap3A_85 = arith.index_cast %add3A_45 : i32 to index
      %swap3A_86 = arith.constant 16 : index
      %swap3A_87 = tpu.vector_load %arg10[%swap3A_85, %swap3A_86] {strides = array<i32>} : memref<128x64xf32, #tpu.memory_space<vmem>>, vector<1x16xf32>,
      %swap3A_88 = vector.shape_cast %swap3A_87 : vector<1x16xf32> to vector<16xf32>
      %swap3A_89 = vector.shape_cast %sub3A_84 : vector<16xf32> to vector<1x16xf32>
      tpu.vector_store %arg10[%swap3A_85, %swap3A_86], %swap3A_89 {strides = array<i32>} : memref<128x64xf32, #tpu.memory_space<vmem>>, vector<1x16xf32>,
      %get3A_90 = arith.index_cast %add3A_45 : i32 to index
      %get3A_91 = arith.constant 32 : index
      %get3A_92 = tpu.vector_load %arg9[%get3A_90, %get3A_91] {strides = array<i32>} : memref<128x128xf32, #tpu.memory_space<vmem>>, vector<1x16xf32>,
      %get3A_93 = vector.shape_cast %get3A_92 : vector<1x16xf32> to vector<16xf32>
      %get3A_94 = arith.index_cast %add3A_45 : i32 to index
      %get3A_95 = arith.constant 32 : index
      %get3A_96 = tpu.vector_load %arg10[%get3A_94, %get3A_95] {strides = array<i32>} : memref<128x64xf32, #tpu.memory_space<vmem>>, vector<1x16xf32>,
      %get3A_97 = vector.shape_cast %get3A_96 : vector<1x16xf32> to vector<16xf32>
      %sub3A_98 = arith.subf %get3A_93, %get3A_97 : vector<16xf32>
      %mul3A_99 = arith.mulf %sub3A_98, %sub3A_98 : vector<16xf32>
      %add3A_100 = arith.addf %add3A_77, %mul3A_99 : vector<16xf32>
      %add3A_101 = arith.addf %get3A_97, %sub3A_98 : vector<16xf32>
      %swap3A_102 = arith.index_cast %add3A_45 : i32 to index
      %swap3A_103 = arith.constant 32 : index
      %swap3A_104 = tpu.vector_load %arg11[%swap3A_102, %swap3A_103] {strides = array<i32>} : memref<128x64xf32, #tpu.memory_space<vmem>>, vector<1x16xf32>,
      %swap3A_105 = vector.shape_cast %swap3A_104 : vector<1x16xf32> to vector<16xf32>
      %swap3A_106 = vector.shape_cast %add3A_101 : vector<16xf32> to vector<1x16xf32>
      tpu.vector_store %arg11[%swap3A_102, %swap3A_103], %swap3A_106 {strides = array<i32>} : memref<128x64xf32, #tpu.memory_space<vmem>>, vector<1x16xf32>,
      %sub3A_107 = arith.subf %get3A_97, %add3A_101 : vector<16xf32>
      %swap3A_108 = arith.index_cast %add3A_45 : i32 to index
      %swap3A_109 = arith.constant 32 : index
      %swap3A_110 = tpu.vector_load %arg10[%swap3A_108, %swap3A_109] {strides = array<i32>} : memref<128x64xf32, #tpu.memory_space<vmem>>, vector<1x16xf32>,
      %swap3A_111 = vector.shape_cast %swap3A_110 : vector<1x16xf32> to vector<16xf32>
      %swap3A_112 = vector.shape_cast %sub3A_107 : vector<16xf32> to vector<1x16xf32>
      tpu.vector_store %arg10[%swap3A_108, %swap3A_109], %swap3A_112 {strides = array<i32>} : memref<128x64xf32, #tpu.memory_space<vmem>>, vector<1x16xf32>,
      %get3A_113 = arith.index_cast %add3A_45 : i32 to index
      %get3A_114 = arith.constant 48 : index
      %get3A_115 = tpu.vector_load %arg9[%get3A_113, %get3A_114] {strides = array<i32>} : memref<128x128xf32, #tpu.memory_space<vmem>>, vector<1x16xf32>,
      %get3A_116 = vector.shape_cast %get3A_115 : vector<1x16xf32> to vector<16xf32>
      %get3A_117 = arith.index_cast %add3A_45 : i32 to index
      %get3A_118 = arith.constant 48 : index
      %get3A_119 = tpu.vector_load %arg10[%get3A_117, %get3A_118] {strides = array<i32>} : memref<128x64xf32, #tpu.memory_space<vmem>>, vector<1x16xf32>,
      %get3A_120 = vector.shape_cast %get3A_119 : vector<1x16xf32> to vector<16xf32>
      %sub3A_121 = arith.subf %get3A_116, %get3A_120 : vector<16xf32>
      %mul3A_122 = arith.mulf %sub3A_121, %sub3A_121 : vector<16xf32>
      %add3A_123 = arith.addf %add3A_100, %mul3A_122 : vector<16xf32>
      %add3A_124 = arith.addf %get3A_120, %sub3A_121 : vector<16xf32>
      %swap3A_125 = arith.index_cast %add3A_45 : i32 to index
      %swap3A_126 = arith.constant 48 : index
      %swap3A_127 = tpu.vector_load %arg11[%swap3A_125, %swap3A_126] {strides = array<i32>} : memref<128x64xf32, #tpu.memory_space<vmem>>, vector<1x16xf32>,
      %swap3A_128 = vector.shape_cast %swap3A_127 : vector<1x16xf32> to vector<16xf32>
      %swap3A_129 = vector.shape_cast %add3A_124 : vector<16xf32> to vector<1x16xf32>
      tpu.vector_store %arg11[%swap3A_125, %swap3A_126], %swap3A_129 {strides = array<i32>} : memref<128x64xf32, #tpu.memory_space<vmem>>, vector<1x16xf32>,
      %sub3A_130 = arith.subf %get3A_120, %add3A_124 : vector<16xf32>
      %swap3A_131 = arith.index_cast %add3A_45 : i32 to index
      %swap3A_132 = arith.constant 48 : index
      %swap3A_133 = tpu.vector_load %arg10[%swap3A_131, %swap3A_132] {strides = array<i32>} : memref<128x64xf32, #tpu.memory_space<vmem>>, vector<1x16xf32>,
      %swap3A_134 = vector.shape_cast %swap3A_133 : vector<1x16xf32> to vector<16xf32>
      %swap3A_135 = vector.shape_cast %sub3A_130 : vector<16xf32> to vector<1x16xf32>
      tpu.vector_store %arg10[%swap3A_131, %swap3A_132], %swap3A_135 {strides = array<i32>} : memref<128x64xf32, #tpu.memory_space<vmem>>, vector<1x16xf32>,
      %mul3A_136 = arith.constant 4 : i32
      %mul3A_137 = arith.muli %scan3A_40, %mul3A_136 : i32
      %add3A_138 = arith.constant 1 : i32
      %add3A_139 = arith.addi %mul3A_137, %add3A_138 : i32
      %get3A_140 = arith.index_cast %add3A_139 : i32 to index
      %get3A_141 = arith.constant 0 : index
      %get3A_142 = tpu.vector_load %arg9[%get3A_140, %get3A_141] {strides = array<i32>} : memref<128x128xf32, #tpu.memory_space<vmem>>, vector<1x16xf32>,
      %get3A_143 = vector.shape_cast %get3A_142 : vector<1x16xf32> to vector<16xf32>
      %get3A_144 = arith.index_cast %add3A_139 : i32 to index
      %get3A_145 = arith.constant 0 : index
      %get3A_146 = tpu.vector_load %arg10[%get3A_144, %get3A_145] {strides = array<i32>} : memref<128x64xf32, #tpu.memory_space<vmem>>, vector<1x16xf32>,
      %get3A_147 = vector.shape_cast %get3A_146 : vector<1x16xf32> to vector<16xf32>
      %sub3A_148 = arith.subf %get3A_143, %get3A_147 : vector<16xf32>
      %mul3A_149 = arith.mulf %sub3A_148, %sub3A_148 : vector<16xf32>
      %add3A_150 = arith.addf %add3A_123, %mul3A_149 : vector<16xf32>
      %add3A_151 = arith.addf %get3A_147, %sub3A_148 : vector<16xf32>
      %swap3A_152 = arith.index_cast %add3A_139 : i32 to index
      %swap3A_153 = arith.constant 0 : index
      %swap3A_154 = tpu.vector_load %arg11[%swap3A_152, %swap3A_153] {strides = array<i32>} : memref<128x64xf32, #tpu.memory_space<vmem>>, vector<1x16xf32>,
      %swap3A_155 = vector.shape_cast %swap3A_154 : vector<1x16xf32> to vector<16xf32>
      %swap3A_156 = vector.shape_cast %add3A_151 : vector<16xf32> to vector<1x16xf32>
      tpu.vector_store %arg11[%swap3A_152, %swap3A_153], %swap3A_156 {strides = array<i32>} : memref<128x64xf32, #tpu.memory_space<vmem>>, vector<1x16xf32>,
      %sub3A_157 = arith.subf %get3A_147, %add3A_151 : vector<16xf32>
      %swap3A_158 = arith.index_cast %add3A_139 : i32 to index
      %swap3A_159 = arith.constant 0 : index
      %swap3A_160 = tpu.vector_load %arg10[%swap3A_158, %swap3A_159] {strides = array<i32>} : memref<128x64xf32, #tpu.memory_space<vmem>>, vector<1x16xf32>,
      %swap3A_161 = vector.shape_cast %swap3A_160 : vector<1x16xf32> to vector<16xf32>
      %swap3A_162 = vector.shape_cast %sub3A_157 : vector<16xf32> to vector<1x16xf32>
      tpu.vector_store %arg10[%swap3A_158, %swap3A_159], %swap3A_162 {strides = array<i32>} : memref<128x64xf32, #tpu.memory_space<vmem>>, vector<1x16xf32>,
      %get3A_163 = arith.index_cast %add3A_139 : i32 to index
      %get3A_164 = arith.constant 16 : index
      %get3A_165 = tpu.vector_load %arg9[%get3A_163, %get3A_164] {strides = array<i32>} : memref<128x128xf32, #tpu.memory_space<vmem>>, vector<1x16xf32>,
      %get3A_166 = vector.shape_cast %get3A_165 : vector<1x16xf32> to vector<16xf32>
      %get3A_167 = arith.index_cast %add3A_139 : i32 to index
      %get3A_168 = arith.constant 16 : index
      %get3A_169 = tpu.vector_load %arg10[%get3A_167, %get3A_168] {strides = array<i32>} : memref<128x64xf32, #tpu.memory_space<vmem>>, vector<1x16xf32>,
      %get3A_170 = vector.shape_cast %get3A_169 : vector<1x16xf32> to vector<16xf32>
      %sub3A_171 = arith.subf %get3A_166, %get3A_170 : vector<16xf32>
      %mul3A_172 = arith.mulf %sub3A_171, %sub3A_171 : vector<16xf32>
      %add3A_173 = arith.addf %add3A_150, %mul3A_172 : vector<16xf32>
      %add3A_174 = arith.addf %get3A_170, %sub3A_171 : vector<16xf32>
      %swap3A_175 = arith.index_cast %add3A_139 : i32 to index
      %swap3A_176 = arith.constant 16 : index
      %swap3A_177 = tpu.vector_load %arg11[%swap3A_175, %swap3A_176] {strides = array<i32>} : memref<128x64xf32, #tpu.memory_space<vmem>>, vector<1x16xf32>,
      %swap3A_178 = vector.shape_cast %swap3A_177 : vector<1x16xf32> to vector<16xf32>
      %swap3A_179 = vector.shape_cast %add3A_174 : vector<16xf32> to vector<1x16xf32>
      tpu.vector_store %arg11[%swap3A_175, %swap3A_176], %swap3A_179 {strides = array<i32>} : memref<128x64xf32, #tpu.memory_space<vmem>>, vector<1x16xf32>,
      %sub3A_180 = arith.subf %get3A_170, %add3A_174 : vector<16xf32>
      %swap3A_181 = arith.index_cast %add3A_139 : i32 to index
      %swap3A_182 = arith.constant 16 : index
      %swap3A_183 = tpu.vector_load %arg10[%swap3A_181, %swap3A_182] {strides = array<i32>} : memref<128x64xf32, #tpu.memory_space<vmem>>, vector<1x16xf32>,
      %swap3A_184 = vector.shape_cast %swap3A_183 : vector<1x16xf32> to vector<16xf32>
      %swap3A_185 = vector.shape_cast %sub3A_180 : vector<16xf32> to vector<1x16xf32>
      tpu.vector_store %arg10[%swap3A_181, %swap3A_182], %swap3A_185 {strides = array<i32>} : memref<128x64xf32, #tpu.memory_space<vmem>>, vector<1x16xf32>,
      %get3A_186 = arith.index_cast %add3A_139 : i32 to index
      %get3A_187 = arith.constant 32 : index
      %get3A_188 = tpu.vector_load %arg9[%get3A_186, %get3A_187] {strides = array<i32>} : memref<128x128xf32, #tpu.memory_space<vmem>>, vector<1x16xf32>,
      %get3A_189 = vector.shape_cast %get3A_188 : vector<1x16xf32> to vector<16xf32>
      %get3A_190 = arith.index_cast %add3A_139 : i32 to index
      %get3A_191 = arith.constant 32 : index
      %get3A_192 = tpu.vector_load %arg10[%get3A_190, %get3A_191] {strides = array<i32>} : memref<128x64xf32, #tpu.memory_space<vmem>>, vector<1x16xf32>,
      %get3A_193 = vector.shape_cast %get3A_192 : vector<1x16xf32> to vector<16xf32>
      %sub3A_194 = arith.subf %get3A_189, %get3A_193 : vector<16xf32>
      %mul3A_195 = arith.mulf %sub3A_194, %sub3A_194 : vector<16xf32>
      %add3A_196 = arith.addf %add3A_173, %mul3A_195 : vector<16xf32>
      %add3A_197 = arith.addf %get3A_193, %sub3A_194 : vector<16xf32>
      %swap3A_198 = arith.index_cast %add3A_139 : i32 to index
      %swap3A_199 = arith.constant 32 : index
      %swap3A_200 = tpu.vector_load %arg11[%swap3A_198, %swap3A_199] {strides = array<i32>} : memref<128x64xf32, #tpu.memory_space<vmem>>, vector<1x16xf32>,
      %swap3A_201 = vector.shape_cast %swap3A_200 : vector<1x16xf32> to vector<16xf32>
      %swap3A_202 = vector.shape_cast %add3A_197 : vector<16xf32> to vector<1x16xf32>
      tpu.vector_store %arg11[%swap3A_198, %swap3A_199], %swap3A_202 {strides = array<i32>} : memref<128x64xf32, #tpu.memory_space<vmem>>, vector<1x16xf32>,
      %sub3A_203 = arith.subf %get3A_193, %add3A_197 : vector<16xf32>
      %swap3A_204 = arith.index_cast %add3A_139 : i32 to index
      %swap3A_205 = arith.constant 32 : index
      %swap3A_206 = tpu.vector_load %arg10[%swap3A_204, %swap3A_205] {strides = array<i32>} : memref<128x64xf32, #tpu.memory_space<vmem>>, vector<1x16xf32>,
      %swap3A_207 = vector.shape_cast %swap3A_206 : vector<1x16xf32> to vector<16xf32>
      %swap3A_208 = vector.shape_cast %sub3A_203 : vector<16xf32> to vector<1x16xf32>
      tpu.vector_store %arg10[%swap3A_204, %swap3A_205], %swap3A_208 {strides = array<i32>} : memref<128x64xf32, #tpu.memory_space<vmem>>, vector<1x16xf32>,
      %get3A_209 = arith.index_cast %add3A_139 : i32 to index
      %get3A_210 = arith.constant 48 : index
      %get3A_211 = tpu.vector_load %arg9[%get3A_209, %get3A_210] {strides = array<i32>} : memref<128x128xf32, #tpu.memory_space<vmem>>, vector<1x16xf32>,
      %get3A_212 = vector.shape_cast %get3A_211 : vector<1x16xf32> to vector<16xf32>
      %get3A_213 = arith.index_cast %add3A_139 : i32 to index
      %get3A_214 = arith.constant 48 : index
      %get3A_215 = tpu.vector_load %arg10[%get3A_213, %get3A_214] {strides = array<i32>} : memref<128x64xf32, #tpu.memory_space<vmem>>, vector<1x16xf32>,
      %get3A_216 = vector.shape_cast %get3A_215 : vector<1x16xf32> to vector<16xf32>
      %sub3A_217 = arith.subf %get3A_212, %get3A_216 : vector<16xf32>
      %mul3A_218 = arith.mulf %sub3A_217, %sub3A_217 : vector<16xf32>
      %add3A_219 = arith.addf %add3A_196, %mul3A_218 : vector<16xf32>
      %add3A_220 = arith.addf %get3A_216, %sub3A_217 : vector<16xf32>
      %swap3A_221 = arith.index_cast %add3A_139 : i32 to index
      %swap3A_222 = arith.constant 48 : index
      %swap3A_223 = tpu.vector_load %arg11[%swap3A_221, %swap3A_222] {strides = array<i32>} : memref<128x64xf32, #tpu.memory_space<vmem>>, vector<1x16xf32>,
      %swap3A_224 = vector.shape_cast %swap3A_223 : vector<1x16xf32> to vector<16xf32>
      %swap3A_225 = vector.shape_cast %add3A_220 : vector<16xf32> to vector<1x16xf32>
      tpu.vector_store %arg11[%swap3A_221, %swap3A_222], %swap3A_225 {strides = array<i32>} : memref<128x64xf32, #tpu.memory_space<vmem>>, vector<1x16xf32>,
      %sub3A_226 = arith.subf %get3A_216, %add3A_220 : vector<16xf32>
      %swap3A_227 = arith.index_cast %add3A_139 : i32 to index
      %swap3A_228 = arith.constant 48 : index
      %swap3A_229 = tpu.vector_load %arg10[%swap3A_227, %swap3A_228] {strides = array<i32>} : memref<128x64xf32, #tpu.memory_space<vmem>>, vector<1x16xf32>,
      %swap3A_230 = vector.shape_cast %swap3A_229 : vector<1x16xf32> to vector<16xf32>
      %swap3A_231 = vector.shape_cast %sub3A_226 : vector<16xf32> to vector<1x16xf32>
      tpu.vector_store %arg10[%swap3A_227, %swap3A_228], %swap3A_231 {strides = array<i32>} : memref<128x64xf32, #tpu.memory_space<vmem>>, vector<1x16xf32>,
      %mul3A_232 = arith.constant 4 : i32
      %mul3A_233 = arith.muli %scan3A_40, %mul3A_232 : i32
      %add3A_234 = arith.constant 2 : i32
      %add3A_235 = arith.addi %mul3A_233, %add3A_234 : i32
      %get3A_236 = arith.index_cast %add3A_235 : i32 to index
      %get3A_237 = arith.constant 0 : index
      %get3A_238 = tpu.vector_load %arg9[%get3A_236, %get3A_237] {strides = array<i32>} : memref<128x128xf32, #tpu.memory_space<vmem>>, vector<1x16xf32>,
      %get3A_239 = vector.shape_cast %get3A_238 : vector<1x16xf32> to vector<16xf32>
      %get3A_240 = arith.index_cast %add3A_235 : i32 to index
      %get3A_241 = arith.constant 0 : index
      %get3A_242 = tpu.vector_load %arg10[%get3A_240, %get3A_241] {strides = array<i32>} : memref<128x64xf32, #tpu.memory_space<vmem>>, vector<1x16xf32>,
      %get3A_243 = vector.shape_cast %get3A_242 : vector<1x16xf32> to vector<16xf32>
      %sub3A_244 = arith.subf %get3A_239, %get3A_243 : vector<16xf32>
      %mul3A_245 = arith.mulf %sub3A_244, %sub3A_244 : vector<16xf32>
      %add3A_246 = arith.addf %add3A_219, %mul3A_245 : vector<16xf32>
      %add3A_247 = arith.addf %get3A_243, %sub3A_244 : vector<16xf32>
      %swap3A_248 = arith.index_cast %add3A_235 : i32 to index
      %swap3A_249 = arith.constant 0 : index
      %swap3A_250 = tpu.vector_load %arg11[%swap3A_248, %swap3A_249] {strides = array<i32>} : memref<128x64xf32, #tpu.memory_space<vmem>>, vector<1x16xf32>,
      %swap3A_251 = vector.shape_cast %swap3A_250 : vector<1x16xf32> to vector<16xf32>
      %swap3A_252 = vector.shape_cast %add3A_247 : vector<16xf32> to vector<1x16xf32>
      tpu.vector_store %arg11[%swap3A_248, %swap3A_249], %swap3A_252 {strides = array<i32>} : memref<128x64xf32, #tpu.memory_space<vmem>>, vector<1x16xf32>,
      %sub3A_253 = arith.subf %get3A_243, %add3A_247 : vector<16xf32>
      %swap3A_254 = arith.index_cast %add3A_235 : i32 to index
      %swap3A_255 = arith.constant 0 : index
      %swap3A_256 = tpu.vector_load %arg10[%swap3A_254, %swap3A_255] {strides = array<i32>} : memref<128x64xf32, #tpu.memory_space<vmem>>, vector<1x16xf32>,
      %swap3A_257 = vector.shape_cast %swap3A_256 : vector<1x16xf32> to vector<16xf32>
      %swap3A_258 = vector.shape_cast %sub3A_253 : vector<16xf32> to vector<1x16xf32>
      tpu.vector_store %arg10[%swap3A_254, %swap3A_255], %swap3A_258 {strides = array<i32>} : memref<128x64xf32, #tpu.memory_space<vmem>>, vector<1x16xf32>,
      %get3A_259 = arith.index_cast %add3A_235 : i32 to index
      %get3A_260 = arith.constant 16 : index
      %get3A_261 = tpu.vector_load %arg9[%get3A_259, %get3A_260] {strides = array<i32>} : memref<128x128xf32, #tpu.memory_space<vmem>>, vector<1x16xf32>,
      %get3A_262 = vector.shape_cast %get3A_261 : vector<1x16xf32> to vector<16xf32>
      %get3A_263 = arith.index_cast %add3A_235 : i32 to index
      %get3A_264 = arith.constant 16 : index
      %get3A_265 = tpu.vector_load %arg10[%get3A_263, %get3A_264] {strides = array<i32>} : memref<128x64xf32, #tpu.memory_space<vmem>>, vector<1x16xf32>,
      %get3A_266 = vector.shape_cast %get3A_265 : vector<1x16xf32> to vector<16xf32>
      %sub3A_267 = arith.subf %get3A_262, %get3A_266 : vector<16xf32>
      %mul3A_268 = arith.mulf %sub3A_267, %sub3A_267 : vector<16xf32>
      %add3A_269 = arith.addf %add3A_246, %mul3A_268 : vector<16xf32>
      %add3A_270 = arith.addf %get3A_266, %sub3A_267 : vector<16xf32>
      %swap3A_271 = arith.index_cast %add3A_235 : i32 to index
      %swap3A_272 = arith.constant 16 : index
      %swap3A_273 = tpu.vector_load %arg11[%swap3A_271, %swap3A_272] {strides = array<i32>} : memref<128x64xf32, #tpu.memory_space<vmem>>, vector<1x16xf32>,
      %swap3A_274 = vector.shape_cast %swap3A_273 : vector<1x16xf32> to vector<16xf32>
      %swap3A_275 = vector.shape_cast %add3A_270 : vector<16xf32> to vector<1x16xf32>
      tpu.vector_store %arg11[%swap3A_271, %swap3A_272], %swap3A_275 {strides = array<i32>} : memref<128x64xf32, #tpu.memory_space<vmem>>, vector<1x16xf32>,
      %sub3A_276 = arith.subf %get3A_266, %add3A_270 : vector<16xf32>
      %swap3A_277 = arith.index_cast %add3A_235 : i32 to index
      %swap3A_278 = arith.constant 16 : index
      %swap3A_279 = tpu.vector_load %arg10[%swap3A_277, %swap3A_278] {strides = array<i32>} : memref<128x64xf32, #tpu.memory_space<vmem>>, vector<1x16xf32>,
      %swap3A_280 = vector.shape_cast %swap3A_279 : vector<1x16xf32> to vector<16xf32>
      %swap3A_281 = vector.shape_cast %sub3A_276 : vector<16xf32> to vector<1x16xf32>
      tpu.vector_store %arg10[%swap3A_277, %swap3A_278], %swap3A_281 {strides = array<i32>} : memref<128x64xf32, #tpu.memory_space<vmem>>, vector<1x16xf32>,
      %get3A_282 = arith.index_cast %add3A_235 : i32 to index
      %get3A_283 = arith.constant 32 : index
      %get3A_284 = tpu.vector_load %arg9[%get3A_282, %get3A_283] {strides = array<i32>} : memref<128x128xf32, #tpu.memory_space<vmem>>, vector<1x16xf32>,
      %get3A_285 = vector.shape_cast %get3A_284 : vector<1x16xf32> to vector<16xf32>
      %get3A_286 = arith.index_cast %add3A_235 : i32 to index
      %get3A_287 = arith.constant 32 : index
      %get3A_288 = tpu.vector_load %arg10[%get3A_286, %get3A_287] {strides = array<i32>} : memref<128x64xf32, #tpu.memory_space<vmem>>, vector<1x16xf32>,
      %get3A_289 = vector.shape_cast %get3A_288 : vector<1x16xf32> to vector<16xf32>
      %sub3A_290 = arith.subf %get3A_285, %get3A_289 : vector<16xf32>
      %mul3A_291 = arith.mulf %sub3A_290, %sub3A_290 : vector<16xf32>
      %add3A_292 = arith.addf %add3A_269, %mul3A_291 : vector<16xf32>
      %add3A_293 = arith.addf %get3A_289, %sub3A_290 : vector<16xf32>
      %swap3A_294 = arith.index_cast %add3A_235 : i32 to index
      %swap3A_295 = arith.constant 32 : index
      %swap3A_296 = tpu.vector_load %arg11[%swap3A_294, %swap3A_295] {strides = array<i32>} : memref<128x64xf32, #tpu.memory_space<vmem>>, vector<1x16xf32>,
      %swap3A_297 = vector.shape_cast %swap3A_296 : vector<1x16xf32> to vector<16xf32>
      %swap3A_298 = vector.shape_cast %add3A_293 : vector<16xf32> to vector<1x16xf32>
      tpu.vector_store %arg11[%swap3A_294, %swap3A_295], %swap3A_298 {strides = array<i32>} : memref<128x64xf32, #tpu.memory_space<vmem>>, vector<1x16xf32>,
      %sub3A_299 = arith.subf %get3A_289, %add3A_293 : vector<16xf32>
      %swap3A_300 = arith.index_cast %add3A_235 : i32 to index
      %swap3A_301 = arith.constant 32 : index
      %swap3A_302 = tpu.vector_load %arg10[%swap3A_300, %swap3A_301] {strides = array<i32>} : memref<128x64xf32, #tpu.memory_space<vmem>>, vector<1x16xf32>,
      %swap3A_303 = vector.shape_cast %swap3A_302 : vector<1x16xf32> to vector<16xf32>
      %swap3A_304 = vector.shape_cast %sub3A_299 : vector<16xf32> to vector<1x16xf32>
      tpu.vector_store %arg10[%swap3A_300, %swap3A_301], %swap3A_304 {strides = array<i32>} : memref<128x64xf32, #tpu.memory_space<vmem>>, vector<1x16xf32>,
      %get3A_305 = arith.index_cast %add3A_235 : i32 to index
      %get3A_306 = arith.constant 48 : index
      %get3A_307 = tpu.vector_load %arg9[%get3A_305, %get3A_306] {strides = array<i32>} : memref<128x128xf32, #tpu.memory_space<vmem>>, vector<1x16xf32>,
      %get3A_308 = vector.shape_cast %get3A_307 : vector<1x16xf32> to vector<16xf32>
      %get3A_309 = arith.index_cast %add3A_235 : i32 to index
      %get3A_310 = arith.constant 48 : index
      %get3A_311 = tpu.vector_load %arg10[%get3A_309, %get3A_310] {strides = array<i32>} : memref<128x64xf32, #tpu.memory_space<vmem>>, vector<1x16xf32>,
      %get3A_312 = vector.shape_cast %get3A_311 : vector<1x16xf32> to vector<16xf32>
      %sub3A_313 = arith.subf %get3A_308, %get3A_312 : vector<16xf32>
      %mul3A_314 = arith.mulf %sub3A_313, %sub3A_313 : vector<16xf32>
      %add3A_315 = arith.addf %add3A_292, %mul3A_314 : vector<16xf32>
      %add3A_316 = arith.addf %get3A_312, %sub3A_313 : vector<16xf32>
      %swap3A_317 = arith.index_cast %add3A_235 : i32 to index
      %swap3A_318 = arith.constant 48 : index
      %swap3A_319 = tpu.vector_load %arg11[%swap3A_317, %swap3A_318] {strides = array<i32>} : memref<128x64xf32, #tpu.memory_space<vmem>>, vector<1x16xf32>,
      %swap3A_320 = vector.shape_cast %swap3A_319 : vector<1x16xf32> to vector<16xf32>
      %swap3A_321 = vector.shape_cast %add3A_316 : vector<16xf32> to vector<1x16xf32>
      tpu.vector_store %arg11[%swap3A_317, %swap3A_318], %swap3A_321 {strides = array<i32>} : memref<128x64xf32, #tpu.memory_space<vmem>>, vector<1x16xf32>,
      %sub3A_322 = arith.subf %get3A_312, %add3A_316 : vector<16xf32>
      %swap3A_323 = arith.index_cast %add3A_235 : i32 to index
      %swap3A_324 = arith.constant 48 : index
      %swap3A_325 = tpu.vector_load %arg10[%swap3A_323, %swap3A_324] {strides = array<i32>} : memref<128x64xf32, #tpu.memory_space<vmem>>, vector<1x16xf32>,
      %swap3A_326 = vector.shape_cast %swap3A_325 : vector<1x16xf32> to vector<16xf32>
      %swap3A_327 = vector.shape_cast %sub3A_322 : vector<16xf32> to vector<1x16xf32>
      tpu.vector_store %arg10[%swap3A_323, %swap3A_324], %swap3A_327 {strides = array<i32>} : memref<128x64xf32, #tpu.memory_space<vmem>>, vector<1x16xf32>,
      %mul3A_328 = arith.constant 4 : i32
      %mul3A_329 = arith.muli %scan3A_40, %mul3A_328 : i32
      %add3A_330 = arith.constant 3 : i32
      %add3A_331 = arith.addi %mul3A_329, %add3A_330 : i32
      %get3A_332 = arith.index_cast %add3A_331 : i32 to index
      %get3A_333 = arith.constant 0 : index
      %get3A_334 = tpu.vector_load %arg9[%get3A_332, %get3A_333] {strides = array<i32>} : memref<128x128xf32, #tpu.memory_space<vmem>>, vector<1x16xf32>,
      %get3A_335 = vector.shape_cast %get3A_334 : vector<1x16xf32> to vector<16xf32>
      %get3A_336 = arith.index_cast %add3A_331 : i32 to index
      %get3A_337 = arith.constant 0 : index
      %get3A_338 = tpu.vector_load %arg10[%get3A_336, %get3A_337] {strides = array<i32>} : memref<128x64xf32, #tpu.memory_space<vmem>>, vector<1x16xf32>,
      %get3A_339 = vector.shape_cast %get3A_338 : vector<1x16xf32> to vector<16xf32>
      %sub3A_340 = arith.subf %get3A_335, %get3A_339 : vector<16xf32>
      %mul3A_341 = arith.mulf %sub3A_340, %sub3A_340 : vector<16xf32>
      %add3A_342 = arith.addf %add3A_315, %mul3A_341 : vector<16xf32>
      %add3A_343 = arith.addf %get3A_339, %sub3A_340 : vector<16xf32>
      %swap3A_344 = arith.index_cast %add3A_331 : i32 to index
      %swap3A_345 = arith.constant 0 : index
      %swap3A_346 = tpu.vector_load %arg11[%swap3A_344, %swap3A_345] {strides = array<i32>} : memref<128x64xf32, #tpu.memory_space<vmem>>, vector<1x16xf32>,
      %swap3A_347 = vector.shape_cast %swap3A_346 : vector<1x16xf32> to vector<16xf32>
      %swap3A_348 = vector.shape_cast %add3A_343 : vector<16xf32> to vector<1x16xf32>
      tpu.vector_store %arg11[%swap3A_344, %swap3A_345], %swap3A_348 {strides = array<i32>} : memref<128x64xf32, #tpu.memory_space<vmem>>, vector<1x16xf32>,
      %sub3A_349 = arith.subf %get3A_339, %add3A_343 : vector<16xf32>
      %swap3A_350 = arith.index_cast %add3A_331 : i32 to index
      %swap3A_351 = arith.constant 0 : index
      %swap3A_352 = tpu.vector_load %arg10[%swap3A_350, %swap3A_351] {strides = array<i32>} : memref<128x64xf32, #tpu.memory_space<vmem>>, vector<1x16xf32>,
      %swap3A_353 = vector.shape_cast %swap3A_352 : vector<1x16xf32> to vector<16xf32>
      %swap3A_354 = vector.shape_cast %sub3A_349 : vector<16xf32> to vector<1x16xf32>
      tpu.vector_store %arg10[%swap3A_350, %swap3A_351], %swap3A_354 {strides = array<i32>} : memref<128x64xf32, #tpu.memory_space<vmem>>, vector<1x16xf32>,
      %get3A_355 = arith.index_cast %add3A_331 : i32 to index
      %get3A_356 = arith.constant 16 : index
      %get3A_357 = tpu.vector_load %arg9[%get3A_355, %get3A_356] {strides = array<i32>} : memref<128x128xf32, #tpu.memory_space<vmem>>, vector<1x16xf32>,
      %get3A_358 = vector.shape_cast %get3A_357 : vector<1x16xf32> to vector<16xf32>
      %get3A_359 = arith.index_cast %add3A_331 : i32 to index
      %get3A_360 = arith.constant 16 : index
      %get3A_361 = tpu.vector_load %arg10[%get3A_359, %get3A_360] {strides = array<i32>} : memref<128x64xf32, #tpu.memory_space<vmem>>, vector<1x16xf32>,
      %get3A_362 = vector.shape_cast %get3A_361 : vector<1x16xf32> to vector<16xf32>
      %sub3A_363 = arith.subf %get3A_358, %get3A_362 : vector<16xf32>
      %mul3A_364 = arith.mulf %sub3A_363, %sub3A_363 : vector<16xf32>
      %add3A_365 = arith.addf %add3A_342, %mul3A_364 : vector<16xf32>
      %add3A_366 = arith.addf %get3A_362, %sub3A_363 : vector<16xf32>
      %swap3A_367 = arith.index_cast %add3A_331 : i32 to index
      %swap3A_368 = arith.constant 16 : index
      %swap3A_369 = tpu.vector_load %arg11[%swap3A_367, %swap3A_368] {strides = array<i32>} : memref<128x64xf32, #tpu.memory_space<vmem>>, vector<1x16xf32>,
      %swap3A_370 = vector.shape_cast %swap3A_369 : vector<1x16xf32> to vector<16xf32>
      %swap3A_371 = vector.shape_cast %add3A_366 : vector<16xf32> to vector<1x16xf32>
      tpu.vector_store %arg11[%swap3A_367, %swap3A_368], %swap3A_371 {strides = array<i32>} : memref<128x64xf32, #tpu.memory_space<vmem>>, vector<1x16xf32>,
      %sub3A_372 = arith.subf %get3A_362, %add3A_366 : vector<16xf32>
      %swap3A_373 = arith.index_cast %add3A_331 : i32 to index
      %swap3A_374 = arith.constant 16 : index
      %swap3A_375 = tpu.vector_load %arg10[%swap3A_373, %swap3A_374] {strides = array<i32>} : memref<128x64xf32, #tpu.memory_space<vmem>>, vector<1x16xf32>,
      %swap3A_376 = vector.shape_cast %swap3A_375 : vector<1x16xf32> to vector<16xf32>
      %swap3A_377 = vector.shape_cast %sub3A_372 : vector<16xf32> to vector<1x16xf32>
      tpu.vector_store %arg10[%swap3A_373, %swap3A_374], %swap3A_377 {strides = array<i32>} : memref<128x64xf32, #tpu.memory_space<vmem>>, vector<1x16xf32>,
      %get3A_378 = arith.index_cast %add3A_331 : i32 to index
      %get3A_379 = arith.constant 32 : index
      %get3A_380 = tpu.vector_load %arg9[%get3A_378, %get3A_379] {strides = array<i32>} : memref<128x128xf32, #tpu.memory_space<vmem>>, vector<1x16xf32>,
      %get3A_381 = vector.shape_cast %get3A_380 : vector<1x16xf32> to vector<16xf32>
      %get3A_382 = arith.index_cast %add3A_331 : i32 to index
      %get3A_383 = arith.constant 32 : index
      %get3A_384 = tpu.vector_load %arg10[%get3A_382, %get3A_383] {strides = array<i32>} : memref<128x64xf32, #tpu.memory_space<vmem>>, vector<1x16xf32>,
      %get3A_385 = vector.shape_cast %get3A_384 : vector<1x16xf32> to vector<16xf32>
      %sub3A_386 = arith.subf %get3A_381, %get3A_385 : vector<16xf32>
      %mul3A_387 = arith.mulf %sub3A_386, %sub3A_386 : vector<16xf32>
      %add3A_388 = arith.addf %add3A_365, %mul3A_387 : vector<16xf32>
      %add3A_389 = arith.addf %get3A_385, %sub3A_386 : vector<16xf32>
      %swap3A_390 = arith.index_cast %add3A_331 : i32 to index
      %swap3A_391 = arith.constant 32 : index
      %swap3A_392 = tpu.vector_load %arg11[%swap3A_390, %swap3A_391] {strides = array<i32>} : memref<128x64xf32, #tpu.memory_space<vmem>>, vector<1x16xf32>,
      %swap3A_393 = vector.shape_cast %swap3A_392 : vector<1x16xf32> to vector<16xf32>
      %swap3A_394 = vector.shape_cast %add3A_389 : vector<16xf32> to vector<1x16xf32>
      tpu.vector_store %arg11[%swap3A_390, %swap3A_391], %swap3A_394 {strides = array<i32>} : memref<128x64xf32, #tpu.memory_space<vmem>>, vector<1x16xf32>,
      %sub3A_395 = arith.subf %get3A_385, %add3A_389 : vector<16xf32>
      %swap3A_396 = arith.index_cast %add3A_331 : i32 to index
      %swap3A_397 = arith.constant 32 : index
      %swap3A_398 = tpu.vector_load %arg10[%swap3A_396, %swap3A_397] {strides = array<i32>} : memref<128x64xf32, #tpu.memory_space<vmem>>, vector<1x16xf32>,
      %swap3A_399 = vector.shape_cast %swap3A_398 : vector<1x16xf32> to vector<16xf32>
      %swap3A_400 = vector.shape_cast %sub3A_395 : vector<16xf32> to vector<1x16xf32>
      tpu.vector_store %arg10[%swap3A_396, %swap3A_397], %swap3A_400 {strides = array<i32>} : memref<128x64xf32, #tpu.memory_space<vmem>>, vector<1x16xf32>,
      %get3A_401 = arith.index_cast %add3A_331 : i32 to index
      %get3A_402 = arith.constant 48 : index
      %get3A_403 = tpu.vector_load %arg9[%get3A_401, %get3A_402] {strides = array<i32>} : memref<128x128xf32, #tpu.memory_space<vmem>>, vector<1x16xf32>,
      %get3A_404 = vector.shape_cast %get3A_403 : vector<1x16xf32> to vector<16xf32>
      %get3A_405 = arith.index_cast %add3A_331 : i32 to index
      %get3A_406 = arith.constant 48 : index
      %get3A_407 = tpu.vector_load %arg10[%get3A_405, %get3A_406] {strides = array<i32>} : memref<128x64xf32, #tpu.memory_space<vmem>>, vector<1x16xf32>,
      %get3A_408 = vector.shape_cast %get3A_407 : vector<1x16xf32> to vector<16xf32>
      %sub3A_409 = arith.subf %get3A_404, %get3A_408 : vector<16xf32>
      %mul3A_410 = arith.mulf %sub3A_409, %sub3A_409 : vector<16xf32>
      %add3A_411 = arith.addf %add3A_388, %mul3A_410 : vector<16xf32>
      %add3A_412 = arith.addf %get3A_408, %sub3A_409 : vector<16xf32>
      %swap3A_413 = arith.index_cast %add3A_331 : i32 to index
      %swap3A_414 = arith.constant 48 : index
      %swap3A_415 = tpu.vector_load %arg11[%swap3A_413, %swap3A_414] {strides = array<i32>} : memref<128x64xf32, #tpu.memory_space<vmem>>, vector<1x16xf32>,
      %swap3A_416 = vector.shape_cast %swap3A_415 : vector<1x16xf32> to vector<16xf32>
      %swap3A_417 = vector.shape_cast %add3A_412 : vector<16xf32> to vector<1x16xf32>
      tpu.vector_store %arg11[%swap3A_413, %swap3A_414], %swap3A_417 {strides = array<i32>} : memref<128x64xf32, #tpu.memory_space<vmem>>, vector<1x16xf32>,
      %sub3A_418 = arith.subf %get3A_408, %add3A_412 : vector<16xf32>
      %swap3A_419 = arith.index_cast %add3A_331 : i32 to index
      %swap3A_420 = arith.constant 48 : index
      %swap3A_421 = tpu.vector_load %arg10[%swap3A_419, %swap3A_420] {strides = array<i32>} : memref<128x64xf32, #tpu.memory_space<vmem>>, vector<1x16xf32>,
      %swap3A_422 = vector.shape_cast %swap3A_421 : vector<1x16xf32> to vector<16xf32>
      %swap3A_423 = vector.shape_cast %sub3A_418 : vector<16xf32> to vector<1x16xf32>
      tpu.vector_store %arg10[%swap3A_419, %swap3A_420], %swap3A_423 {strides = array<i32>} : memref<128x64xf32, #tpu.memory_space<vmem>>, vector<1x16xf32>,
      scf.yield %add3A_411 : vector<16xf32>
    }
    %scan3A_20 = arith.constant 32 : i32
    %swap3A = arith.constant 0 : index
    %swap3A_21 = tpu.vector_load %arg12[%swap3A] {strides = array<i32>} : memref<16xf32, #tpu.memory_space<vmem>>, vector<16xf32>,
    %swap3A_22 = vector.shape_cast %swap3A_21 : vector<16xf32> to vector<16xf32>
    %swap3A_23 = vector.shape_cast %scan3A_19 : vector<16xf32> to vector<16xf32>
    tpu.vector_store %arg12[%swap3A], %swap3A_23 {strides = array<i32>} : memref<16xf32, #tpu.memory_space<vmem>>, vector<16xf32>,
    %dma_start3A_24 = arith.constant 0 : i32
    %dma_start3A_25 = tpu.memref_slice %arg5[%mul3A_2, %dma_start3A_24] : memref<4096x64xf32, #tpu.memory_space<hbm>> -> memref<128x64xf32, #tpu.memory_space<hbm>>
    %dma_start3A_26 = arith.constant 0 : i32
    %dma_start3A_27 = tpu.memref_slice %arg5[%mul3A_2, %dma_start3A_26] : memref<4096x64xf32, #tpu.memory_space<hbm>> -> memref<128x64xf32, #tpu.memory_space<hbm>>
    tpu.enqueue_dma source(%arg11 : memref<128x64xf32, #tpu.memory_space<vmem>>) target(%dma_start3A_27 : memref<128x64xf32, #tpu.memory_space<hbm>>) target_semaphore(%arg13 : memref<!tpu.dma_semaphore, #tpu.memory_space<semaphore_mem>>)
    %dma_start3A_28 = arith.constant 0 : i32
    %dma_start3A_29 = tpu.memref_slice %arg6[%mul3A_2, %dma_start3A_28] : memref<4096x64xf32, #tpu.memory_space<hbm>> -> memref<128x64xf32, #tpu.memory_space<hbm>>
    %dma_start3A_30 = arith.constant 0 : i32
    %dma_start3A_31 = tpu.memref_slice %arg6[%mul3A_2, %dma_start3A_30] : memref<4096x64xf32, #tpu.memory_space<hbm>> -> memref<128x64xf32, #tpu.memory_space<hbm>>
    tpu.enqueue_dma source(%arg10 : memref<128x64xf32, #tpu.memory_space<vmem>>) target(%dma_start3A_31 : memref<128x64xf32, #tpu.memory_space<hbm>>) target_semaphore(%arg14 : memref<!tpu.dma_semaphore, #tpu.memory_space<semaphore_mem>>)
    "tpu.region"() ({
      %run_scoped3A = tpu.sem_alloc : memref<!tpu.dma_semaphore, #tpu.memory_space<semaphore_mem>>
      %dma_start3A_40 = arith.constant 0 : i32
      %dma_start3A_41 = tpu.memref_slice %arg7[%add3A, %dma_start3A_40] : memref<32x16xf32, #tpu.memory_space<hbm>> -> memref<1x16xf32, #tpu.memory_space<hbm>>
      %dma_start3A_42 = tpu.memref_squeeze %dma_start3A_41 : memref<1x16xf32, #tpu.memory_space<hbm>> -> memref<16xf32, #tpu.memory_space<hbm>>
      %dma_start3A_43 = arith.constant 0 : i32
      %dma_start3A_44 = tpu.memref_slice %arg7[%add3A, %dma_start3A_43] : memref<32x16xf32, #tpu.memory_space<hbm>> -> memref<1x16xf32, #tpu.memory_space<hbm>>
      %dma_start3A_45 = tpu.memref_squeeze %dma_start3A_44 : memref<1x16xf32, #tpu.memory_space<hbm>> -> memref<16xf32, #tpu.memory_space<hbm>>
      tpu.enqueue_dma source(%arg12 : memref<16xf32, #tpu.memory_space<vmem>>) target(%dma_start3A_45 : memref<16xf32, #tpu.memory_space<hbm>>) target_semaphore(%run_scoped3A : memref<!tpu.dma_semaphore, #tpu.memory_space<semaphore_mem>>)
      %dma_wait3A_46 = arith.constant 0 : i32
      %dma_wait3A_47 = tpu.memref_slice %arg7[%add3A, %dma_wait3A_46] : memref<32x16xf32, #tpu.memory_space<hbm>> -> memref<1x16xf32, #tpu.memory_space<hbm>>
      %dma_wait3A_48 = tpu.memref_squeeze %dma_wait3A_47 : memref<1x16xf32, #tpu.memory_space<hbm>> -> memref<16xf32, #tpu.memory_space<hbm>>
      %dma_wait3A_49 = arith.constant 0 : i32
      %dma_wait3A_50 = tpu.memref_slice %arg7[%add3A, %dma_wait3A_49] : memref<32x16xf32, #tpu.memory_space<hbm>> -> memref<1x16xf32, #tpu.memory_space<hbm>>
      %dma_wait3A_51 = tpu.memref_squeeze %dma_wait3A_50 : memref<1x16xf32, #tpu.memory_space<hbm>> -> memref<16xf32, #tpu.memory_space<hbm>>
      tpu.wait_dma2 semaphore(%run_scoped3A : memref<!tpu.dma_semaphore, #tpu.memory_space<semaphore_mem>>) src(%arg12 : memref<16xf32, #tpu.memory_space<vmem>>) dst(%dma_wait3A_51 : memref<16xf32, #tpu.memory_space<hbm>>)
      tpu.yield
    }) : () -> ()
    %dma_wait3A_32 = arith.constant 0 : i32
    %dma_wait3A_33 = tpu.memref_slice %arg5[%mul3A_2, %dma_wait3A_32] : memref<4096x64xf32, #tpu.memory_space<hbm>> -> memref<128x64xf32, #tpu.memory_space<hbm>>
    %dma_wait3A_34 = arith.constant 0 : i32
    %dma_wait3A_35 = tpu.memref_slice %arg5[%mul3A_2, %dma_wait3A_34] : memref<4096x64xf32, #tpu.memory_space<hbm>> -> memref<128x64xf32, #tpu.memory_space<hbm>>
    tpu.wait_dma2 semaphore(%arg13 : memref<!tpu.dma_semaphore, #tpu.memory_space<semaphore_mem>>) src(%arg11 : memref<128x64xf32, #tpu.memory_space<vmem>>) dst(%dma_wait3A_35 : memref<128x64xf32, #tpu.memory_space<hbm>>)
    %dma_wait3A_36 = arith.constant 0 : i32
    %dma_wait3A_37 = tpu.memref_slice %arg6[%mul3A_2, %dma_wait3A_36] : memref<4096x64xf32, #tpu.memory_space<hbm>> -> memref<128x64xf32, #tpu.memory_space<hbm>>
    %dma_wait3A_38 = arith.constant 0 : i32
    %dma_wait3A_39 = tpu.memref_slice %arg6[%mul3A_2, %dma_wait3A_38] : memref<4096x64xf32, #tpu.memory_space<hbm>> -> memref<128x64xf32, #tpu.memory_space<hbm>>
    tpu.wait_dma2 semaphore(%arg14 : memref<!tpu.dma_semaphore, #tpu.memory_space<semaphore_mem>>) src(%arg10 : memref<128x64xf32, #tpu.memory_space<vmem>>) dst(%dma_wait3A_39 : memref<128x64xf32, #tpu.memory_space<hbm>>)
    return
  }
}

#map = affine_map<(d0, d1) -> (0, 0)>
#map1 = affine_map<(d0, d1) -> (0)>
module attributes {stable_mosaic.version = 14 : i64} {
  func.func @_sc_body(%arg0: i32, %arg1: i32, %arg2: memref<8192x128xf32, #tpu.memory_space<hbm>>, %arg3: memref<4096xi32, #tpu.memory_space<hbm>>, %arg4: memref<4096x64xf32, #tpu.memory_space<hbm>>, %arg5: memref<4096x64xf32, #tpu.memory_space<hbm>>, %arg6: memref<4096x64xf32, #tpu.memory_space<hbm>>, %arg7: memref<32x16xf32, #tpu.memory_space<hbm>>, %arg8: memref<128xi32, #tpu.memory_space<vmem>>, %arg9: memref<128x128xf32, #tpu.memory_space<vmem>>, %arg10: memref<128x64xf32, #tpu.memory_space<vmem>>, %arg11: memref<128x64xf32, #tpu.memory_space<vmem>>, %arg12: memref<16xf32, #tpu.memory_space<vmem>>, %arg13: memref<!tpu.dma_semaphore, #tpu.memory_space<semaphore_mem>>, %arg14: memref<!tpu.dma_semaphore, #tpu.memory_space<semaphore_mem>>) attributes {dimension_semantics = [#tpu.dimension_semantics<core_parallel>, #tpu.dimension_semantics<subcore_parallel>], iteration_bounds = array<i64: 2, 16>, scalar_prefetch = 0 : i64, scratch_operands = 7 : i64, tpu.core_type = #tpu.core_type<sc_vector_subcore>, window_params = [{transform_indices = #map}, {transform_indices = #map1}, {transform_indices = #map}, {transform_indices = #map}, {transform_indices = #map}, {transform_indices = #map}]} {
    %mul3A = arith.constant 2 : i32
    %mul3A_0 = arith.muli %arg1, %mul3A : i32
    %add3A = arith.addi %mul3A_0, %arg0 : i32
    %mul3A_1 = arith.constant 128 : i32
    %mul3A_2 = arith.muli %add3A, %mul3A_1 : i32
    %dma_start3A = arith.constant 0 : i32
    %dma_start3A_3 = tpu.memref_slice %arg4[%mul3A_2, %dma_start3A] : memref<4096x64xf32, #tpu.memory_space<hbm>> -> memref<128x64xf32, #tpu.memory_space<hbm>>
    %dma_start3A_4 = arith.constant 0 : i32
    %dma_start3A_5 = tpu.memref_slice %arg4[%mul3A_2, %dma_start3A_4] : memref<4096x64xf32, #tpu.memory_space<hbm>> -> memref<128x64xf32, #tpu.memory_space<hbm>>
    tpu.enqueue_dma source(%dma_start3A_5 : memref<128x64xf32, #tpu.memory_space<hbm>>) target(%arg10 : memref<128x64xf32, #tpu.memory_space<vmem>>) target_semaphore(%arg14 : memref<!tpu.dma_semaphore, #tpu.memory_space<semaphore_mem>>)
    "tpu.region"() ({
      %run_scoped3A = tpu.sem_alloc : memref<!tpu.dma_semaphore, #tpu.memory_space<semaphore_mem>>
      %dma_start3A_40 = tpu.memref_slice %arg3[%mul3A_2] : memref<4096xi32, #tpu.memory_space<hbm>> -> memref<128xi32, #tpu.memory_space<hbm>>
      %dma_start3A_41 = tpu.memref_slice %arg3[%mul3A_2] : memref<4096xi32, #tpu.memory_space<hbm>> -> memref<128xi32, #tpu.memory_space<hbm>>
      tpu.enqueue_dma source(%dma_start3A_41 : memref<128xi32, #tpu.memory_space<hbm>>) target(%arg8 : memref<128xi32, #tpu.memory_space<vmem>>) target_semaphore(%run_scoped3A : memref<!tpu.dma_semaphore, #tpu.memory_space<semaphore_mem>>)
      %dma_wait3A_42 = tpu.memref_slice %arg3[%mul3A_2] : memref<4096xi32, #tpu.memory_space<hbm>> -> memref<128xi32, #tpu.memory_space<hbm>>
      %dma_wait3A_43 = tpu.memref_slice %arg3[%mul3A_2] : memref<4096xi32, #tpu.memory_space<hbm>> -> memref<128xi32, #tpu.memory_space<hbm>>
      tpu.wait_dma2 semaphore(%run_scoped3A : memref<!tpu.dma_semaphore, #tpu.memory_space<semaphore_mem>>) src(%dma_wait3A_43 : memref<128xi32, #tpu.memory_space<hbm>>) dst(%arg8 : memref<128xi32, #tpu.memory_space<vmem>>)
      tpu.yield
    }) : () -> ()
    %dma_start3A_6 = arith.constant 0 : i32
    %dma_start3A_7 = arith.constant 0 : i32
    %dma_start3A_8 = tpu.memref_slice %arg2[%dma_start3A_6, %dma_start3A_7] : memref<8192x128xf32, #tpu.memory_space<hbm>> -> memref<8192x128xf32, #tpu.memory_space<hbm>>
    tpu.enqueue_indirect_dma source(%dma_start3A_8 : memref<8192x128xf32, #tpu.memory_space<hbm>>) target(%arg9 : memref<128x128xf32, #tpu.memory_space<vmem>>) offsets(%arg8 : memref<128xi32, #tpu.memory_space<vmem>>) semaphore(%arg13 : memref<!tpu.dma_semaphore, #tpu.memory_space<semaphore_mem>>)
    %dma_wait3A = arith.constant 0 : i32
    %dma_wait3A_9 = tpu.memref_slice %arg4[%mul3A_2, %dma_wait3A] : memref<4096x64xf32, #tpu.memory_space<hbm>> -> memref<128x64xf32, #tpu.memory_space<hbm>>
    %dma_wait3A_10 = arith.constant 0 : i32
    %dma_wait3A_11 = tpu.memref_slice %arg4[%mul3A_2, %dma_wait3A_10] : memref<4096x64xf32, #tpu.memory_space<hbm>> -> memref<128x64xf32, #tpu.memory_space<hbm>>
    tpu.wait_dma2 semaphore(%arg14 : memref<!tpu.dma_semaphore, #tpu.memory_space<semaphore_mem>>) src(%dma_wait3A_11 : memref<128x64xf32, #tpu.memory_space<hbm>>) dst(%arg10 : memref<128x64xf32, #tpu.memory_space<vmem>>)
    %dma_wait3A_12 = arith.constant 0 : i32
    %dma_wait3A_13 = arith.constant 0 : i32
    %dma_wait3A_14 = tpu.memref_slice %arg2[%dma_wait3A_12, %dma_wait3A_13] : memref<8192x128xf32, #tpu.memory_space<hbm>> -> memref<8192x128xf32, #tpu.memory_space<hbm>>
    tpu.wait_indirect_dma semaphore(%arg13 : memref<!tpu.dma_semaphore, #tpu.memory_space<semaphore_mem>>) src(%dma_wait3A_14 : memref<8192x128xf32, #tpu.memory_space<hbm>>) dst(%arg9 : memref<128x128xf32, #tpu.memory_space<vmem>>)
    %broadcast_in_dim3A = arith.constant 0.000000e+00 : f32
    %broadcast_in_dim3A_15 = vector.broadcast %broadcast_in_dim3A : f32 to vector<16xf32>
    %scan3A = arith.constant 0 : i32
    %scan3A_16 = arith.constant 32 : i32
    %scan3A_17 = arith.addi %scan3A, %scan3A_16 : i32
    %scan3A_18 = arith.constant 1 : i32
    %scan3A_19 = scf.for %scan3A_40 = %scan3A to %scan3A_17 step %scan3A_18 iter_args(%scan3A_41 = %broadcast_in_dim3A_15) -> (vector<16xf32>)  : i32 {
      %mul3A_42 = arith.constant 4 : i32
      %mul3A_43 = arith.muli %scan3A_40, %mul3A_42 : i32
      %add3A_44 = arith.constant 0 : i32
      %add3A_45 = arith.addi %mul3A_43, %add3A_44 : i32
      %get3A = arith.index_cast %add3A_45 : i32 to index
      %get3A_46 = arith.constant 0 : index
      %get3A_47 = tpu.vector_load %arg9[%get3A, %get3A_46] {strides = array<i32>} : memref<128x128xf32, #tpu.memory_space<vmem>>, vector<1x16xf32>,
      %get3A_48 = vector.shape_cast %get3A_47 : vector<1x16xf32> to vector<16xf32>
      %get3A_49 = arith.index_cast %add3A_45 : i32 to index
      %get3A_50 = arith.constant 0 : index
      %get3A_51 = tpu.vector_load %arg10[%get3A_49, %get3A_50] {strides = array<i32>} : memref<128x64xf32, #tpu.memory_space<vmem>>, vector<1x16xf32>,
      %get3A_52 = vector.shape_cast %get3A_51 : vector<1x16xf32> to vector<16xf32>
      %sub3A = arith.subf %get3A_48, %get3A_52 : vector<16xf32>
      %mul3A_53 = arith.mulf %sub3A, %sub3A : vector<16xf32>
      %add3A_54 = arith.addf %scan3A_41, %mul3A_53 : vector<16xf32>
      %add3A_55 = arith.addf %get3A_52, %sub3A : vector<16xf32>
      %swap3A_56 = arith.index_cast %add3A_45 : i32 to index
      %swap3A_57 = arith.constant 0 : index
      %swap3A_58 = tpu.vector_load %arg11[%swap3A_56, %swap3A_57] {strides = array<i32>} : memref<128x64xf32, #tpu.memory_space<vmem>>, vector<1x16xf32>,
      %swap3A_59 = vector.shape_cast %swap3A_58 : vector<1x16xf32> to vector<16xf32>
      %swap3A_60 = vector.shape_cast %add3A_55 : vector<16xf32> to vector<1x16xf32>
      tpu.vector_store %arg11[%swap3A_56, %swap3A_57], %swap3A_60 {strides = array<i32>} : memref<128x64xf32, #tpu.memory_space<vmem>>, vector<1x16xf32>,
      %sub3A_61 = arith.subf %get3A_52, %add3A_55 : vector<16xf32>
      %swap3A_62 = arith.index_cast %add3A_45 : i32 to index
      %swap3A_63 = arith.constant 0 : index
      %swap3A_64 = tpu.vector_load %arg10[%swap3A_62, %swap3A_63] {strides = array<i32>} : memref<128x64xf32, #tpu.memory_space<vmem>>, vector<1x16xf32>,
      %swap3A_65 = vector.shape_cast %swap3A_64 : vector<1x16xf32> to vector<16xf32>
      %swap3A_66 = vector.shape_cast %sub3A_61 : vector<16xf32> to vector<1x16xf32>
      tpu.vector_store %arg10[%swap3A_62, %swap3A_63], %swap3A_66 {strides = array<i32>} : memref<128x64xf32, #tpu.memory_space<vmem>>, vector<1x16xf32>,
      %get3A_67 = arith.index_cast %add3A_45 : i32 to index
      %get3A_68 = arith.constant 16 : index
      %get3A_69 = tpu.vector_load %arg9[%get3A_67, %get3A_68] {strides = array<i32>} : memref<128x128xf32, #tpu.memory_space<vmem>>, vector<1x16xf32>,
      %get3A_70 = vector.shape_cast %get3A_69 : vector<1x16xf32> to vector<16xf32>
      %get3A_71 = arith.index_cast %add3A_45 : i32 to index
      %get3A_72 = arith.constant 16 : index
      %get3A_73 = tpu.vector_load %arg10[%get3A_71, %get3A_72] {strides = array<i32>} : memref<128x64xf32, #tpu.memory_space<vmem>>, vector<1x16xf32>,
      %get3A_74 = vector.shape_cast %get3A_73 : vector<1x16xf32> to vector<16xf32>
      %sub3A_75 = arith.subf %get3A_70, %get3A_74 : vector<16xf32>
      %mul3A_76 = arith.mulf %sub3A_75, %sub3A_75 : vector<16xf32>
      %add3A_77 = arith.addf %add3A_54, %mul3A_76 : vector<16xf32>
      %add3A_78 = arith.addf %get3A_74, %sub3A_75 : vector<16xf32>
      %swap3A_79 = arith.index_cast %add3A_45 : i32 to index
      %swap3A_80 = arith.constant 16 : index
      %swap3A_81 = tpu.vector_load %arg11[%swap3A_79, %swap3A_80] {strides = array<i32>} : memref<128x64xf32, #tpu.memory_space<vmem>>, vector<1x16xf32>,
      %swap3A_82 = vector.shape_cast %swap3A_81 : vector<1x16xf32> to vector<16xf32>
      %swap3A_83 = vector.shape_cast %add3A_78 : vector<16xf32> to vector<1x16xf32>
      tpu.vector_store %arg11[%swap3A_79, %swap3A_80], %swap3A_83 {strides = array<i32>} : memref<128x64xf32, #tpu.memory_space<vmem>>, vector<1x16xf32>,
      %sub3A_84 = arith.subf %get3A_74, %add3A_78 : vector<16xf32>
      %swap3A_85 = arith.index_cast %add3A_45 : i32 to index
      %swap3A_86 = arith.constant 16 : index
      %swap3A_87 = tpu.vector_load %arg10[%swap3A_85, %swap3A_86] {strides = array<i32>} : memref<128x64xf32, #tpu.memory_space<vmem>>, vector<1x16xf32>,
      %swap3A_88 = vector.shape_cast %swap3A_87 : vector<1x16xf32> to vector<16xf32>
      %swap3A_89 = vector.shape_cast %sub3A_84 : vector<16xf32> to vector<1x16xf32>
      tpu.vector_store %arg10[%swap3A_85, %swap3A_86], %swap3A_89 {strides = array<i32>} : memref<128x64xf32, #tpu.memory_space<vmem>>, vector<1x16xf32>,
      %get3A_90 = arith.index_cast %add3A_45 : i32 to index
      %get3A_91 = arith.constant 32 : index
      %get3A_92 = tpu.vector_load %arg9[%get3A_90, %get3A_91] {strides = array<i32>} : memref<128x128xf32, #tpu.memory_space<vmem>>, vector<1x16xf32>,
      %get3A_93 = vector.shape_cast %get3A_92 : vector<1x16xf32> to vector<16xf32>
      %get3A_94 = arith.index_cast %add3A_45 : i32 to index
      %get3A_95 = arith.constant 32 : index
      %get3A_96 = tpu.vector_load %arg10[%get3A_94, %get3A_95] {strides = array<i32>} : memref<128x64xf32, #tpu.memory_space<vmem>>, vector<1x16xf32>,
      %get3A_97 = vector.shape_cast %get3A_96 : vector<1x16xf32> to vector<16xf32>
      %sub3A_98 = arith.subf %get3A_93, %get3A_97 : vector<16xf32>
      %mul3A_99 = arith.mulf %sub3A_98, %sub3A_98 : vector<16xf32>
      %add3A_100 = arith.addf %add3A_77, %mul3A_99 : vector<16xf32>
      %add3A_101 = arith.addf %get3A_97, %sub3A_98 : vector<16xf32>
      %swap3A_102 = arith.index_cast %add3A_45 : i32 to index
      %swap3A_103 = arith.constant 32 : index
      %swap3A_104 = tpu.vector_load %arg11[%swap3A_102, %swap3A_103] {strides = array<i32>} : memref<128x64xf32, #tpu.memory_space<vmem>>, vector<1x16xf32>,
      %swap3A_105 = vector.shape_cast %swap3A_104 : vector<1x16xf32> to vector<16xf32>
      %swap3A_106 = vector.shape_cast %add3A_101 : vector<16xf32> to vector<1x16xf32>
      tpu.vector_store %arg11[%swap3A_102, %swap3A_103], %swap3A_106 {strides = array<i32>} : memref<128x64xf32, #tpu.memory_space<vmem>>, vector<1x16xf32>,
      %sub3A_107 = arith.subf %get3A_97, %add3A_101 : vector<16xf32>
      %swap3A_108 = arith.index_cast %add3A_45 : i32 to index
      %swap3A_109 = arith.constant 32 : index
      %swap3A_110 = tpu.vector_load %arg10[%swap3A_108, %swap3A_109] {strides = array<i32>} : memref<128x64xf32, #tpu.memory_space<vmem>>, vector<1x16xf32>,
      %swap3A_111 = vector.shape_cast %swap3A_110 : vector<1x16xf32> to vector<16xf32>
      %swap3A_112 = vector.shape_cast %sub3A_107 : vector<16xf32> to vector<1x16xf32>
      tpu.vector_store %arg10[%swap3A_108, %swap3A_109], %swap3A_112 {strides = array<i32>} : memref<128x64xf32, #tpu.memory_space<vmem>>, vector<1x16xf32>,
      %get3A_113 = arith.index_cast %add3A_45 : i32 to index
      %get3A_114 = arith.constant 48 : index
      %get3A_115 = tpu.vector_load %arg9[%get3A_113, %get3A_114] {strides = array<i32>} : memref<128x128xf32, #tpu.memory_space<vmem>>, vector<1x16xf32>,
      %get3A_116 = vector.shape_cast %get3A_115 : vector<1x16xf32> to vector<16xf32>
      %get3A_117 = arith.index_cast %add3A_45 : i32 to index
      %get3A_118 = arith.constant 48 : index
      %get3A_119 = tpu.vector_load %arg10[%get3A_117, %get3A_118] {strides = array<i32>} : memref<128x64xf32, #tpu.memory_space<vmem>>, vector<1x16xf32>,
      %get3A_120 = vector.shape_cast %get3A_119 : vector<1x16xf32> to vector<16xf32>
      %sub3A_121 = arith.subf %get3A_116, %get3A_120 : vector<16xf32>
      %mul3A_122 = arith.mulf %sub3A_121, %sub3A_121 : vector<16xf32>
      %add3A_123 = arith.addf %add3A_100, %mul3A_122 : vector<16xf32>
      %add3A_124 = arith.addf %get3A_120, %sub3A_121 : vector<16xf32>
      %swap3A_125 = arith.index_cast %add3A_45 : i32 to index
      %swap3A_126 = arith.constant 48 : index
      %swap3A_127 = tpu.vector_load %arg11[%swap3A_125, %swap3A_126] {strides = array<i32>} : memref<128x64xf32, #tpu.memory_space<vmem>>, vector<1x16xf32>,
      %swap3A_128 = vector.shape_cast %swap3A_127 : vector<1x16xf32> to vector<16xf32>
      %swap3A_129 = vector.shape_cast %add3A_124 : vector<16xf32> to vector<1x16xf32>
      tpu.vector_store %arg11[%swap3A_125, %swap3A_126], %swap3A_129 {strides = array<i32>} : memref<128x64xf32, #tpu.memory_space<vmem>>, vector<1x16xf32>,
      %sub3A_130 = arith.subf %get3A_120, %add3A_124 : vector<16xf32>
      %swap3A_131 = arith.index_cast %add3A_45 : i32 to index
      %swap3A_132 = arith.constant 48 : index
      %swap3A_133 = tpu.vector_load %arg10[%swap3A_131, %swap3A_132] {strides = array<i32>} : memref<128x64xf32, #tpu.memory_space<vmem>>, vector<1x16xf32>,
      %swap3A_134 = vector.shape_cast %swap3A_133 : vector<1x16xf32> to vector<16xf32>
      %swap3A_135 = vector.shape_cast %sub3A_130 : vector<16xf32> to vector<1x16xf32>
      tpu.vector_store %arg10[%swap3A_131, %swap3A_132], %swap3A_135 {strides = array<i32>} : memref<128x64xf32, #tpu.memory_space<vmem>>, vector<1x16xf32>,
      %mul3A_136 = arith.constant 4 : i32
      %mul3A_137 = arith.muli %scan3A_40, %mul3A_136 : i32
      %add3A_138 = arith.constant 1 : i32
      %add3A_139 = arith.addi %mul3A_137, %add3A_138 : i32
      %get3A_140 = arith.index_cast %add3A_139 : i32 to index
      %get3A_141 = arith.constant 0 : index
      %get3A_142 = tpu.vector_load %arg9[%get3A_140, %get3A_141] {strides = array<i32>} : memref<128x128xf32, #tpu.memory_space<vmem>>, vector<1x16xf32>,
      %get3A_143 = vector.shape_cast %get3A_142 : vector<1x16xf32> to vector<16xf32>
      %get3A_144 = arith.index_cast %add3A_139 : i32 to index
      %get3A_145 = arith.constant 0 : index
      %get3A_146 = tpu.vector_load %arg10[%get3A_144, %get3A_145] {strides = array<i32>} : memref<128x64xf32, #tpu.memory_space<vmem>>, vector<1x16xf32>,
      %get3A_147 = vector.shape_cast %get3A_146 : vector<1x16xf32> to vector<16xf32>
      %sub3A_148 = arith.subf %get3A_143, %get3A_147 : vector<16xf32>
      %mul3A_149 = arith.mulf %sub3A_148, %sub3A_148 : vector<16xf32>
      %add3A_150 = arith.addf %add3A_123, %mul3A_149 : vector<16xf32>
      %add3A_151 = arith.addf %get3A_147, %sub3A_148 : vector<16xf32>
      %swap3A_152 = arith.index_cast %add3A_139 : i32 to index
      %swap3A_153 = arith.constant 0 : index
      %swap3A_154 = tpu.vector_load %arg11[%swap3A_152, %swap3A_153] {strides = array<i32>} : memref<128x64xf32, #tpu.memory_space<vmem>>, vector<1x16xf32>,
      %swap3A_155 = vector.shape_cast %swap3A_154 : vector<1x16xf32> to vector<16xf32>
      %swap3A_156 = vector.shape_cast %add3A_151 : vector<16xf32> to vector<1x16xf32>
      tpu.vector_store %arg11[%swap3A_152, %swap3A_153], %swap3A_156 {strides = array<i32>} : memref<128x64xf32, #tpu.memory_space<vmem>>, vector<1x16xf32>,
      %sub3A_157 = arith.subf %get3A_147, %add3A_151 : vector<16xf32>
      %swap3A_158 = arith.index_cast %add3A_139 : i32 to index
      %swap3A_159 = arith.constant 0 : index
      %swap3A_160 = tpu.vector_load %arg10[%swap3A_158, %swap3A_159] {strides = array<i32>} : memref<128x64xf32, #tpu.memory_space<vmem>>, vector<1x16xf32>,
      %swap3A_161 = vector.shape_cast %swap3A_160 : vector<1x16xf32> to vector<16xf32>
      %swap3A_162 = vector.shape_cast %sub3A_157 : vector<16xf32> to vector<1x16xf32>
      tpu.vector_store %arg10[%swap3A_158, %swap3A_159], %swap3A_162 {strides = array<i32>} : memref<128x64xf32, #tpu.memory_space<vmem>>, vector<1x16xf32>,
      %get3A_163 = arith.index_cast %add3A_139 : i32 to index
      %get3A_164 = arith.constant 16 : index
      %get3A_165 = tpu.vector_load %arg9[%get3A_163, %get3A_164] {strides = array<i32>} : memref<128x128xf32, #tpu.memory_space<vmem>>, vector<1x16xf32>,
      %get3A_166 = vector.shape_cast %get3A_165 : vector<1x16xf32> to vector<16xf32>
      %get3A_167 = arith.index_cast %add3A_139 : i32 to index
      %get3A_168 = arith.constant 16 : index
      %get3A_169 = tpu.vector_load %arg10[%get3A_167, %get3A_168] {strides = array<i32>} : memref<128x64xf32, #tpu.memory_space<vmem>>, vector<1x16xf32>,
      %get3A_170 = vector.shape_cast %get3A_169 : vector<1x16xf32> to vector<16xf32>
      %sub3A_171 = arith.subf %get3A_166, %get3A_170 : vector<16xf32>
      %mul3A_172 = arith.mulf %sub3A_171, %sub3A_171 : vector<16xf32>
      %add3A_173 = arith.addf %add3A_150, %mul3A_172 : vector<16xf32>
      %add3A_174 = arith.addf %get3A_170, %sub3A_171 : vector<16xf32>
      %swap3A_175 = arith.index_cast %add3A_139 : i32 to index
      %swap3A_176 = arith.constant 16 : index
      %swap3A_177 = tpu.vector_load %arg11[%swap3A_175, %swap3A_176] {strides = array<i32>} : memref<128x64xf32, #tpu.memory_space<vmem>>, vector<1x16xf32>,
      %swap3A_178 = vector.shape_cast %swap3A_177 : vector<1x16xf32> to vector<16xf32>
      %swap3A_179 = vector.shape_cast %add3A_174 : vector<16xf32> to vector<1x16xf32>
      tpu.vector_store %arg11[%swap3A_175, %swap3A_176], %swap3A_179 {strides = array<i32>} : memref<128x64xf32, #tpu.memory_space<vmem>>, vector<1x16xf32>,
      %sub3A_180 = arith.subf %get3A_170, %add3A_174 : vector<16xf32>
      %swap3A_181 = arith.index_cast %add3A_139 : i32 to index
      %swap3A_182 = arith.constant 16 : index
      %swap3A_183 = tpu.vector_load %arg10[%swap3A_181, %swap3A_182] {strides = array<i32>} : memref<128x64xf32, #tpu.memory_space<vmem>>, vector<1x16xf32>,
      %swap3A_184 = vector.shape_cast %swap3A_183 : vector<1x16xf32> to vector<16xf32>
      %swap3A_185 = vector.shape_cast %sub3A_180 : vector<16xf32> to vector<1x16xf32>
      tpu.vector_store %arg10[%swap3A_181, %swap3A_182], %swap3A_185 {strides = array<i32>} : memref<128x64xf32, #tpu.memory_space<vmem>>, vector<1x16xf32>,
      %get3A_186 = arith.index_cast %add3A_139 : i32 to index
      %get3A_187 = arith.constant 32 : index
      %get3A_188 = tpu.vector_load %arg9[%get3A_186, %get3A_187] {strides = array<i32>} : memref<128x128xf32, #tpu.memory_space<vmem>>, vector<1x16xf32>,
      %get3A_189 = vector.shape_cast %get3A_188 : vector<1x16xf32> to vector<16xf32>
      %get3A_190 = arith.index_cast %add3A_139 : i32 to index
      %get3A_191 = arith.constant 32 : index
      %get3A_192 = tpu.vector_load %arg10[%get3A_190, %get3A_191] {strides = array<i32>} : memref<128x64xf32, #tpu.memory_space<vmem>>, vector<1x16xf32>,
      %get3A_193 = vector.shape_cast %get3A_192 : vector<1x16xf32> to vector<16xf32>
      %sub3A_194 = arith.subf %get3A_189, %get3A_193 : vector<16xf32>
      %mul3A_195 = arith.mulf %sub3A_194, %sub3A_194 : vector<16xf32>
      %add3A_196 = arith.addf %add3A_173, %mul3A_195 : vector<16xf32>
      %add3A_197 = arith.addf %get3A_193, %sub3A_194 : vector<16xf32>
      %swap3A_198 = arith.index_cast %add3A_139 : i32 to index
      %swap3A_199 = arith.constant 32 : index
      %swap3A_200 = tpu.vector_load %arg11[%swap3A_198, %swap3A_199] {strides = array<i32>} : memref<128x64xf32, #tpu.memory_space<vmem>>, vector<1x16xf32>,
      %swap3A_201 = vector.shape_cast %swap3A_200 : vector<1x16xf32> to vector<16xf32>
      %swap3A_202 = vector.shape_cast %add3A_197 : vector<16xf32> to vector<1x16xf32>
      tpu.vector_store %arg11[%swap3A_198, %swap3A_199], %swap3A_202 {strides = array<i32>} : memref<128x64xf32, #tpu.memory_space<vmem>>, vector<1x16xf32>,
      %sub3A_203 = arith.subf %get3A_193, %add3A_197 : vector<16xf32>
      %swap3A_204 = arith.index_cast %add3A_139 : i32 to index
      %swap3A_205 = arith.constant 32 : index
      %swap3A_206 = tpu.vector_load %arg10[%swap3A_204, %swap3A_205] {strides = array<i32>} : memref<128x64xf32, #tpu.memory_space<vmem>>, vector<1x16xf32>,
      %swap3A_207 = vector.shape_cast %swap3A_206 : vector<1x16xf32> to vector<16xf32>
      %swap3A_208 = vector.shape_cast %sub3A_203 : vector<16xf32> to vector<1x16xf32>
      tpu.vector_store %arg10[%swap3A_204, %swap3A_205], %swap3A_208 {strides = array<i32>} : memref<128x64xf32, #tpu.memory_space<vmem>>, vector<1x16xf32>,
      %get3A_209 = arith.index_cast %add3A_139 : i32 to index
      %get3A_210 = arith.constant 48 : index
      %get3A_211 = tpu.vector_load %arg9[%get3A_209, %get3A_210] {strides = array<i32>} : memref<128x128xf32, #tpu.memory_space<vmem>>, vector<1x16xf32>,
      %get3A_212 = vector.shape_cast %get3A_211 : vector<1x16xf32> to vector<16xf32>
      %get3A_213 = arith.index_cast %add3A_139 : i32 to index
      %get3A_214 = arith.constant 48 : index
      %get3A_215 = tpu.vector_load %arg10[%get3A_213, %get3A_214] {strides = array<i32>} : memref<128x64xf32, #tpu.memory_space<vmem>>, vector<1x16xf32>,
      %get3A_216 = vector.shape_cast %get3A_215 : vector<1x16xf32> to vector<16xf32>
      %sub3A_217 = arith.subf %get3A_212, %get3A_216 : vector<16xf32>
      %mul3A_218 = arith.mulf %sub3A_217, %sub3A_217 : vector<16xf32>
      %add3A_219 = arith.addf %add3A_196, %mul3A_218 : vector<16xf32>
      %add3A_220 = arith.addf %get3A_216, %sub3A_217 : vector<16xf32>
      %swap3A_221 = arith.index_cast %add3A_139 : i32 to index
      %swap3A_222 = arith.constant 48 : index
      %swap3A_223 = tpu.vector_load %arg11[%swap3A_221, %swap3A_222] {strides = array<i32>} : memref<128x64xf32, #tpu.memory_space<vmem>>, vector<1x16xf32>,
      %swap3A_224 = vector.shape_cast %swap3A_223 : vector<1x16xf32> to vector<16xf32>
      %swap3A_225 = vector.shape_cast %add3A_220 : vector<16xf32> to vector<1x16xf32>
      tpu.vector_store %arg11[%swap3A_221, %swap3A_222], %swap3A_225 {strides = array<i32>} : memref<128x64xf32, #tpu.memory_space<vmem>>, vector<1x16xf32>,
      %sub3A_226 = arith.subf %get3A_216, %add3A_220 : vector<16xf32>
      %swap3A_227 = arith.index_cast %add3A_139 : i32 to index
      %swap3A_228 = arith.constant 48 : index
      %swap3A_229 = tpu.vector_load %arg10[%swap3A_227, %swap3A_228] {strides = array<i32>} : memref<128x64xf32, #tpu.memory_space<vmem>>, vector<1x16xf32>,
      %swap3A_230 = vector.shape_cast %swap3A_229 : vector<1x16xf32> to vector<16xf32>
      %swap3A_231 = vector.shape_cast %sub3A_226 : vector<16xf32> to vector<1x16xf32>
      tpu.vector_store %arg10[%swap3A_227, %swap3A_228], %swap3A_231 {strides = array<i32>} : memref<128x64xf32, #tpu.memory_space<vmem>>, vector<1x16xf32>,
      %mul3A_232 = arith.constant 4 : i32
      %mul3A_233 = arith.muli %scan3A_40, %mul3A_232 : i32
      %add3A_234 = arith.constant 2 : i32
      %add3A_235 = arith.addi %mul3A_233, %add3A_234 : i32
      %get3A_236 = arith.index_cast %add3A_235 : i32 to index
      %get3A_237 = arith.constant 0 : index
      %get3A_238 = tpu.vector_load %arg9[%get3A_236, %get3A_237] {strides = array<i32>} : memref<128x128xf32, #tpu.memory_space<vmem>>, vector<1x16xf32>,
      %get3A_239 = vector.shape_cast %get3A_238 : vector<1x16xf32> to vector<16xf32>
      %get3A_240 = arith.index_cast %add3A_235 : i32 to index
      %get3A_241 = arith.constant 0 : index
      %get3A_242 = tpu.vector_load %arg10[%get3A_240, %get3A_241] {strides = array<i32>} : memref<128x64xf32, #tpu.memory_space<vmem>>, vector<1x16xf32>,
      %get3A_243 = vector.shape_cast %get3A_242 : vector<1x16xf32> to vector<16xf32>
      %sub3A_244 = arith.subf %get3A_239, %get3A_243 : vector<16xf32>
      %mul3A_245 = arith.mulf %sub3A_244, %sub3A_244 : vector<16xf32>
      %add3A_246 = arith.addf %add3A_219, %mul3A_245 : vector<16xf32>
      %add3A_247 = arith.addf %get3A_243, %sub3A_244 : vector<16xf32>
      %swap3A_248 = arith.index_cast %add3A_235 : i32 to index
      %swap3A_249 = arith.constant 0 : index
      %swap3A_250 = tpu.vector_load %arg11[%swap3A_248, %swap3A_249] {strides = array<i32>} : memref<128x64xf32, #tpu.memory_space<vmem>>, vector<1x16xf32>,
      %swap3A_251 = vector.shape_cast %swap3A_250 : vector<1x16xf32> to vector<16xf32>
      %swap3A_252 = vector.shape_cast %add3A_247 : vector<16xf32> to vector<1x16xf32>
      tpu.vector_store %arg11[%swap3A_248, %swap3A_249], %swap3A_252 {strides = array<i32>} : memref<128x64xf32, #tpu.memory_space<vmem>>, vector<1x16xf32>,
      %sub3A_253 = arith.subf %get3A_243, %add3A_247 : vector<16xf32>
      %swap3A_254 = arith.index_cast %add3A_235 : i32 to index
      %swap3A_255 = arith.constant 0 : index
      %swap3A_256 = tpu.vector_load %arg10[%swap3A_254, %swap3A_255] {strides = array<i32>} : memref<128x64xf32, #tpu.memory_space<vmem>>, vector<1x16xf32>,
      %swap3A_257 = vector.shape_cast %swap3A_256 : vector<1x16xf32> to vector<16xf32>
      %swap3A_258 = vector.shape_cast %sub3A_253 : vector<16xf32> to vector<1x16xf32>
      tpu.vector_store %arg10[%swap3A_254, %swap3A_255], %swap3A_258 {strides = array<i32>} : memref<128x64xf32, #tpu.memory_space<vmem>>, vector<1x16xf32>,
      %get3A_259 = arith.index_cast %add3A_235 : i32 to index
      %get3A_260 = arith.constant 16 : index
      %get3A_261 = tpu.vector_load %arg9[%get3A_259, %get3A_260] {strides = array<i32>} : memref<128x128xf32, #tpu.memory_space<vmem>>, vector<1x16xf32>,
      %get3A_262 = vector.shape_cast %get3A_261 : vector<1x16xf32> to vector<16xf32>
      %get3A_263 = arith.index_cast %add3A_235 : i32 to index
      %get3A_264 = arith.constant 16 : index
      %get3A_265 = tpu.vector_load %arg10[%get3A_263, %get3A_264] {strides = array<i32>} : memref<128x64xf32, #tpu.memory_space<vmem>>, vector<1x16xf32>,
      %get3A_266 = vector.shape_cast %get3A_265 : vector<1x16xf32> to vector<16xf32>
      %sub3A_267 = arith.subf %get3A_262, %get3A_266 : vector<16xf32>
      %mul3A_268 = arith.mulf %sub3A_267, %sub3A_267 : vector<16xf32>
      %add3A_269 = arith.addf %add3A_246, %mul3A_268 : vector<16xf32>
      %add3A_270 = arith.addf %get3A_266, %sub3A_267 : vector<16xf32>
      %swap3A_271 = arith.index_cast %add3A_235 : i32 to index
      %swap3A_272 = arith.constant 16 : index
      %swap3A_273 = tpu.vector_load %arg11[%swap3A_271, %swap3A_272] {strides = array<i32>} : memref<128x64xf32, #tpu.memory_space<vmem>>, vector<1x16xf32>,
      %swap3A_274 = vector.shape_cast %swap3A_273 : vector<1x16xf32> to vector<16xf32>
      %swap3A_275 = vector.shape_cast %add3A_270 : vector<16xf32> to vector<1x16xf32>
      tpu.vector_store %arg11[%swap3A_271, %swap3A_272], %swap3A_275 {strides = array<i32>} : memref<128x64xf32, #tpu.memory_space<vmem>>, vector<1x16xf32>,
      %sub3A_276 = arith.subf %get3A_266, %add3A_270 : vector<16xf32>
      %swap3A_277 = arith.index_cast %add3A_235 : i32 to index
      %swap3A_278 = arith.constant 16 : index
      %swap3A_279 = tpu.vector_load %arg10[%swap3A_277, %swap3A_278] {strides = array<i32>} : memref<128x64xf32, #tpu.memory_space<vmem>>, vector<1x16xf32>,
      %swap3A_280 = vector.shape_cast %swap3A_279 : vector<1x16xf32> to vector<16xf32>
      %swap3A_281 = vector.shape_cast %sub3A_276 : vector<16xf32> to vector<1x16xf32>
      tpu.vector_store %arg10[%swap3A_277, %swap3A_278], %swap3A_281 {strides = array<i32>} : memref<128x64xf32, #tpu.memory_space<vmem>>, vector<1x16xf32>,
      %get3A_282 = arith.index_cast %add3A_235 : i32 to index
      %get3A_283 = arith.constant 32 : index
      %get3A_284 = tpu.vector_load %arg9[%get3A_282, %get3A_283] {strides = array<i32>} : memref<128x128xf32, #tpu.memory_space<vmem>>, vector<1x16xf32>,
      %get3A_285 = vector.shape_cast %get3A_284 : vector<1x16xf32> to vector<16xf32>
      %get3A_286 = arith.index_cast %add3A_235 : i32 to index
      %get3A_287 = arith.constant 32 : index
      %get3A_288 = tpu.vector_load %arg10[%get3A_286, %get3A_287] {strides = array<i32>} : memref<128x64xf32, #tpu.memory_space<vmem>>, vector<1x16xf32>,
      %get3A_289 = vector.shape_cast %get3A_288 : vector<1x16xf32> to vector<16xf32>
      %sub3A_290 = arith.subf %get3A_285, %get3A_289 : vector<16xf32>
      %mul3A_291 = arith.mulf %sub3A_290, %sub3A_290 : vector<16xf32>
      %add3A_292 = arith.addf %add3A_269, %mul3A_291 : vector<16xf32>
      %add3A_293 = arith.addf %get3A_289, %sub3A_290 : vector<16xf32>
      %swap3A_294 = arith.index_cast %add3A_235 : i32 to index
      %swap3A_295 = arith.constant 32 : index
      %swap3A_296 = tpu.vector_load %arg11[%swap3A_294, %swap3A_295] {strides = array<i32>} : memref<128x64xf32, #tpu.memory_space<vmem>>, vector<1x16xf32>,
      %swap3A_297 = vector.shape_cast %swap3A_296 : vector<1x16xf32> to vector<16xf32>
      %swap3A_298 = vector.shape_cast %add3A_293 : vector<16xf32> to vector<1x16xf32>
      tpu.vector_store %arg11[%swap3A_294, %swap3A_295], %swap3A_298 {strides = array<i32>} : memref<128x64xf32, #tpu.memory_space<vmem>>, vector<1x16xf32>,
      %sub3A_299 = arith.subf %get3A_289, %add3A_293 : vector<16xf32>
      %swap3A_300 = arith.index_cast %add3A_235 : i32 to index
      %swap3A_301 = arith.constant 32 : index
      %swap3A_302 = tpu.vector_load %arg10[%swap3A_300, %swap3A_301] {strides = array<i32>} : memref<128x64xf32, #tpu.memory_space<vmem>>, vector<1x16xf32>,
      %swap3A_303 = vector.shape_cast %swap3A_302 : vector<1x16xf32> to vector<16xf32>
      %swap3A_304 = vector.shape_cast %sub3A_299 : vector<16xf32> to vector<1x16xf32>
      tpu.vector_store %arg10[%swap3A_300, %swap3A_301], %swap3A_304 {strides = array<i32>} : memref<128x64xf32, #tpu.memory_space<vmem>>, vector<1x16xf32>,
      %get3A_305 = arith.index_cast %add3A_235 : i32 to index
      %get3A_306 = arith.constant 48 : index
      %get3A_307 = tpu.vector_load %arg9[%get3A_305, %get3A_306] {strides = array<i32>} : memref<128x128xf32, #tpu.memory_space<vmem>>, vector<1x16xf32>,
      %get3A_308 = vector.shape_cast %get3A_307 : vector<1x16xf32> to vector<16xf32>
      %get3A_309 = arith.index_cast %add3A_235 : i32 to index
      %get3A_310 = arith.constant 48 : index
      %get3A_311 = tpu.vector_load %arg10[%get3A_309, %get3A_310] {strides = array<i32>} : memref<128x64xf32, #tpu.memory_space<vmem>>, vector<1x16xf32>,
      %get3A_312 = vector.shape_cast %get3A_311 : vector<1x16xf32> to vector<16xf32>
      %sub3A_313 = arith.subf %get3A_308, %get3A_312 : vector<16xf32>
      %mul3A_314 = arith.mulf %sub3A_313, %sub3A_313 : vector<16xf32>
      %add3A_315 = arith.addf %add3A_292, %mul3A_314 : vector<16xf32>
      %add3A_316 = arith.addf %get3A_312, %sub3A_313 : vector<16xf32>
      %swap3A_317 = arith.index_cast %add3A_235 : i32 to index
      %swap3A_318 = arith.constant 48 : index
      %swap3A_319 = tpu.vector_load %arg11[%swap3A_317, %swap3A_318] {strides = array<i32>} : memref<128x64xf32, #tpu.memory_space<vmem>>, vector<1x16xf32>,
      %swap3A_320 = vector.shape_cast %swap3A_319 : vector<1x16xf32> to vector<16xf32>
      %swap3A_321 = vector.shape_cast %add3A_316 : vector<16xf32> to vector<1x16xf32>
      tpu.vector_store %arg11[%swap3A_317, %swap3A_318], %swap3A_321 {strides = array<i32>} : memref<128x64xf32, #tpu.memory_space<vmem>>, vector<1x16xf32>,
      %sub3A_322 = arith.subf %get3A_312, %add3A_316 : vector<16xf32>
      %swap3A_323 = arith.index_cast %add3A_235 : i32 to index
      %swap3A_324 = arith.constant 48 : index
      %swap3A_325 = tpu.vector_load %arg10[%swap3A_323, %swap3A_324] {strides = array<i32>} : memref<128x64xf32, #tpu.memory_space<vmem>>, vector<1x16xf32>,
      %swap3A_326 = vector.shape_cast %swap3A_325 : vector<1x16xf32> to vector<16xf32>
      %swap3A_327 = vector.shape_cast %sub3A_322 : vector<16xf32> to vector<1x16xf32>
      tpu.vector_store %arg10[%swap3A_323, %swap3A_324], %swap3A_327 {strides = array<i32>} : memref<128x64xf32, #tpu.memory_space<vmem>>, vector<1x16xf32>,
      %mul3A_328 = arith.constant 4 : i32
      %mul3A_329 = arith.muli %scan3A_40, %mul3A_328 : i32
      %add3A_330 = arith.constant 3 : i32
      %add3A_331 = arith.addi %mul3A_329, %add3A_330 : i32
      %get3A_332 = arith.index_cast %add3A_331 : i32 to index
      %get3A_333 = arith.constant 0 : index
      %get3A_334 = tpu.vector_load %arg9[%get3A_332, %get3A_333] {strides = array<i32>} : memref<128x128xf32, #tpu.memory_space<vmem>>, vector<1x16xf32>,
      %get3A_335 = vector.shape_cast %get3A_334 : vector<1x16xf32> to vector<16xf32>
      %get3A_336 = arith.index_cast %add3A_331 : i32 to index
      %get3A_337 = arith.constant 0 : index
      %get3A_338 = tpu.vector_load %arg10[%get3A_336, %get3A_337] {strides = array<i32>} : memref<128x64xf32, #tpu.memory_space<vmem>>, vector<1x16xf32>,
      %get3A_339 = vector.shape_cast %get3A_338 : vector<1x16xf32> to vector<16xf32>
      %sub3A_340 = arith.subf %get3A_335, %get3A_339 : vector<16xf32>
      %mul3A_341 = arith.mulf %sub3A_340, %sub3A_340 : vector<16xf32>
      %add3A_342 = arith.addf %add3A_315, %mul3A_341 : vector<16xf32>
      %add3A_343 = arith.addf %get3A_339, %sub3A_340 : vector<16xf32>
      %swap3A_344 = arith.index_cast %add3A_331 : i32 to index
      %swap3A_345 = arith.constant 0 : index
      %swap3A_346 = tpu.vector_load %arg11[%swap3A_344, %swap3A_345] {strides = array<i32>} : memref<128x64xf32, #tpu.memory_space<vmem>>, vector<1x16xf32>,
      %swap3A_347 = vector.shape_cast %swap3A_346 : vector<1x16xf32> to vector<16xf32>
      %swap3A_348 = vector.shape_cast %add3A_343 : vector<16xf32> to vector<1x16xf32>
      tpu.vector_store %arg11[%swap3A_344, %swap3A_345], %swap3A_348 {strides = array<i32>} : memref<128x64xf32, #tpu.memory_space<vmem>>, vector<1x16xf32>,
      %sub3A_349 = arith.subf %get3A_339, %add3A_343 : vector<16xf32>
      %swap3A_350 = arith.index_cast %add3A_331 : i32 to index
      %swap3A_351 = arith.constant 0 : index
      %swap3A_352 = tpu.vector_load %arg10[%swap3A_350, %swap3A_351] {strides = array<i32>} : memref<128x64xf32, #tpu.memory_space<vmem>>, vector<1x16xf32>,
      %swap3A_353 = vector.shape_cast %swap3A_352 : vector<1x16xf32> to vector<16xf32>
      %swap3A_354 = vector.shape_cast %sub3A_349 : vector<16xf32> to vector<1x16xf32>
      tpu.vector_store %arg10[%swap3A_350, %swap3A_351], %swap3A_354 {strides = array<i32>} : memref<128x64xf32, #tpu.memory_space<vmem>>, vector<1x16xf32>,
      %get3A_355 = arith.index_cast %add3A_331 : i32 to index
      %get3A_356 = arith.constant 16 : index
      %get3A_357 = tpu.vector_load %arg9[%get3A_355, %get3A_356] {strides = array<i32>} : memref<128x128xf32, #tpu.memory_space<vmem>>, vector<1x16xf32>,
      %get3A_358 = vector.shape_cast %get3A_357 : vector<1x16xf32> to vector<16xf32>
      %get3A_359 = arith.index_cast %add3A_331 : i32 to index
      %get3A_360 = arith.constant 16 : index
      %get3A_361 = tpu.vector_load %arg10[%get3A_359, %get3A_360] {strides = array<i32>} : memref<128x64xf32, #tpu.memory_space<vmem>>, vector<1x16xf32>,
      %get3A_362 = vector.shape_cast %get3A_361 : vector<1x16xf32> to vector<16xf32>
      %sub3A_363 = arith.subf %get3A_358, %get3A_362 : vector<16xf32>
      %mul3A_364 = arith.mulf %sub3A_363, %sub3A_363 : vector<16xf32>
      %add3A_365 = arith.addf %add3A_342, %mul3A_364 : vector<16xf32>
      %add3A_366 = arith.addf %get3A_362, %sub3A_363 : vector<16xf32>
      %swap3A_367 = arith.index_cast %add3A_331 : i32 to index
      %swap3A_368 = arith.constant 16 : index
      %swap3A_369 = tpu.vector_load %arg11[%swap3A_367, %swap3A_368] {strides = array<i32>} : memref<128x64xf32, #tpu.memory_space<vmem>>, vector<1x16xf32>,
      %swap3A_370 = vector.shape_cast %swap3A_369 : vector<1x16xf32> to vector<16xf32>
      %swap3A_371 = vector.shape_cast %add3A_366 : vector<16xf32> to vector<1x16xf32>
      tpu.vector_store %arg11[%swap3A_367, %swap3A_368], %swap3A_371 {strides = array<i32>} : memref<128x64xf32, #tpu.memory_space<vmem>>, vector<1x16xf32>,
      %sub3A_372 = arith.subf %get3A_362, %add3A_366 : vector<16xf32>
      %swap3A_373 = arith.index_cast %add3A_331 : i32 to index
      %swap3A_374 = arith.constant 16 : index
      %swap3A_375 = tpu.vector_load %arg10[%swap3A_373, %swap3A_374] {strides = array<i32>} : memref<128x64xf32, #tpu.memory_space<vmem>>, vector<1x16xf32>,
      %swap3A_376 = vector.shape_cast %swap3A_375 : vector<1x16xf32> to vector<16xf32>
      %swap3A_377 = vector.shape_cast %sub3A_372 : vector<16xf32> to vector<1x16xf32>
      tpu.vector_store %arg10[%swap3A_373, %swap3A_374], %swap3A_377 {strides = array<i32>} : memref<128x64xf32, #tpu.memory_space<vmem>>, vector<1x16xf32>,
      %get3A_378 = arith.index_cast %add3A_331 : i32 to index
      %get3A_379 = arith.constant 32 : index
      %get3A_380 = tpu.vector_load %arg9[%get3A_378, %get3A_379] {strides = array<i32>} : memref<128x128xf32, #tpu.memory_space<vmem>>, vector<1x16xf32>,
      %get3A_381 = vector.shape_cast %get3A_380 : vector<1x16xf32> to vector<16xf32>
      %get3A_382 = arith.index_cast %add3A_331 : i32 to index
      %get3A_383 = arith.constant 32 : index
      %get3A_384 = tpu.vector_load %arg10[%get3A_382, %get3A_383] {strides = array<i32>} : memref<128x64xf32, #tpu.memory_space<vmem>>, vector<1x16xf32>,
      %get3A_385 = vector.shape_cast %get3A_384 : vector<1x16xf32> to vector<16xf32>
      %sub3A_386 = arith.subf %get3A_381, %get3A_385 : vector<16xf32>
      %mul3A_387 = arith.mulf %sub3A_386, %sub3A_386 : vector<16xf32>
      %add3A_388 = arith.addf %add3A_365, %mul3A_387 : vector<16xf32>
      %add3A_389 = arith.addf %get3A_385, %sub3A_386 : vector<16xf32>
      %swap3A_390 = arith.index_cast %add3A_331 : i32 to index
      %swap3A_391 = arith.constant 32 : index
      %swap3A_392 = tpu.vector_load %arg11[%swap3A_390, %swap3A_391] {strides = array<i32>} : memref<128x64xf32, #tpu.memory_space<vmem>>, vector<1x16xf32>,
      %swap3A_393 = vector.shape_cast %swap3A_392 : vector<1x16xf32> to vector<16xf32>
      %swap3A_394 = vector.shape_cast %add3A_389 : vector<16xf32> to vector<1x16xf32>
      tpu.vector_store %arg11[%swap3A_390, %swap3A_391], %swap3A_394 {strides = array<i32>} : memref<128x64xf32, #tpu.memory_space<vmem>>, vector<1x16xf32>,
      %sub3A_395 = arith.subf %get3A_385, %add3A_389 : vector<16xf32>
      %swap3A_396 = arith.index_cast %add3A_331 : i32 to index
      %swap3A_397 = arith.constant 32 : index
      %swap3A_398 = tpu.vector_load %arg10[%swap3A_396, %swap3A_397] {strides = array<i32>} : memref<128x64xf32, #tpu.memory_space<vmem>>, vector<1x16xf32>,
      %swap3A_399 = vector.shape_cast %swap3A_398 : vector<1x16xf32> to vector<16xf32>
      %swap3A_400 = vector.shape_cast %sub3A_395 : vector<16xf32> to vector<1x16xf32>
      tpu.vector_store %arg10[%swap3A_396, %swap3A_397], %swap3A_400 {strides = array<i32>} : memref<128x64xf32, #tpu.memory_space<vmem>>, vector<1x16xf32>,
      %get3A_401 = arith.index_cast %add3A_331 : i32 to index
      %get3A_402 = arith.constant 48 : index
      %get3A_403 = tpu.vector_load %arg9[%get3A_401, %get3A_402] {strides = array<i32>} : memref<128x128xf32, #tpu.memory_space<vmem>>, vector<1x16xf32>,
      %get3A_404 = vector.shape_cast %get3A_403 : vector<1x16xf32> to vector<16xf32>
      %get3A_405 = arith.index_cast %add3A_331 : i32 to index
      %get3A_406 = arith.constant 48 : index
      %get3A_407 = tpu.vector_load %arg10[%get3A_405, %get3A_406] {strides = array<i32>} : memref<128x64xf32, #tpu.memory_space<vmem>>, vector<1x16xf32>,
      %get3A_408 = vector.shape_cast %get3A_407 : vector<1x16xf32> to vector<16xf32>
      %sub3A_409 = arith.subf %get3A_404, %get3A_408 : vector<16xf32>
      %mul3A_410 = arith.mulf %sub3A_409, %sub3A_409 : vector<16xf32>
      %add3A_411 = arith.addf %add3A_388, %mul3A_410 : vector<16xf32>
      %add3A_412 = arith.addf %get3A_408, %sub3A_409 : vector<16xf32>
      %swap3A_413 = arith.index_cast %add3A_331 : i32 to index
      %swap3A_414 = arith.constant 48 : index
      %swap3A_415 = tpu.vector_load %arg11[%swap3A_413, %swap3A_414] {strides = array<i32>} : memref<128x64xf32, #tpu.memory_space<vmem>>, vector<1x16xf32>,
      %swap3A_416 = vector.shape_cast %swap3A_415 : vector<1x16xf32> to vector<16xf32>
      %swap3A_417 = vector.shape_cast %add3A_412 : vector<16xf32> to vector<1x16xf32>
      tpu.vector_store %arg11[%swap3A_413, %swap3A_414], %swap3A_417 {strides = array<i32>} : memref<128x64xf32, #tpu.memory_space<vmem>>, vector<1x16xf32>,
      %sub3A_418 = arith.subf %get3A_408, %add3A_412 : vector<16xf32>
      %swap3A_419 = arith.index_cast %add3A_331 : i32 to index
      %swap3A_420 = arith.constant 48 : index
      %swap3A_421 = tpu.vector_load %arg10[%swap3A_419, %swap3A_420] {strides = array<i32>} : memref<128x64xf32, #tpu.memory_space<vmem>>, vector<1x16xf32>,
      %swap3A_422 = vector.shape_cast %swap3A_421 : vector<1x16xf32> to vector<16xf32>
      %swap3A_423 = vector.shape_cast %sub3A_418 : vector<16xf32> to vector<1x16xf32>
      tpu.vector_store %arg10[%swap3A_419, %swap3A_420], %swap3A_423 {strides = array<i32>} : memref<128x64xf32, #tpu.memory_space<vmem>>, vector<1x16xf32>,
      scf.yield %add3A_411 : vector<16xf32>
    }
    %scan3A_20 = arith.constant 32 : i32
    %swap3A = arith.constant 0 : index
    %swap3A_21 = tpu.vector_load %arg12[%swap3A] {strides = array<i32>} : memref<16xf32, #tpu.memory_space<vmem>>, vector<16xf32>,
    %swap3A_22 = vector.shape_cast %swap3A_21 : vector<16xf32> to vector<16xf32>
    %swap3A_23 = vector.shape_cast %scan3A_19 : vector<16xf32> to vector<16xf32>
    tpu.vector_store %arg12[%swap3A], %swap3A_23 {strides = array<i32>} : memref<16xf32, #tpu.memory_space<vmem>>, vector<16xf32>,
    %dma_start3A_24 = arith.constant 0 : i32
    %dma_start3A_25 = tpu.memref_slice %arg5[%mul3A_2, %dma_start3A_24] : memref<4096x64xf32, #tpu.memory_space<hbm>> -> memref<128x64xf32, #tpu.memory_space<hbm>>
    %dma_start3A_26 = arith.constant 0 : i32
    %dma_start3A_27 = tpu.memref_slice %arg5[%mul3A_2, %dma_start3A_26] : memref<4096x64xf32, #tpu.memory_space<hbm>> -> memref<128x64xf32, #tpu.memory_space<hbm>>
    tpu.enqueue_dma source(%arg11 : memref<128x64xf32, #tpu.memory_space<vmem>>) target(%dma_start3A_27 : memref<128x64xf32, #tpu.memory_space<hbm>>) target_semaphore(%arg13 : memref<!tpu.dma_semaphore, #tpu.memory_space<semaphore_mem>>)
    %dma_start3A_28 = arith.constant 0 : i32
    %dma_start3A_29 = tpu.memref_slice %arg6[%mul3A_2, %dma_start3A_28] : memref<4096x64xf32, #tpu.memory_space<hbm>> -> memref<128x64xf32, #tpu.memory_space<hbm>>
    %dma_start3A_30 = arith.constant 0 : i32
    %dma_start3A_31 = tpu.memref_slice %arg6[%mul3A_2, %dma_start3A_30] : memref<4096x64xf32, #tpu.memory_space<hbm>> -> memref<128x64xf32, #tpu.memory_space<hbm>>
    tpu.enqueue_dma source(%arg10 : memref<128x64xf32, #tpu.memory_space<vmem>>) target(%dma_start3A_31 : memref<128x64xf32, #tpu.memory_space<hbm>>) target_semaphore(%arg14 : memref<!tpu.dma_semaphore, #tpu.memory_space<semaphore_mem>>)
    "tpu.region"() ({
      %run_scoped3A = tpu.sem_alloc : memref<!tpu.dma_semaphore, #tpu.memory_space<semaphore_mem>>
      %dma_start3A_40 = arith.constant 0 : i32
      %dma_start3A_41 = tpu.memref_slice %arg7[%add3A, %dma_start3A_40] : memref<32x16xf32, #tpu.memory_space<hbm>> -> memref<1x16xf32, #tpu.memory_space<hbm>>
      %dma_start3A_42 = tpu.memref_squeeze %dma_start3A_41 : memref<1x16xf32, #tpu.memory_space<hbm>> -> memref<16xf32, #tpu.memory_space<hbm>>
      %dma_start3A_43 = arith.constant 0 : i32
      %dma_start3A_44 = tpu.memref_slice %arg7[%add3A, %dma_start3A_43] : memref<32x16xf32, #tpu.memory_space<hbm>> -> memref<1x16xf32, #tpu.memory_space<hbm>>
      %dma_start3A_45 = tpu.memref_squeeze %dma_start3A_44 : memref<1x16xf32, #tpu.memory_space<hbm>> -> memref<16xf32, #tpu.memory_space<hbm>>
      tpu.enqueue_dma source(%arg12 : memref<16xf32, #tpu.memory_space<vmem>>) target(%dma_start3A_45 : memref<16xf32, #tpu.memory_space<hbm>>) target_semaphore(%run_scoped3A : memref<!tpu.dma_semaphore, #tpu.memory_space<semaphore_mem>>)
      %dma_wait3A_46 = arith.constant 0 : i32
      %dma_wait3A_47 = tpu.memref_slice %arg7[%add3A, %dma_wait3A_46] : memref<32x16xf32, #tpu.memory_space<hbm>> -> memref<1x16xf32, #tpu.memory_space<hbm>>
      %dma_wait3A_48 = tpu.memref_squeeze %dma_wait3A_47 : memref<1x16xf32, #tpu.memory_space<hbm>> -> memref<16xf32, #tpu.memory_space<hbm>>
      %dma_wait3A_49 = arith.constant 0 : i32
      %dma_wait3A_50 = tpu.memref_slice %arg7[%add3A, %dma_wait3A_49] : memref<32x16xf32, #tpu.memory_space<hbm>> -> memref<1x16xf32, #tpu.memory_space<hbm>>
      %dma_wait3A_51 = tpu.memref_squeeze %dma_wait3A_50 : memref<1x16xf32, #tpu.memory_space<hbm>> -> memref<16xf32, #tpu.memory_space<hbm>>
      tpu.wait_dma2 semaphore(%run_scoped3A : memref<!tpu.dma_semaphore, #tpu.memory_space<semaphore_mem>>) src(%arg12 : memref<16xf32, #tpu.memory_space<vmem>>) dst(%dma_wait3A_51 : memref<16xf32, #tpu.memory_space<hbm>>)
      tpu.yield
    }) : () -> ()
    %dma_wait3A_32 = arith.constant 0 : i32
    %dma_wait3A_33 = tpu.memref_slice %arg5[%mul3A_2, %dma_wait3A_32] : memref<4096x64xf32, #tpu.memory_space<hbm>> -> memref<128x64xf32, #tpu.memory_space<hbm>>
    %dma_wait3A_34 = arith.constant 0 : i32
    %dma_wait3A_35 = tpu.memref_slice %arg5[%mul3A_2, %dma_wait3A_34] : memref<4096x64xf32, #tpu.memory_space<hbm>> -> memref<128x64xf32, #tpu.memory_space<hbm>>
    tpu.wait_dma2 semaphore(%arg13 : memref<!tpu.dma_semaphore, #tpu.memory_space<semaphore_mem>>) src(%arg11 : memref<128x64xf32, #tpu.memory_space<vmem>>) dst(%dma_wait3A_35 : memref<128x64xf32, #tpu.memory_space<hbm>>)
    %dma_wait3A_36 = arith.constant 0 : i32
    %dma_wait3A_37 = tpu.memref_slice %arg6[%mul3A_2, %dma_wait3A_36] : memref<4096x64xf32, #tpu.memory_space<hbm>> -> memref<128x64xf32, #tpu.memory_space<hbm>>
    %dma_wait3A_38 = arith.constant 0 : i32
    %dma_wait3A_39 = tpu.memref_slice %arg6[%mul3A_2, %dma_wait3A_38] : memref<4096x64xf32, #tpu.memory_space<hbm>> -> memref<128x64xf32, #tpu.memory_space<hbm>>
    tpu.wait_dma2 semaphore(%arg14 : memref<!tpu.dma_semaphore, #tpu.memory_space<semaphore_mem>>) src(%arg10 : memref<128x64xf32, #tpu.memory_space<vmem>>) dst(%dma_wait3A_39 : memref<128x64xf32, #tpu.memory_space<hbm>>)
    return
  }
}

#map = affine_map<(d0, d1) -> (0, 0)>
#map1 = affine_map<(d0, d1) -> (0)>
module attributes {stable_mosaic.version = 14 : i64} {
  func.func @_sc_body(%arg0: i32, %arg1: i32, %arg2: memref<8192x128xf32, #tpu.memory_space<hbm>>, %arg3: memref<4096xi32, #tpu.memory_space<hbm>>, %arg4: memref<4096x64xf32, #tpu.memory_space<hbm>>, %arg5: memref<4096x64xf32, #tpu.memory_space<hbm>>, %arg6: memref<4096x64xf32, #tpu.memory_space<hbm>>, %arg7: memref<32x16xf32, #tpu.memory_space<hbm>>, %arg8: memref<128xi32, #tpu.memory_space<vmem>>, %arg9: memref<128x128xf32, #tpu.memory_space<vmem>>, %arg10: memref<128x64xf32, #tpu.memory_space<vmem>>, %arg11: memref<128x64xf32, #tpu.memory_space<vmem>>, %arg12: memref<16xf32, #tpu.memory_space<vmem>>, %arg13: memref<!tpu.dma_semaphore, #tpu.memory_space<semaphore_mem>>, %arg14: memref<!tpu.dma_semaphore, #tpu.memory_space<semaphore_mem>>) attributes {dimension_semantics = [#tpu.dimension_semantics<core_parallel>, #tpu.dimension_semantics<subcore_parallel>], iteration_bounds = array<i64: 2, 16>, scalar_prefetch = 0 : i64, scratch_operands = 7 : i64, tpu.core_type = #tpu.core_type<sc_vector_subcore>, window_params = [{transform_indices = #map}, {transform_indices = #map1}, {transform_indices = #map}, {transform_indices = #map}, {transform_indices = #map}, {transform_indices = #map}]} {
    %mul3A = arith.constant 2 : i32
    %mul3A_0 = arith.muli %arg1, %mul3A : i32
    %add3A = arith.addi %mul3A_0, %arg0 : i32
    %mul3A_1 = arith.constant 128 : i32
    %mul3A_2 = arith.muli %add3A, %mul3A_1 : i32
    %dma_start3A = arith.constant 0 : i32
    %dma_start3A_3 = tpu.memref_slice %arg4[%mul3A_2, %dma_start3A] : memref<4096x64xf32, #tpu.memory_space<hbm>> -> memref<128x64xf32, #tpu.memory_space<hbm>>
    %dma_start3A_4 = arith.constant 0 : i32
    %dma_start3A_5 = tpu.memref_slice %arg4[%mul3A_2, %dma_start3A_4] : memref<4096x64xf32, #tpu.memory_space<hbm>> -> memref<128x64xf32, #tpu.memory_space<hbm>>
    tpu.enqueue_dma source(%dma_start3A_5 : memref<128x64xf32, #tpu.memory_space<hbm>>) target(%arg10 : memref<128x64xf32, #tpu.memory_space<vmem>>) target_semaphore(%arg14 : memref<!tpu.dma_semaphore, #tpu.memory_space<semaphore_mem>>)
    "tpu.region"() ({
      %run_scoped3A = tpu.sem_alloc : memref<!tpu.dma_semaphore, #tpu.memory_space<semaphore_mem>>
      %dma_start3A_40 = tpu.memref_slice %arg3[%mul3A_2] : memref<4096xi32, #tpu.memory_space<hbm>> -> memref<128xi32, #tpu.memory_space<hbm>>
      %dma_start3A_41 = tpu.memref_slice %arg3[%mul3A_2] : memref<4096xi32, #tpu.memory_space<hbm>> -> memref<128xi32, #tpu.memory_space<hbm>>
      tpu.enqueue_dma source(%dma_start3A_41 : memref<128xi32, #tpu.memory_space<hbm>>) target(%arg8 : memref<128xi32, #tpu.memory_space<vmem>>) target_semaphore(%run_scoped3A : memref<!tpu.dma_semaphore, #tpu.memory_space<semaphore_mem>>)
      %dma_wait3A_42 = tpu.memref_slice %arg3[%mul3A_2] : memref<4096xi32, #tpu.memory_space<hbm>> -> memref<128xi32, #tpu.memory_space<hbm>>
      %dma_wait3A_43 = tpu.memref_slice %arg3[%mul3A_2] : memref<4096xi32, #tpu.memory_space<hbm>> -> memref<128xi32, #tpu.memory_space<hbm>>
      tpu.wait_dma2 semaphore(%run_scoped3A : memref<!tpu.dma_semaphore, #tpu.memory_space<semaphore_mem>>) src(%dma_wait3A_43 : memref<128xi32, #tpu.memory_space<hbm>>) dst(%arg8 : memref<128xi32, #tpu.memory_space<vmem>>)
      tpu.yield
    }) : () -> ()
    %dma_start3A_6 = arith.constant 0 : i32
    %dma_start3A_7 = arith.constant 0 : i32
    %dma_start3A_8 = tpu.memref_slice %arg2[%dma_start3A_6, %dma_start3A_7] : memref<8192x128xf32, #tpu.memory_space<hbm>> -> memref<8192x128xf32, #tpu.memory_space<hbm>>
    tpu.enqueue_indirect_dma source(%dma_start3A_8 : memref<8192x128xf32, #tpu.memory_space<hbm>>) target(%arg9 : memref<128x128xf32, #tpu.memory_space<vmem>>) offsets(%arg8 : memref<128xi32, #tpu.memory_space<vmem>>) semaphore(%arg13 : memref<!tpu.dma_semaphore, #tpu.memory_space<semaphore_mem>>)
    %dma_wait3A = arith.constant 0 : i32
    %dma_wait3A_9 = tpu.memref_slice %arg4[%mul3A_2, %dma_wait3A] : memref<4096x64xf32, #tpu.memory_space<hbm>> -> memref<128x64xf32, #tpu.memory_space<hbm>>
    %dma_wait3A_10 = arith.constant 0 : i32
    %dma_wait3A_11 = tpu.memref_slice %arg4[%mul3A_2, %dma_wait3A_10] : memref<4096x64xf32, #tpu.memory_space<hbm>> -> memref<128x64xf32, #tpu.memory_space<hbm>>
    tpu.wait_dma2 semaphore(%arg14 : memref<!tpu.dma_semaphore, #tpu.memory_space<semaphore_mem>>) src(%dma_wait3A_11 : memref<128x64xf32, #tpu.memory_space<hbm>>) dst(%arg10 : memref<128x64xf32, #tpu.memory_space<vmem>>)
    %dma_wait3A_12 = arith.constant 0 : i32
    %dma_wait3A_13 = arith.constant 0 : i32
    %dma_wait3A_14 = tpu.memref_slice %arg2[%dma_wait3A_12, %dma_wait3A_13] : memref<8192x128xf32, #tpu.memory_space<hbm>> -> memref<8192x128xf32, #tpu.memory_space<hbm>>
    tpu.wait_indirect_dma semaphore(%arg13 : memref<!tpu.dma_semaphore, #tpu.memory_space<semaphore_mem>>) src(%dma_wait3A_14 : memref<8192x128xf32, #tpu.memory_space<hbm>>) dst(%arg9 : memref<128x128xf32, #tpu.memory_space<vmem>>)
    %broadcast_in_dim3A = arith.constant 0.000000e+00 : f32
    %broadcast_in_dim3A_15 = vector.broadcast %broadcast_in_dim3A : f32 to vector<16xf32>
    %scan3A = arith.constant 0 : i32
    %scan3A_16 = arith.constant 32 : i32
    %scan3A_17 = arith.addi %scan3A, %scan3A_16 : i32
    %scan3A_18 = arith.constant 1 : i32
    %scan3A_19 = scf.for %scan3A_40 = %scan3A to %scan3A_17 step %scan3A_18 iter_args(%scan3A_41 = %broadcast_in_dim3A_15) -> (vector<16xf32>)  : i32 {
      %mul3A_42 = arith.constant 4 : i32
      %mul3A_43 = arith.muli %scan3A_40, %mul3A_42 : i32
      %add3A_44 = arith.constant 0 : i32
      %add3A_45 = arith.addi %mul3A_43, %add3A_44 : i32
      %get3A = arith.index_cast %add3A_45 : i32 to index
      %get3A_46 = arith.constant 0 : index
      %get3A_47 = tpu.vector_load %arg9[%get3A, %get3A_46] {strides = array<i32>} : memref<128x128xf32, #tpu.memory_space<vmem>>, vector<1x16xf32>,
      %get3A_48 = vector.shape_cast %get3A_47 : vector<1x16xf32> to vector<16xf32>
      %get3A_49 = arith.index_cast %add3A_45 : i32 to index
      %get3A_50 = arith.constant 0 : index
      %get3A_51 = tpu.vector_load %arg10[%get3A_49, %get3A_50] {strides = array<i32>} : memref<128x64xf32, #tpu.memory_space<vmem>>, vector<1x16xf32>,
      %get3A_52 = vector.shape_cast %get3A_51 : vector<1x16xf32> to vector<16xf32>
      %sub3A = arith.subf %get3A_48, %get3A_52 : vector<16xf32>
      %mul3A_53 = arith.mulf %sub3A, %sub3A : vector<16xf32>
      %add3A_54 = arith.addf %scan3A_41, %mul3A_53 : vector<16xf32>
      %add3A_55 = arith.addf %get3A_52, %sub3A : vector<16xf32>
      %swap3A_56 = arith.index_cast %add3A_45 : i32 to index
      %swap3A_57 = arith.constant 0 : index
      %swap3A_58 = tpu.vector_load %arg11[%swap3A_56, %swap3A_57] {strides = array<i32>} : memref<128x64xf32, #tpu.memory_space<vmem>>, vector<1x16xf32>,
      %swap3A_59 = vector.shape_cast %swap3A_58 : vector<1x16xf32> to vector<16xf32>
      %swap3A_60 = vector.shape_cast %add3A_55 : vector<16xf32> to vector<1x16xf32>
      tpu.vector_store %arg11[%swap3A_56, %swap3A_57], %swap3A_60 {strides = array<i32>} : memref<128x64xf32, #tpu.memory_space<vmem>>, vector<1x16xf32>,
      %sub3A_61 = arith.subf %get3A_52, %add3A_55 : vector<16xf32>
      %swap3A_62 = arith.index_cast %add3A_45 : i32 to index
      %swap3A_63 = arith.constant 0 : index
      %swap3A_64 = tpu.vector_load %arg10[%swap3A_62, %swap3A_63] {strides = array<i32>} : memref<128x64xf32, #tpu.memory_space<vmem>>, vector<1x16xf32>,
      %swap3A_65 = vector.shape_cast %swap3A_64 : vector<1x16xf32> to vector<16xf32>
      %swap3A_66 = vector.shape_cast %sub3A_61 : vector<16xf32> to vector<1x16xf32>
      tpu.vector_store %arg10[%swap3A_62, %swap3A_63], %swap3A_66 {strides = array<i32>} : memref<128x64xf32, #tpu.memory_space<vmem>>, vector<1x16xf32>,
      %get3A_67 = arith.index_cast %add3A_45 : i32 to index
      %get3A_68 = arith.constant 16 : index
      %get3A_69 = tpu.vector_load %arg9[%get3A_67, %get3A_68] {strides = array<i32>} : memref<128x128xf32, #tpu.memory_space<vmem>>, vector<1x16xf32>,
      %get3A_70 = vector.shape_cast %get3A_69 : vector<1x16xf32> to vector<16xf32>
      %get3A_71 = arith.index_cast %add3A_45 : i32 to index
      %get3A_72 = arith.constant 16 : index
      %get3A_73 = tpu.vector_load %arg10[%get3A_71, %get3A_72] {strides = array<i32>} : memref<128x64xf32, #tpu.memory_space<vmem>>, vector<1x16xf32>,
      %get3A_74 = vector.shape_cast %get3A_73 : vector<1x16xf32> to vector<16xf32>
      %sub3A_75 = arith.subf %get3A_70, %get3A_74 : vector<16xf32>
      %mul3A_76 = arith.mulf %sub3A_75, %sub3A_75 : vector<16xf32>
      %add3A_77 = arith.addf %add3A_54, %mul3A_76 : vector<16xf32>
      %add3A_78 = arith.addf %get3A_74, %sub3A_75 : vector<16xf32>
      %swap3A_79 = arith.index_cast %add3A_45 : i32 to index
      %swap3A_80 = arith.constant 16 : index
      %swap3A_81 = tpu.vector_load %arg11[%swap3A_79, %swap3A_80] {strides = array<i32>} : memref<128x64xf32, #tpu.memory_space<vmem>>, vector<1x16xf32>,
      %swap3A_82 = vector.shape_cast %swap3A_81 : vector<1x16xf32> to vector<16xf32>
      %swap3A_83 = vector.shape_cast %add3A_78 : vector<16xf32> to vector<1x16xf32>
      tpu.vector_store %arg11[%swap3A_79, %swap3A_80], %swap3A_83 {strides = array<i32>} : memref<128x64xf32, #tpu.memory_space<vmem>>, vector<1x16xf32>,
      %sub3A_84 = arith.subf %get3A_74, %add3A_78 : vector<16xf32>
      %swap3A_85 = arith.index_cast %add3A_45 : i32 to index
      %swap3A_86 = arith.constant 16 : index
      %swap3A_87 = tpu.vector_load %arg10[%swap3A_85, %swap3A_86] {strides = array<i32>} : memref<128x64xf32, #tpu.memory_space<vmem>>, vector<1x16xf32>,
      %swap3A_88 = vector.shape_cast %swap3A_87 : vector<1x16xf32> to vector<16xf32>
      %swap3A_89 = vector.shape_cast %sub3A_84 : vector<16xf32> to vector<1x16xf32>
      tpu.vector_store %arg10[%swap3A_85, %swap3A_86], %swap3A_89 {strides = array<i32>} : memref<128x64xf32, #tpu.memory_space<vmem>>, vector<1x16xf32>,
      %get3A_90 = arith.index_cast %add3A_45 : i32 to index
      %get3A_91 = arith.constant 32 : index
      %get3A_92 = tpu.vector_load %arg9[%get3A_90, %get3A_91] {strides = array<i32>} : memref<128x128xf32, #tpu.memory_space<vmem>>, vector<1x16xf32>,
      %get3A_93 = vector.shape_cast %get3A_92 : vector<1x16xf32> to vector<16xf32>
      %get3A_94 = arith.index_cast %add3A_45 : i32 to index
      %get3A_95 = arith.constant 32 : index
      %get3A_96 = tpu.vector_load %arg10[%get3A_94, %get3A_95] {strides = array<i32>} : memref<128x64xf32, #tpu.memory_space<vmem>>, vector<1x16xf32>,
      %get3A_97 = vector.shape_cast %get3A_96 : vector<1x16xf32> to vector<16xf32>
      %sub3A_98 = arith.subf %get3A_93, %get3A_97 : vector<16xf32>
      %mul3A_99 = arith.mulf %sub3A_98, %sub3A_98 : vector<16xf32>
      %add3A_100 = arith.addf %add3A_77, %mul3A_99 : vector<16xf32>
      %add3A_101 = arith.addf %get3A_97, %sub3A_98 : vector<16xf32>
      %swap3A_102 = arith.index_cast %add3A_45 : i32 to index
      %swap3A_103 = arith.constant 32 : index
      %swap3A_104 = tpu.vector_load %arg11[%swap3A_102, %swap3A_103] {strides = array<i32>} : memref<128x64xf32, #tpu.memory_space<vmem>>, vector<1x16xf32>,
      %swap3A_105 = vector.shape_cast %swap3A_104 : vector<1x16xf32> to vector<16xf32>
      %swap3A_106 = vector.shape_cast %add3A_101 : vector<16xf32> to vector<1x16xf32>
      tpu.vector_store %arg11[%swap3A_102, %swap3A_103], %swap3A_106 {strides = array<i32>} : memref<128x64xf32, #tpu.memory_space<vmem>>, vector<1x16xf32>,
      %sub3A_107 = arith.subf %get3A_97, %add3A_101 : vector<16xf32>
      %swap3A_108 = arith.index_cast %add3A_45 : i32 to index
      %swap3A_109 = arith.constant 32 : index
      %swap3A_110 = tpu.vector_load %arg10[%swap3A_108, %swap3A_109] {strides = array<i32>} : memref<128x64xf32, #tpu.memory_space<vmem>>, vector<1x16xf32>,
      %swap3A_111 = vector.shape_cast %swap3A_110 : vector<1x16xf32> to vector<16xf32>
      %swap3A_112 = vector.shape_cast %sub3A_107 : vector<16xf32> to vector<1x16xf32>
      tpu.vector_store %arg10[%swap3A_108, %swap3A_109], %swap3A_112 {strides = array<i32>} : memref<128x64xf32, #tpu.memory_space<vmem>>, vector<1x16xf32>,
      %get3A_113 = arith.index_cast %add3A_45 : i32 to index
      %get3A_114 = arith.constant 48 : index
      %get3A_115 = tpu.vector_load %arg9[%get3A_113, %get3A_114] {strides = array<i32>} : memref<128x128xf32, #tpu.memory_space<vmem>>, vector<1x16xf32>,
      %get3A_116 = vector.shape_cast %get3A_115 : vector<1x16xf32> to vector<16xf32>
      %get3A_117 = arith.index_cast %add3A_45 : i32 to index
      %get3A_118 = arith.constant 48 : index
      %get3A_119 = tpu.vector_load %arg10[%get3A_117, %get3A_118] {strides = array<i32>} : memref<128x64xf32, #tpu.memory_space<vmem>>, vector<1x16xf32>,
      %get3A_120 = vector.shape_cast %get3A_119 : vector<1x16xf32> to vector<16xf32>
      %sub3A_121 = arith.subf %get3A_116, %get3A_120 : vector<16xf32>
      %mul3A_122 = arith.mulf %sub3A_121, %sub3A_121 : vector<16xf32>
      %add3A_123 = arith.addf %add3A_100, %mul3A_122 : vector<16xf32>
      %add3A_124 = arith.addf %get3A_120, %sub3A_121 : vector<16xf32>
      %swap3A_125 = arith.index_cast %add3A_45 : i32 to index
      %swap3A_126 = arith.constant 48 : index
      %swap3A_127 = tpu.vector_load %arg11[%swap3A_125, %swap3A_126] {strides = array<i32>} : memref<128x64xf32, #tpu.memory_space<vmem>>, vector<1x16xf32>,
      %swap3A_128 = vector.shape_cast %swap3A_127 : vector<1x16xf32> to vector<16xf32>
      %swap3A_129 = vector.shape_cast %add3A_124 : vector<16xf32> to vector<1x16xf32>
      tpu.vector_store %arg11[%swap3A_125, %swap3A_126], %swap3A_129 {strides = array<i32>} : memref<128x64xf32, #tpu.memory_space<vmem>>, vector<1x16xf32>,
      %sub3A_130 = arith.subf %get3A_120, %add3A_124 : vector<16xf32>
      %swap3A_131 = arith.index_cast %add3A_45 : i32 to index
      %swap3A_132 = arith.constant 48 : index
      %swap3A_133 = tpu.vector_load %arg10[%swap3A_131, %swap3A_132] {strides = array<i32>} : memref<128x64xf32, #tpu.memory_space<vmem>>, vector<1x16xf32>,
      %swap3A_134 = vector.shape_cast %swap3A_133 : vector<1x16xf32> to vector<16xf32>
      %swap3A_135 = vector.shape_cast %sub3A_130 : vector<16xf32> to vector<1x16xf32>
      tpu.vector_store %arg10[%swap3A_131, %swap3A_132], %swap3A_135 {strides = array<i32>} : memref<128x64xf32, #tpu.memory_space<vmem>>, vector<1x16xf32>,
      %mul3A_136 = arith.constant 4 : i32
      %mul3A_137 = arith.muli %scan3A_40, %mul3A_136 : i32
      %add3A_138 = arith.constant 1 : i32
      %add3A_139 = arith.addi %mul3A_137, %add3A_138 : i32
      %get3A_140 = arith.index_cast %add3A_139 : i32 to index
      %get3A_141 = arith.constant 0 : index
      %get3A_142 = tpu.vector_load %arg9[%get3A_140, %get3A_141] {strides = array<i32>} : memref<128x128xf32, #tpu.memory_space<vmem>>, vector<1x16xf32>,
      %get3A_143 = vector.shape_cast %get3A_142 : vector<1x16xf32> to vector<16xf32>
      %get3A_144 = arith.index_cast %add3A_139 : i32 to index
      %get3A_145 = arith.constant 0 : index
      %get3A_146 = tpu.vector_load %arg10[%get3A_144, %get3A_145] {strides = array<i32>} : memref<128x64xf32, #tpu.memory_space<vmem>>, vector<1x16xf32>,
      %get3A_147 = vector.shape_cast %get3A_146 : vector<1x16xf32> to vector<16xf32>
      %sub3A_148 = arith.subf %get3A_143, %get3A_147 : vector<16xf32>
      %mul3A_149 = arith.mulf %sub3A_148, %sub3A_148 : vector<16xf32>
      %add3A_150 = arith.addf %add3A_123, %mul3A_149 : vector<16xf32>
      %add3A_151 = arith.addf %get3A_147, %sub3A_148 : vector<16xf32>
      %swap3A_152 = arith.index_cast %add3A_139 : i32 to index
      %swap3A_153 = arith.constant 0 : index
      %swap3A_154 = tpu.vector_load %arg11[%swap3A_152, %swap3A_153] {strides = array<i32>} : memref<128x64xf32, #tpu.memory_space<vmem>>, vector<1x16xf32>,
      %swap3A_155 = vector.shape_cast %swap3A_154 : vector<1x16xf32> to vector<16xf32>
      %swap3A_156 = vector.shape_cast %add3A_151 : vector<16xf32> to vector<1x16xf32>
      tpu.vector_store %arg11[%swap3A_152, %swap3A_153], %swap3A_156 {strides = array<i32>} : memref<128x64xf32, #tpu.memory_space<vmem>>, vector<1x16xf32>,
      %sub3A_157 = arith.subf %get3A_147, %add3A_151 : vector<16xf32>
      %swap3A_158 = arith.index_cast %add3A_139 : i32 to index
      %swap3A_159 = arith.constant 0 : index
      %swap3A_160 = tpu.vector_load %arg10[%swap3A_158, %swap3A_159] {strides = array<i32>} : memref<128x64xf32, #tpu.memory_space<vmem>>, vector<1x16xf32>,
      %swap3A_161 = vector.shape_cast %swap3A_160 : vector<1x16xf32> to vector<16xf32>
      %swap3A_162 = vector.shape_cast %sub3A_157 : vector<16xf32> to vector<1x16xf32>
      tpu.vector_store %arg10[%swap3A_158, %swap3A_159], %swap3A_162 {strides = array<i32>} : memref<128x64xf32, #tpu.memory_space<vmem>>, vector<1x16xf32>,
      %get3A_163 = arith.index_cast %add3A_139 : i32 to index
      %get3A_164 = arith.constant 16 : index
      %get3A_165 = tpu.vector_load %arg9[%get3A_163, %get3A_164] {strides = array<i32>} : memref<128x128xf32, #tpu.memory_space<vmem>>, vector<1x16xf32>,
      %get3A_166 = vector.shape_cast %get3A_165 : vector<1x16xf32> to vector<16xf32>
      %get3A_167 = arith.index_cast %add3A_139 : i32 to index
      %get3A_168 = arith.constant 16 : index
      %get3A_169 = tpu.vector_load %arg10[%get3A_167, %get3A_168] {strides = array<i32>} : memref<128x64xf32, #tpu.memory_space<vmem>>, vector<1x16xf32>,
      %get3A_170 = vector.shape_cast %get3A_169 : vector<1x16xf32> to vector<16xf32>
      %sub3A_171 = arith.subf %get3A_166, %get3A_170 : vector<16xf32>
      %mul3A_172 = arith.mulf %sub3A_171, %sub3A_171 : vector<16xf32>
      %add3A_173 = arith.addf %add3A_150, %mul3A_172 : vector<16xf32>
      %add3A_174 = arith.addf %get3A_170, %sub3A_171 : vector<16xf32>
      %swap3A_175 = arith.index_cast %add3A_139 : i32 to index
      %swap3A_176 = arith.constant 16 : index
      %swap3A_177 = tpu.vector_load %arg11[%swap3A_175, %swap3A_176] {strides = array<i32>} : memref<128x64xf32, #tpu.memory_space<vmem>>, vector<1x16xf32>,
      %swap3A_178 = vector.shape_cast %swap3A_177 : vector<1x16xf32> to vector<16xf32>
      %swap3A_179 = vector.shape_cast %add3A_174 : vector<16xf32> to vector<1x16xf32>
      tpu.vector_store %arg11[%swap3A_175, %swap3A_176], %swap3A_179 {strides = array<i32>} : memref<128x64xf32, #tpu.memory_space<vmem>>, vector<1x16xf32>,
      %sub3A_180 = arith.subf %get3A_170, %add3A_174 : vector<16xf32>
      %swap3A_181 = arith.index_cast %add3A_139 : i32 to index
      %swap3A_182 = arith.constant 16 : index
      %swap3A_183 = tpu.vector_load %arg10[%swap3A_181, %swap3A_182] {strides = array<i32>} : memref<128x64xf32, #tpu.memory_space<vmem>>, vector<1x16xf32>,
      %swap3A_184 = vector.shape_cast %swap3A_183 : vector<1x16xf32> to vector<16xf32>
      %swap3A_185 = vector.shape_cast %sub3A_180 : vector<16xf32> to vector<1x16xf32>
      tpu.vector_store %arg10[%swap3A_181, %swap3A_182], %swap3A_185 {strides = array<i32>} : memref<128x64xf32, #tpu.memory_space<vmem>>, vector<1x16xf32>,
      %get3A_186 = arith.index_cast %add3A_139 : i32 to index
      %get3A_187 = arith.constant 32 : index
      %get3A_188 = tpu.vector_load %arg9[%get3A_186, %get3A_187] {strides = array<i32>} : memref<128x128xf32, #tpu.memory_space<vmem>>, vector<1x16xf32>,
      %get3A_189 = vector.shape_cast %get3A_188 : vector<1x16xf32> to vector<16xf32>
      %get3A_190 = arith.index_cast %add3A_139 : i32 to index
      %get3A_191 = arith.constant 32 : index
      %get3A_192 = tpu.vector_load %arg10[%get3A_190, %get3A_191] {strides = array<i32>} : memref<128x64xf32, #tpu.memory_space<vmem>>, vector<1x16xf32>,
      %get3A_193 = vector.shape_cast %get3A_192 : vector<1x16xf32> to vector<16xf32>
      %sub3A_194 = arith.subf %get3A_189, %get3A_193 : vector<16xf32>
      %mul3A_195 = arith.mulf %sub3A_194, %sub3A_194 : vector<16xf32>
      %add3A_196 = arith.addf %add3A_173, %mul3A_195 : vector<16xf32>
      %add3A_197 = arith.addf %get3A_193, %sub3A_194 : vector<16xf32>
      %swap3A_198 = arith.index_cast %add3A_139 : i32 to index
      %swap3A_199 = arith.constant 32 : index
      %swap3A_200 = tpu.vector_load %arg11[%swap3A_198, %swap3A_199] {strides = array<i32>} : memref<128x64xf32, #tpu.memory_space<vmem>>, vector<1x16xf32>,
      %swap3A_201 = vector.shape_cast %swap3A_200 : vector<1x16xf32> to vector<16xf32>
      %swap3A_202 = vector.shape_cast %add3A_197 : vector<16xf32> to vector<1x16xf32>
      tpu.vector_store %arg11[%swap3A_198, %swap3A_199], %swap3A_202 {strides = array<i32>} : memref<128x64xf32, #tpu.memory_space<vmem>>, vector<1x16xf32>,
      %sub3A_203 = arith.subf %get3A_193, %add3A_197 : vector<16xf32>
      %swap3A_204 = arith.index_cast %add3A_139 : i32 to index
      %swap3A_205 = arith.constant 32 : index
      %swap3A_206 = tpu.vector_load %arg10[%swap3A_204, %swap3A_205] {strides = array<i32>} : memref<128x64xf32, #tpu.memory_space<vmem>>, vector<1x16xf32>,
      %swap3A_207 = vector.shape_cast %swap3A_206 : vector<1x16xf32> to vector<16xf32>
      %swap3A_208 = vector.shape_cast %sub3A_203 : vector<16xf32> to vector<1x16xf32>
      tpu.vector_store %arg10[%swap3A_204, %swap3A_205], %swap3A_208 {strides = array<i32>} : memref<128x64xf32, #tpu.memory_space<vmem>>, vector<1x16xf32>,
      %get3A_209 = arith.index_cast %add3A_139 : i32 to index
      %get3A_210 = arith.constant 48 : index
      %get3A_211 = tpu.vector_load %arg9[%get3A_209, %get3A_210] {strides = array<i32>} : memref<128x128xf32, #tpu.memory_space<vmem>>, vector<1x16xf32>,
      %get3A_212 = vector.shape_cast %get3A_211 : vector<1x16xf32> to vector<16xf32>
      %get3A_213 = arith.index_cast %add3A_139 : i32 to index
      %get3A_214 = arith.constant 48 : index
      %get3A_215 = tpu.vector_load %arg10[%get3A_213, %get3A_214] {strides = array<i32>} : memref<128x64xf32, #tpu.memory_space<vmem>>, vector<1x16xf32>,
      %get3A_216 = vector.shape_cast %get3A_215 : vector<1x16xf32> to vector<16xf32>
      %sub3A_217 = arith.subf %get3A_212, %get3A_216 : vector<16xf32>
      %mul3A_218 = arith.mulf %sub3A_217, %sub3A_217 : vector<16xf32>
      %add3A_219 = arith.addf %add3A_196, %mul3A_218 : vector<16xf32>
      %add3A_220 = arith.addf %get3A_216, %sub3A_217 : vector<16xf32>
      %swap3A_221 = arith.index_cast %add3A_139 : i32 to index
      %swap3A_222 = arith.constant 48 : index
      %swap3A_223 = tpu.vector_load %arg11[%swap3A_221, %swap3A_222] {strides = array<i32>} : memref<128x64xf32, #tpu.memory_space<vmem>>, vector<1x16xf32>,
      %swap3A_224 = vector.shape_cast %swap3A_223 : vector<1x16xf32> to vector<16xf32>
      %swap3A_225 = vector.shape_cast %add3A_220 : vector<16xf32> to vector<1x16xf32>
      tpu.vector_store %arg11[%swap3A_221, %swap3A_222], %swap3A_225 {strides = array<i32>} : memref<128x64xf32, #tpu.memory_space<vmem>>, vector<1x16xf32>,
      %sub3A_226 = arith.subf %get3A_216, %add3A_220 : vector<16xf32>
      %swap3A_227 = arith.index_cast %add3A_139 : i32 to index
      %swap3A_228 = arith.constant 48 : index
      %swap3A_229 = tpu.vector_load %arg10[%swap3A_227, %swap3A_228] {strides = array<i32>} : memref<128x64xf32, #tpu.memory_space<vmem>>, vector<1x16xf32>,
      %swap3A_230 = vector.shape_cast %swap3A_229 : vector<1x16xf32> to vector<16xf32>
      %swap3A_231 = vector.shape_cast %sub3A_226 : vector<16xf32> to vector<1x16xf32>
      tpu.vector_store %arg10[%swap3A_227, %swap3A_228], %swap3A_231 {strides = array<i32>} : memref<128x64xf32, #tpu.memory_space<vmem>>, vector<1x16xf32>,
      %mul3A_232 = arith.constant 4 : i32
      %mul3A_233 = arith.muli %scan3A_40, %mul3A_232 : i32
      %add3A_234 = arith.constant 2 : i32
      %add3A_235 = arith.addi %mul3A_233, %add3A_234 : i32
      %get3A_236 = arith.index_cast %add3A_235 : i32 to index
      %get3A_237 = arith.constant 0 : index
      %get3A_238 = tpu.vector_load %arg9[%get3A_236, %get3A_237] {strides = array<i32>} : memref<128x128xf32, #tpu.memory_space<vmem>>, vector<1x16xf32>,
      %get3A_239 = vector.shape_cast %get3A_238 : vector<1x16xf32> to vector<16xf32>
      %get3A_240 = arith.index_cast %add3A_235 : i32 to index
      %get3A_241 = arith.constant 0 : index
      %get3A_242 = tpu.vector_load %arg10[%get3A_240, %get3A_241] {strides = array<i32>} : memref<128x64xf32, #tpu.memory_space<vmem>>, vector<1x16xf32>,
      %get3A_243 = vector.shape_cast %get3A_242 : vector<1x16xf32> to vector<16xf32>
      %sub3A_244 = arith.subf %get3A_239, %get3A_243 : vector<16xf32>
      %mul3A_245 = arith.mulf %sub3A_244, %sub3A_244 : vector<16xf32>
      %add3A_246 = arith.addf %add3A_219, %mul3A_245 : vector<16xf32>
      %add3A_247 = arith.addf %get3A_243, %sub3A_244 : vector<16xf32>
      %swap3A_248 = arith.index_cast %add3A_235 : i32 to index
      %swap3A_249 = arith.constant 0 : index
      %swap3A_250 = tpu.vector_load %arg11[%swap3A_248, %swap3A_249] {strides = array<i32>} : memref<128x64xf32, #tpu.memory_space<vmem>>, vector<1x16xf32>,
      %swap3A_251 = vector.shape_cast %swap3A_250 : vector<1x16xf32> to vector<16xf32>
      %swap3A_252 = vector.shape_cast %add3A_247 : vector<16xf32> to vector<1x16xf32>
      tpu.vector_store %arg11[%swap3A_248, %swap3A_249], %swap3A_252 {strides = array<i32>} : memref<128x64xf32, #tpu.memory_space<vmem>>, vector<1x16xf32>,
      %sub3A_253 = arith.subf %get3A_243, %add3A_247 : vector<16xf32>
      %swap3A_254 = arith.index_cast %add3A_235 : i32 to index
      %swap3A_255 = arith.constant 0 : index
      %swap3A_256 = tpu.vector_load %arg10[%swap3A_254, %swap3A_255] {strides = array<i32>} : memref<128x64xf32, #tpu.memory_space<vmem>>, vector<1x16xf32>,
      %swap3A_257 = vector.shape_cast %swap3A_256 : vector<1x16xf32> to vector<16xf32>
      %swap3A_258 = vector.shape_cast %sub3A_253 : vector<16xf32> to vector<1x16xf32>
      tpu.vector_store %arg10[%swap3A_254, %swap3A_255], %swap3A_258 {strides = array<i32>} : memref<128x64xf32, #tpu.memory_space<vmem>>, vector<1x16xf32>,
      %get3A_259 = arith.index_cast %add3A_235 : i32 to index
      %get3A_260 = arith.constant 16 : index
      %get3A_261 = tpu.vector_load %arg9[%get3A_259, %get3A_260] {strides = array<i32>} : memref<128x128xf32, #tpu.memory_space<vmem>>, vector<1x16xf32>,
      %get3A_262 = vector.shape_cast %get3A_261 : vector<1x16xf32> to vector<16xf32>
      %get3A_263 = arith.index_cast %add3A_235 : i32 to index
      %get3A_264 = arith.constant 16 : index
      %get3A_265 = tpu.vector_load %arg10[%get3A_263, %get3A_264] {strides = array<i32>} : memref<128x64xf32, #tpu.memory_space<vmem>>, vector<1x16xf32>,
      %get3A_266 = vector.shape_cast %get3A_265 : vector<1x16xf32> to vector<16xf32>
      %sub3A_267 = arith.subf %get3A_262, %get3A_266 : vector<16xf32>
      %mul3A_268 = arith.mulf %sub3A_267, %sub3A_267 : vector<16xf32>
      %add3A_269 = arith.addf %add3A_246, %mul3A_268 : vector<16xf32>
      %add3A_270 = arith.addf %get3A_266, %sub3A_267 : vector<16xf32>
      %swap3A_271 = arith.index_cast %add3A_235 : i32 to index
      %swap3A_272 = arith.constant 16 : index
      %swap3A_273 = tpu.vector_load %arg11[%swap3A_271, %swap3A_272] {strides = array<i32>} : memref<128x64xf32, #tpu.memory_space<vmem>>, vector<1x16xf32>,
      %swap3A_274 = vector.shape_cast %swap3A_273 : vector<1x16xf32> to vector<16xf32>
      %swap3A_275 = vector.shape_cast %add3A_270 : vector<16xf32> to vector<1x16xf32>
      tpu.vector_store %arg11[%swap3A_271, %swap3A_272], %swap3A_275 {strides = array<i32>} : memref<128x64xf32, #tpu.memory_space<vmem>>, vector<1x16xf32>,
      %sub3A_276 = arith.subf %get3A_266, %add3A_270 : vector<16xf32>
      %swap3A_277 = arith.index_cast %add3A_235 : i32 to index
      %swap3A_278 = arith.constant 16 : index
      %swap3A_279 = tpu.vector_load %arg10[%swap3A_277, %swap3A_278] {strides = array<i32>} : memref<128x64xf32, #tpu.memory_space<vmem>>, vector<1x16xf32>,
      %swap3A_280 = vector.shape_cast %swap3A_279 : vector<1x16xf32> to vector<16xf32>
      %swap3A_281 = vector.shape_cast %sub3A_276 : vector<16xf32> to vector<1x16xf32>
      tpu.vector_store %arg10[%swap3A_277, %swap3A_278], %swap3A_281 {strides = array<i32>} : memref<128x64xf32, #tpu.memory_space<vmem>>, vector<1x16xf32>,
      %get3A_282 = arith.index_cast %add3A_235 : i32 to index
      %get3A_283 = arith.constant 32 : index
      %get3A_284 = tpu.vector_load %arg9[%get3A_282, %get3A_283] {strides = array<i32>} : memref<128x128xf32, #tpu.memory_space<vmem>>, vector<1x16xf32>,
      %get3A_285 = vector.shape_cast %get3A_284 : vector<1x16xf32> to vector<16xf32>
      %get3A_286 = arith.index_cast %add3A_235 : i32 to index
      %get3A_287 = arith.constant 32 : index
      %get3A_288 = tpu.vector_load %arg10[%get3A_286, %get3A_287] {strides = array<i32>} : memref<128x64xf32, #tpu.memory_space<vmem>>, vector<1x16xf32>,
      %get3A_289 = vector.shape_cast %get3A_288 : vector<1x16xf32> to vector<16xf32>
      %sub3A_290 = arith.subf %get3A_285, %get3A_289 : vector<16xf32>
      %mul3A_291 = arith.mulf %sub3A_290, %sub3A_290 : vector<16xf32>
      %add3A_292 = arith.addf %add3A_269, %mul3A_291 : vector<16xf32>
      %add3A_293 = arith.addf %get3A_289, %sub3A_290 : vector<16xf32>
      %swap3A_294 = arith.index_cast %add3A_235 : i32 to index
      %swap3A_295 = arith.constant 32 : index
      %swap3A_296 = tpu.vector_load %arg11[%swap3A_294, %swap3A_295] {strides = array<i32>} : memref<128x64xf32, #tpu.memory_space<vmem>>, vector<1x16xf32>,
      %swap3A_297 = vector.shape_cast %swap3A_296 : vector<1x16xf32> to vector<16xf32>
      %swap3A_298 = vector.shape_cast %add3A_293 : vector<16xf32> to vector<1x16xf32>
      tpu.vector_store %arg11[%swap3A_294, %swap3A_295], %swap3A_298 {strides = array<i32>} : memref<128x64xf32, #tpu.memory_space<vmem>>, vector<1x16xf32>,
      %sub3A_299 = arith.subf %get3A_289, %add3A_293 : vector<16xf32>
      %swap3A_300 = arith.index_cast %add3A_235 : i32 to index
      %swap3A_301 = arith.constant 32 : index
      %swap3A_302 = tpu.vector_load %arg10[%swap3A_300, %swap3A_301] {strides = array<i32>} : memref<128x64xf32, #tpu.memory_space<vmem>>, vector<1x16xf32>,
      %swap3A_303 = vector.shape_cast %swap3A_302 : vector<1x16xf32> to vector<16xf32>
      %swap3A_304 = vector.shape_cast %sub3A_299 : vector<16xf32> to vector<1x16xf32>
      tpu.vector_store %arg10[%swap3A_300, %swap3A_301], %swap3A_304 {strides = array<i32>} : memref<128x64xf32, #tpu.memory_space<vmem>>, vector<1x16xf32>,
      %get3A_305 = arith.index_cast %add3A_235 : i32 to index
      %get3A_306 = arith.constant 48 : index
      %get3A_307 = tpu.vector_load %arg9[%get3A_305, %get3A_306] {strides = array<i32>} : memref<128x128xf32, #tpu.memory_space<vmem>>, vector<1x16xf32>,
      %get3A_308 = vector.shape_cast %get3A_307 : vector<1x16xf32> to vector<16xf32>
      %get3A_309 = arith.index_cast %add3A_235 : i32 to index
      %get3A_310 = arith.constant 48 : index
      %get3A_311 = tpu.vector_load %arg10[%get3A_309, %get3A_310] {strides = array<i32>} : memref<128x64xf32, #tpu.memory_space<vmem>>, vector<1x16xf32>,
      %get3A_312 = vector.shape_cast %get3A_311 : vector<1x16xf32> to vector<16xf32>
      %sub3A_313 = arith.subf %get3A_308, %get3A_312 : vector<16xf32>
      %mul3A_314 = arith.mulf %sub3A_313, %sub3A_313 : vector<16xf32>
      %add3A_315 = arith.addf %add3A_292, %mul3A_314 : vector<16xf32>
      %add3A_316 = arith.addf %get3A_312, %sub3A_313 : vector<16xf32>
      %swap3A_317 = arith.index_cast %add3A_235 : i32 to index
      %swap3A_318 = arith.constant 48 : index
      %swap3A_319 = tpu.vector_load %arg11[%swap3A_317, %swap3A_318] {strides = array<i32>} : memref<128x64xf32, #tpu.memory_space<vmem>>, vector<1x16xf32>,
      %swap3A_320 = vector.shape_cast %swap3A_319 : vector<1x16xf32> to vector<16xf32>
      %swap3A_321 = vector.shape_cast %add3A_316 : vector<16xf32> to vector<1x16xf32>
      tpu.vector_store %arg11[%swap3A_317, %swap3A_318], %swap3A_321 {strides = array<i32>} : memref<128x64xf32, #tpu.memory_space<vmem>>, vector<1x16xf32>,
      %sub3A_322 = arith.subf %get3A_312, %add3A_316 : vector<16xf32>
      %swap3A_323 = arith.index_cast %add3A_235 : i32 to index
      %swap3A_324 = arith.constant 48 : index
      %swap3A_325 = tpu.vector_load %arg10[%swap3A_323, %swap3A_324] {strides = array<i32>} : memref<128x64xf32, #tpu.memory_space<vmem>>, vector<1x16xf32>,
      %swap3A_326 = vector.shape_cast %swap3A_325 : vector<1x16xf32> to vector<16xf32>
      %swap3A_327 = vector.shape_cast %sub3A_322 : vector<16xf32> to vector<1x16xf32>
      tpu.vector_store %arg10[%swap3A_323, %swap3A_324], %swap3A_327 {strides = array<i32>} : memref<128x64xf32, #tpu.memory_space<vmem>>, vector<1x16xf32>,
      %mul3A_328 = arith.constant 4 : i32
      %mul3A_329 = arith.muli %scan3A_40, %mul3A_328 : i32
      %add3A_330 = arith.constant 3 : i32
      %add3A_331 = arith.addi %mul3A_329, %add3A_330 : i32
      %get3A_332 = arith.index_cast %add3A_331 : i32 to index
      %get3A_333 = arith.constant 0 : index
      %get3A_334 = tpu.vector_load %arg9[%get3A_332, %get3A_333] {strides = array<i32>} : memref<128x128xf32, #tpu.memory_space<vmem>>, vector<1x16xf32>,
      %get3A_335 = vector.shape_cast %get3A_334 : vector<1x16xf32> to vector<16xf32>
      %get3A_336 = arith.index_cast %add3A_331 : i32 to index
      %get3A_337 = arith.constant 0 : index
      %get3A_338 = tpu.vector_load %arg10[%get3A_336, %get3A_337] {strides = array<i32>} : memref<128x64xf32, #tpu.memory_space<vmem>>, vector<1x16xf32>,
      %get3A_339 = vector.shape_cast %get3A_338 : vector<1x16xf32> to vector<16xf32>
      %sub3A_340 = arith.subf %get3A_335, %get3A_339 : vector<16xf32>
      %mul3A_341 = arith.mulf %sub3A_340, %sub3A_340 : vector<16xf32>
      %add3A_342 = arith.addf %add3A_315, %mul3A_341 : vector<16xf32>
      %add3A_343 = arith.addf %get3A_339, %sub3A_340 : vector<16xf32>
      %swap3A_344 = arith.index_cast %add3A_331 : i32 to index
      %swap3A_345 = arith.constant 0 : index
      %swap3A_346 = tpu.vector_load %arg11[%swap3A_344, %swap3A_345] {strides = array<i32>} : memref<128x64xf32, #tpu.memory_space<vmem>>, vector<1x16xf32>,
      %swap3A_347 = vector.shape_cast %swap3A_346 : vector<1x16xf32> to vector<16xf32>
      %swap3A_348 = vector.shape_cast %add3A_343 : vector<16xf32> to vector<1x16xf32>
      tpu.vector_store %arg11[%swap3A_344, %swap3A_345], %swap3A_348 {strides = array<i32>} : memref<128x64xf32, #tpu.memory_space<vmem>>, vector<1x16xf32>,
      %sub3A_349 = arith.subf %get3A_339, %add3A_343 : vector<16xf32>
      %swap3A_350 = arith.index_cast %add3A_331 : i32 to index
      %swap3A_351 = arith.constant 0 : index
      %swap3A_352 = tpu.vector_load %arg10[%swap3A_350, %swap3A_351] {strides = array<i32>} : memref<128x64xf32, #tpu.memory_space<vmem>>, vector<1x16xf32>,
      %swap3A_353 = vector.shape_cast %swap3A_352 : vector<1x16xf32> to vector<16xf32>
      %swap3A_354 = vector.shape_cast %sub3A_349 : vector<16xf32> to vector<1x16xf32>
      tpu.vector_store %arg10[%swap3A_350, %swap3A_351], %swap3A_354 {strides = array<i32>} : memref<128x64xf32, #tpu.memory_space<vmem>>, vector<1x16xf32>,
      %get3A_355 = arith.index_cast %add3A_331 : i32 to index
      %get3A_356 = arith.constant 16 : index
      %get3A_357 = tpu.vector_load %arg9[%get3A_355, %get3A_356] {strides = array<i32>} : memref<128x128xf32, #tpu.memory_space<vmem>>, vector<1x16xf32>,
      %get3A_358 = vector.shape_cast %get3A_357 : vector<1x16xf32> to vector<16xf32>
      %get3A_359 = arith.index_cast %add3A_331 : i32 to index
      %get3A_360 = arith.constant 16 : index
      %get3A_361 = tpu.vector_load %arg10[%get3A_359, %get3A_360] {strides = array<i32>} : memref<128x64xf32, #tpu.memory_space<vmem>>, vector<1x16xf32>,
      %get3A_362 = vector.shape_cast %get3A_361 : vector<1x16xf32> to vector<16xf32>
      %sub3A_363 = arith.subf %get3A_358, %get3A_362 : vector<16xf32>
      %mul3A_364 = arith.mulf %sub3A_363, %sub3A_363 : vector<16xf32>
      %add3A_365 = arith.addf %add3A_342, %mul3A_364 : vector<16xf32>
      %add3A_366 = arith.addf %get3A_362, %sub3A_363 : vector<16xf32>
      %swap3A_367 = arith.index_cast %add3A_331 : i32 to index
      %swap3A_368 = arith.constant 16 : index
      %swap3A_369 = tpu.vector_load %arg11[%swap3A_367, %swap3A_368] {strides = array<i32>} : memref<128x64xf32, #tpu.memory_space<vmem>>, vector<1x16xf32>,
      %swap3A_370 = vector.shape_cast %swap3A_369 : vector<1x16xf32> to vector<16xf32>
      %swap3A_371 = vector.shape_cast %add3A_366 : vector<16xf32> to vector<1x16xf32>
      tpu.vector_store %arg11[%swap3A_367, %swap3A_368], %swap3A_371 {strides = array<i32>} : memref<128x64xf32, #tpu.memory_space<vmem>>, vector<1x16xf32>,
      %sub3A_372 = arith.subf %get3A_362, %add3A_366 : vector<16xf32>
      %swap3A_373 = arith.index_cast %add3A_331 : i32 to index
      %swap3A_374 = arith.constant 16 : index
      %swap3A_375 = tpu.vector_load %arg10[%swap3A_373, %swap3A_374] {strides = array<i32>} : memref<128x64xf32, #tpu.memory_space<vmem>>, vector<1x16xf32>,
      %swap3A_376 = vector.shape_cast %swap3A_375 : vector<1x16xf32> to vector<16xf32>
      %swap3A_377 = vector.shape_cast %sub3A_372 : vector<16xf32> to vector<1x16xf32>
      tpu.vector_store %arg10[%swap3A_373, %swap3A_374], %swap3A_377 {strides = array<i32>} : memref<128x64xf32, #tpu.memory_space<vmem>>, vector<1x16xf32>,
      %get3A_378 = arith.index_cast %add3A_331 : i32 to index
      %get3A_379 = arith.constant 32 : index
      %get3A_380 = tpu.vector_load %arg9[%get3A_378, %get3A_379] {strides = array<i32>} : memref<128x128xf32, #tpu.memory_space<vmem>>, vector<1x16xf32>,
      %get3A_381 = vector.shape_cast %get3A_380 : vector<1x16xf32> to vector<16xf32>
      %get3A_382 = arith.index_cast %add3A_331 : i32 to index
      %get3A_383 = arith.constant 32 : index
      %get3A_384 = tpu.vector_load %arg10[%get3A_382, %get3A_383] {strides = array<i32>} : memref<128x64xf32, #tpu.memory_space<vmem>>, vector<1x16xf32>,
      %get3A_385 = vector.shape_cast %get3A_384 : vector<1x16xf32> to vector<16xf32>
      %sub3A_386 = arith.subf %get3A_381, %get3A_385 : vector<16xf32>
      %mul3A_387 = arith.mulf %sub3A_386, %sub3A_386 : vector<16xf32>
      %add3A_388 = arith.addf %add3A_365, %mul3A_387 : vector<16xf32>
      %add3A_389 = arith.addf %get3A_385, %sub3A_386 : vector<16xf32>
      %swap3A_390 = arith.index_cast %add3A_331 : i32 to index
      %swap3A_391 = arith.constant 32 : index
      %swap3A_392 = tpu.vector_load %arg11[%swap3A_390, %swap3A_391] {strides = array<i32>} : memref<128x64xf32, #tpu.memory_space<vmem>>, vector<1x16xf32>,
      %swap3A_393 = vector.shape_cast %swap3A_392 : vector<1x16xf32> to vector<16xf32>
      %swap3A_394 = vector.shape_cast %add3A_389 : vector<16xf32> to vector<1x16xf32>
      tpu.vector_store %arg11[%swap3A_390, %swap3A_391], %swap3A_394 {strides = array<i32>} : memref<128x64xf32, #tpu.memory_space<vmem>>, vector<1x16xf32>,
      %sub3A_395 = arith.subf %get3A_385, %add3A_389 : vector<16xf32>
      %swap3A_396 = arith.index_cast %add3A_331 : i32 to index
      %swap3A_397 = arith.constant 32 : index
      %swap3A_398 = tpu.vector_load %arg10[%swap3A_396, %swap3A_397] {strides = array<i32>} : memref<128x64xf32, #tpu.memory_space<vmem>>, vector<1x16xf32>,
      %swap3A_399 = vector.shape_cast %swap3A_398 : vector<1x16xf32> to vector<16xf32>
      %swap3A_400 = vector.shape_cast %sub3A_395 : vector<16xf32> to vector<1x16xf32>
      tpu.vector_store %arg10[%swap3A_396, %swap3A_397], %swap3A_400 {strides = array<i32>} : memref<128x64xf32, #tpu.memory_space<vmem>>, vector<1x16xf32>,
      %get3A_401 = arith.index_cast %add3A_331 : i32 to index
      %get3A_402 = arith.constant 48 : index
      %get3A_403 = tpu.vector_load %arg9[%get3A_401, %get3A_402] {strides = array<i32>} : memref<128x128xf32, #tpu.memory_space<vmem>>, vector<1x16xf32>,
      %get3A_404 = vector.shape_cast %get3A_403 : vector<1x16xf32> to vector<16xf32>
      %get3A_405 = arith.index_cast %add3A_331 : i32 to index
      %get3A_406 = arith.constant 48 : index
      %get3A_407 = tpu.vector_load %arg10[%get3A_405, %get3A_406] {strides = array<i32>} : memref<128x64xf32, #tpu.memory_space<vmem>>, vector<1x16xf32>,
      %get3A_408 = vector.shape_cast %get3A_407 : vector<1x16xf32> to vector<16xf32>
      %sub3A_409 = arith.subf %get3A_404, %get3A_408 : vector<16xf32>
      %mul3A_410 = arith.mulf %sub3A_409, %sub3A_409 : vector<16xf32>
      %add3A_411 = arith.addf %add3A_388, %mul3A_410 : vector<16xf32>
      %add3A_412 = arith.addf %get3A_408, %sub3A_409 : vector<16xf32>
      %swap3A_413 = arith.index_cast %add3A_331 : i32 to index
      %swap3A_414 = arith.constant 48 : index
      %swap3A_415 = tpu.vector_load %arg11[%swap3A_413, %swap3A_414] {strides = array<i32>} : memref<128x64xf32, #tpu.memory_space<vmem>>, vector<1x16xf32>,
      %swap3A_416 = vector.shape_cast %swap3A_415 : vector<1x16xf32> to vector<16xf32>
      %swap3A_417 = vector.shape_cast %add3A_412 : vector<16xf32> to vector<1x16xf32>
      tpu.vector_store %arg11[%swap3A_413, %swap3A_414], %swap3A_417 {strides = array<i32>} : memref<128x64xf32, #tpu.memory_space<vmem>>, vector<1x16xf32>,
      %sub3A_418 = arith.subf %get3A_408, %add3A_412 : vector<16xf32>
      %swap3A_419 = arith.index_cast %add3A_331 : i32 to index
      %swap3A_420 = arith.constant 48 : index
      %swap3A_421 = tpu.vector_load %arg10[%swap3A_419, %swap3A_420] {strides = array<i32>} : memref<128x64xf32, #tpu.memory_space<vmem>>, vector<1x16xf32>,
      %swap3A_422 = vector.shape_cast %swap3A_421 : vector<1x16xf32> to vector<16xf32>
      %swap3A_423 = vector.shape_cast %sub3A_418 : vector<16xf32> to vector<1x16xf32>
      tpu.vector_store %arg10[%swap3A_419, %swap3A_420], %swap3A_423 {strides = array<i32>} : memref<128x64xf32, #tpu.memory_space<vmem>>, vector<1x16xf32>,
      scf.yield %add3A_411 : vector<16xf32>
    }
    %scan3A_20 = arith.constant 32 : i32
    %swap3A = arith.constant 0 : index
    %swap3A_21 = tpu.vector_load %arg12[%swap3A] {strides = array<i32>} : memref<16xf32, #tpu.memory_space<vmem>>, vector<16xf32>,
    %swap3A_22 = vector.shape_cast %swap3A_21 : vector<16xf32> to vector<16xf32>
    %swap3A_23 = vector.shape_cast %scan3A_19 : vector<16xf32> to vector<16xf32>
    tpu.vector_store %arg12[%swap3A], %swap3A_23 {strides = array<i32>} : memref<16xf32, #tpu.memory_space<vmem>>, vector<16xf32>,
    %dma_start3A_24 = arith.constant 0 : i32
    %dma_start3A_25 = tpu.memref_slice %arg5[%mul3A_2, %dma_start3A_24] : memref<4096x64xf32, #tpu.memory_space<hbm>> -> memref<128x64xf32, #tpu.memory_space<hbm>>
    %dma_start3A_26 = arith.constant 0 : i32
    %dma_start3A_27 = tpu.memref_slice %arg5[%mul3A_2, %dma_start3A_26] : memref<4096x64xf32, #tpu.memory_space<hbm>> -> memref<128x64xf32, #tpu.memory_space<hbm>>
    tpu.enqueue_dma source(%arg11 : memref<128x64xf32, #tpu.memory_space<vmem>>) target(%dma_start3A_27 : memref<128x64xf32, #tpu.memory_space<hbm>>) target_semaphore(%arg13 : memref<!tpu.dma_semaphore, #tpu.memory_space<semaphore_mem>>)
    %dma_start3A_28 = arith.constant 0 : i32
    %dma_start3A_29 = tpu.memref_slice %arg6[%mul3A_2, %dma_start3A_28] : memref<4096x64xf32, #tpu.memory_space<hbm>> -> memref<128x64xf32, #tpu.memory_space<hbm>>
    %dma_start3A_30 = arith.constant 0 : i32
    %dma_start3A_31 = tpu.memref_slice %arg6[%mul3A_2, %dma_start3A_30] : memref<4096x64xf32, #tpu.memory_space<hbm>> -> memref<128x64xf32, #tpu.memory_space<hbm>>
    tpu.enqueue_dma source(%arg10 : memref<128x64xf32, #tpu.memory_space<vmem>>) target(%dma_start3A_31 : memref<128x64xf32, #tpu.memory_space<hbm>>) target_semaphore(%arg14 : memref<!tpu.dma_semaphore, #tpu.memory_space<semaphore_mem>>)
    "tpu.region"() ({
      %run_scoped3A = tpu.sem_alloc : memref<!tpu.dma_semaphore, #tpu.memory_space<semaphore_mem>>
      %dma_start3A_40 = arith.constant 0 : i32
      %dma_start3A_41 = tpu.memref_slice %arg7[%add3A, %dma_start3A_40] : memref<32x16xf32, #tpu.memory_space<hbm>> -> memref<1x16xf32, #tpu.memory_space<hbm>>
      %dma_start3A_42 = tpu.memref_squeeze %dma_start3A_41 : memref<1x16xf32, #tpu.memory_space<hbm>> -> memref<16xf32, #tpu.memory_space<hbm>>
      %dma_start3A_43 = arith.constant 0 : i32
      %dma_start3A_44 = tpu.memref_slice %arg7[%add3A, %dma_start3A_43] : memref<32x16xf32, #tpu.memory_space<hbm>> -> memref<1x16xf32, #tpu.memory_space<hbm>>
      %dma_start3A_45 = tpu.memref_squeeze %dma_start3A_44 : memref<1x16xf32, #tpu.memory_space<hbm>> -> memref<16xf32, #tpu.memory_space<hbm>>
      tpu.enqueue_dma source(%arg12 : memref<16xf32, #tpu.memory_space<vmem>>) target(%dma_start3A_45 : memref<16xf32, #tpu.memory_space<hbm>>) target_semaphore(%run_scoped3A : memref<!tpu.dma_semaphore, #tpu.memory_space<semaphore_mem>>)
      %dma_wait3A_46 = arith.constant 0 : i32
      %dma_wait3A_47 = tpu.memref_slice %arg7[%add3A, %dma_wait3A_46] : memref<32x16xf32, #tpu.memory_space<hbm>> -> memref<1x16xf32, #tpu.memory_space<hbm>>
      %dma_wait3A_48 = tpu.memref_squeeze %dma_wait3A_47 : memref<1x16xf32, #tpu.memory_space<hbm>> -> memref<16xf32, #tpu.memory_space<hbm>>
      %dma_wait3A_49 = arith.constant 0 : i32
      %dma_wait3A_50 = tpu.memref_slice %arg7[%add3A, %dma_wait3A_49] : memref<32x16xf32, #tpu.memory_space<hbm>> -> memref<1x16xf32, #tpu.memory_space<hbm>>
      %dma_wait3A_51 = tpu.memref_squeeze %dma_wait3A_50 : memref<1x16xf32, #tpu.memory_space<hbm>> -> memref<16xf32, #tpu.memory_space<hbm>>
      tpu.wait_dma2 semaphore(%run_scoped3A : memref<!tpu.dma_semaphore, #tpu.memory_space<semaphore_mem>>) src(%arg12 : memref<16xf32, #tpu.memory_space<vmem>>) dst(%dma_wait3A_51 : memref<16xf32, #tpu.memory_space<hbm>>)
      tpu.yield
    }) : () -> ()
    %dma_wait3A_32 = arith.constant 0 : i32
    %dma_wait3A_33 = tpu.memref_slice %arg5[%mul3A_2, %dma_wait3A_32] : memref<4096x64xf32, #tpu.memory_space<hbm>> -> memref<128x64xf32, #tpu.memory_space<hbm>>
    %dma_wait3A_34 = arith.constant 0 : i32
    %dma_wait3A_35 = tpu.memref_slice %arg5[%mul3A_2, %dma_wait3A_34] : memref<4096x64xf32, #tpu.memory_space<hbm>> -> memref<128x64xf32, #tpu.memory_space<hbm>>
    tpu.wait_dma2 semaphore(%arg13 : memref<!tpu.dma_semaphore, #tpu.memory_space<semaphore_mem>>) src(%arg11 : memref<128x64xf32, #tpu.memory_space<vmem>>) dst(%dma_wait3A_35 : memref<128x64xf32, #tpu.memory_space<hbm>>)
    %dma_wait3A_36 = arith.constant 0 : i32
    %dma_wait3A_37 = tpu.memref_slice %arg6[%mul3A_2, %dma_wait3A_36] : memref<4096x64xf32, #tpu.memory_space<hbm>> -> memref<128x64xf32, #tpu.memory_space<hbm>>
    %dma_wait3A_38 = arith.constant 0 : i32
    %dma_wait3A_39 = tpu.memref_slice %arg6[%mul3A_2, %dma_wait3A_38] : memref<4096x64xf32, #tpu.memory_space<hbm>> -> memref<128x64xf32, #tpu.memory_space<hbm>>
    tpu.wait_dma2 semaphore(%arg14 : memref<!tpu.dma_semaphore, #tpu.memory_space<semaphore_mem>>) src(%arg10 : memref<128x64xf32, #tpu.memory_space<vmem>>) dst(%dma_wait3A_39 : memref<128x64xf32, #tpu.memory_space<hbm>>)
    return
  }
}

module attributes {stable_mosaic.version = 14 : i64} {
  func.func @_argmin_block(%arg0: i32, %arg1: memref<1024x64xf32, #tpu.memory_space<vmem>>, %arg2: memref<8192x64xf32, #tpu.memory_space<vmem>>, %arg3: memref<1x8192xf32, #tpu.memory_space<vmem>>, %arg4: memref<1x1x1024xi32, #tpu.memory_space<vmem>>) attributes {dimension_semantics = [#tpu.dimension_semantics<arbitrary>], iteration_bounds = array<i64: 4>, scalar_prefetch = 0 : i64, scratch_operands = 0 : i64, tpu.core_type = #tpu.core_type<tc>, window_params = [{transform_indices = @transform_0, window_bounds = array<i64: 1024, 64>}, {pipeline_mode = #tpu.pipeline_mode<synchronous>, transform_indices = @transform_1, window_bounds = array<i64: 8192, 64>}, {pipeline_mode = #tpu.pipeline_mode<synchronous>, transform_indices = @transform_2, window_bounds = array<i64: 1, 8192>}, {transform_indices = @transform_3, window_bounds = array<i64: 1, 1, 1024>}]} {
    %get3A = arith.constant 0 : index
    %get3A_0 = arith.constant 0 : index
    %get3A_1 = vector.load %arg1[%get3A, %get3A_0] : memref<1024x64xf32, #tpu.memory_space<vmem>>, vector<1024x64xf32>
    %mul3A = arith.constant 2.000000e+00 : f32
    %mul3A_2 = vector.broadcast %mul3A : f32 to vector<1024x64xf32>
    %mul3A_3 = arith.mulf %get3A_1, %mul3A_2 : vector<1024x64xf32>
    %mul3A_4 = arith.mulf %get3A_1, %get3A_1 : vector<1024x64xf32>
    %reduce_sum3A = arith.constant dense<0.000000e+00> : vector<1024xf32>
    %reduce_sum3A_5 = vector.multi_reduction <add>, %mul3A_4, %reduce_sum3A [1] : vector<1024x64xf32> to vector<1024xf32>
    %broadcast_in_dim3A = vector.shape_cast %reduce_sum3A_5 : vector<1024xf32> to vector<1024x1xf32>
    %broadcast_in_dim3A_6 = arith.constant 0x7F800000 : f32
    %broadcast_in_dim3A_7 = vector.broadcast %broadcast_in_dim3A_6 : f32 to vector<1024xf32>
    %broadcast_in_dim3A_8 = arith.constant 0.000000e+00 : f32
    %broadcast_in_dim3A_9 = vector.broadcast %broadcast_in_dim3A_8 : f32 to vector<1024xf32>
    %iota3A = tpu.iota {dimensions = array<i32: 1>} : vector<1024x1024xi32>
    %convert_element_type3A = arith.sitofp %iota3A : vector<1024x1024xi32> to vector<1024x1024xf32>
    %get3A_10 = arith.constant 0 : index
    %get3A_11 = arith.constant 0 : index
    %get3A_12 = vector.load %arg2[%get3A_10, %get3A_11] : memref<8192x64xf32, #tpu.memory_space<vmem>>, vector<1024x64xf32>
    %dot_general3A = arith.constant dense<0.000000e+00> : vector<1024x1024xf32>
    %dot_general3A_13 = tpu.matmul %mul3A_3, %get3A_12, %dot_general3A {dimension_numbers = #tpu.dot_dimension_numbers<[1], [1], [0], [0], [0, 0, 1, 0], [], []>, transpose_lhs_hint = false} : vector<1024x64xf32>, vector<1024x64xf32>, vector<1024x1024xf32> -> vector<1024x1024xf32>
    %sub3A = vector.broadcast %broadcast_in_dim3A : vector<1024x1xf32> to vector<1024x1024xf32>
    %sub3A_14 = arith.subf %sub3A, %dot_general3A_13 : vector<1024x1024xf32>
    %get3A_15 = arith.constant 0 : index
    %get3A_16 = arith.constant 0 : index
    %get3A_17 = vector.load %arg3[%get3A_15, %get3A_16] : memref<1x8192xf32, #tpu.memory_space<vmem>>, vector<1x1024xf32>
    %add3A = vector.broadcast %get3A_17 : vector<1x1024xf32> to vector<1024x1024xf32>
    %add3A_18 = arith.addf %sub3A_14, %add3A : vector<1024x1024xf32>
    %reduce_min3A = arith.constant dense<0x7F800000> : vector<1024xf32>
    %reduce_min3A_19 = vector.multi_reduction <minimumf>, %add3A_18, %reduce_min3A [1] : vector<1024x1024xf32> to vector<1024xf32>
    %broadcast_in_dim3A_20 = vector.shape_cast %reduce_min3A_19 : vector<1024xf32> to vector<1024x1xf32>
    %eq3A = vector.broadcast %broadcast_in_dim3A_20 : vector<1024x1xf32> to vector<1024x1024xf32>
    %eq3A_21 = arith.cmpf oeq, %add3A_18, %eq3A : vector<1024x1024xf32>
    %jit3A = arith.constant 8.192000e+03 : f32
    %broadcast_in_dim3A_22 = vector.broadcast %jit3A : f32 to vector<1024x1024xf32>
    %select_n3A = arith.select %eq3A_21, %convert_element_type3A, %broadcast_in_dim3A_22 : vector<1024x1024xi1>, vector<1024x1024xf32>
    %reduce_min3A_23 = arith.constant dense<0x7F800000> : vector<1024xf32>
    %reduce_min3A_24 = vector.multi_reduction <minimumf>, %select_n3A, %reduce_min3A_23 [1] : vector<1024x1024xf32> to vector<1024xf32>
    %add3A_25 = arith.constant 0.000000e+00 : f32
    %add3A_26 = vector.broadcast %add3A_25 : f32 to vector<1024xf32>
    %add3A_27 = arith.addf %reduce_min3A_24, %add3A_26 : vector<1024xf32>
    %lt3A = arith.cmpf olt, %reduce_min3A_19, %broadcast_in_dim3A_7 : vector<1024xf32>
    %select_n3A_28 = arith.select %lt3A, %reduce_min3A_19, %broadcast_in_dim3A_7 : vector<1024xi1>, vector<1024xf32>
    %select_n3A_29 = arith.select %lt3A, %add3A_27, %broadcast_in_dim3A_9 : vector<1024xi1>, vector<1024xf32>
    %get3A_30 = arith.constant 1024 : index
    %get3A_31 = arith.constant 0 : index
    %get3A_32 = vector.load %arg2[%get3A_30, %get3A_31] : memref<8192x64xf32, #tpu.memory_space<vmem>>, vector<1024x64xf32>
    %dot_general3A_33 = arith.constant dense<0.000000e+00> : vector<1024x1024xf32>
    %dot_general3A_34 = tpu.matmul %mul3A_3, %get3A_32, %dot_general3A_33 {dimension_numbers = #tpu.dot_dimension_numbers<[1], [1], [0], [0], [0, 0, 1, 0], [], []>, transpose_lhs_hint = false} : vector<1024x64xf32>, vector<1024x64xf32>, vector<1024x1024xf32> -> vector<1024x1024xf32>
    %sub3A_35 = vector.broadcast %broadcast_in_dim3A : vector<1024x1xf32> to vector<1024x1024xf32>
    %sub3A_36 = arith.subf %sub3A_35, %dot_general3A_34 : vector<1024x1024xf32>
    %get3A_37 = arith.constant 0 : index
    %get3A_38 = arith.constant 1024 : index
    %get3A_39 = vector.load %arg3[%get3A_37, %get3A_38] : memref<1x8192xf32, #tpu.memory_space<vmem>>, vector<1x1024xf32>
    %add3A_40 = vector.broadcast %get3A_39 : vector<1x1024xf32> to vector<1024x1024xf32>
    %add3A_41 = arith.addf %sub3A_36, %add3A_40 : vector<1024x1024xf32>
    %reduce_min3A_42 = arith.constant dense<0x7F800000> : vector<1024xf32>
    %reduce_min3A_43 = vector.multi_reduction <minimumf>, %add3A_41, %reduce_min3A_42 [1] : vector<1024x1024xf32> to vector<1024xf32>
    %broadcast_in_dim3A_44 = vector.shape_cast %reduce_min3A_43 : vector<1024xf32> to vector<1024x1xf32>
    %eq3A_45 = vector.broadcast %broadcast_in_dim3A_44 : vector<1024x1xf32> to vector<1024x1024xf32>
    %eq3A_46 = arith.cmpf oeq, %add3A_41, %eq3A_45 : vector<1024x1024xf32>
    %jit3A_47 = arith.constant 8.192000e+03 : f32
    %broadcast_in_dim3A_48 = vector.broadcast %jit3A_47 : f32 to vector<1024x1024xf32>
    %select_n3A_49 = arith.select %eq3A_46, %convert_element_type3A, %broadcast_in_dim3A_48 : vector<1024x1024xi1>, vector<1024x1024xf32>
    %reduce_min3A_50 = arith.constant dense<0x7F800000> : vector<1024xf32>
    %reduce_min3A_51 = vector.multi_reduction <minimumf>, %select_n3A_49, %reduce_min3A_50 [1] : vector<1024x1024xf32> to vector<1024xf32>
    %add3A_52 = arith.constant 1.024000e+03 : f32
    %add3A_53 = vector.broadcast %add3A_52 : f32 to vector<1024xf32>
    %add3A_54 = arith.addf %reduce_min3A_51, %add3A_53 : vector<1024xf32>
    %lt3A_55 = arith.cmpf olt, %reduce_min3A_43, %select_n3A_28 : vector<1024xf32>
    %select_n3A_56 = arith.select %lt3A_55, %reduce_min3A_43, %select_n3A_28 : vector<1024xi1>, vector<1024xf32>
    %select_n3A_57 = arith.select %lt3A_55, %add3A_54, %select_n3A_29 : vector<1024xi1>, vector<1024xf32>
    %get3A_58 = arith.constant 2048 : index
    %get3A_59 = arith.constant 0 : index
    %get3A_60 = vector.load %arg2[%get3A_58, %get3A_59] : memref<8192x64xf32, #tpu.memory_space<vmem>>, vector<1024x64xf32>
    %dot_general3A_61 = arith.constant dense<0.000000e+00> : vector<1024x1024xf32>
    %dot_general3A_62 = tpu.matmul %mul3A_3, %get3A_60, %dot_general3A_61 {dimension_numbers = #tpu.dot_dimension_numbers<[1], [1], [0], [0], [0, 0, 1, 0], [], []>, transpose_lhs_hint = false} : vector<1024x64xf32>, vector<1024x64xf32>, vector<1024x1024xf32> -> vector<1024x1024xf32>
    %sub3A_63 = vector.broadcast %broadcast_in_dim3A : vector<1024x1xf32> to vector<1024x1024xf32>
    %sub3A_64 = arith.subf %sub3A_63, %dot_general3A_62 : vector<1024x1024xf32>
    %get3A_65 = arith.constant 0 : index
    %get3A_66 = arith.constant 2048 : index
    %get3A_67 = vector.load %arg3[%get3A_65, %get3A_66] : memref<1x8192xf32, #tpu.memory_space<vmem>>, vector<1x1024xf32>
    %add3A_68 = vector.broadcast %get3A_67 : vector<1x1024xf32> to vector<1024x1024xf32>
    %add3A_69 = arith.addf %sub3A_64, %add3A_68 : vector<1024x1024xf32>
    %reduce_min3A_70 = arith.constant dense<0x7F800000> : vector<1024xf32>
    %reduce_min3A_71 = vector.multi_reduction <minimumf>, %add3A_69, %reduce_min3A_70 [1] : vector<1024x1024xf32> to vector<1024xf32>
    %broadcast_in_dim3A_72 = vector.shape_cast %reduce_min3A_71 : vector<1024xf32> to vector<1024x1xf32>
    %eq3A_73 = vector.broadcast %broadcast_in_dim3A_72 : vector<1024x1xf32> to vector<1024x1024xf32>
    %eq3A_74 = arith.cmpf oeq, %add3A_69, %eq3A_73 : vector<1024x1024xf32>
    %jit3A_75 = arith.constant 8.192000e+03 : f32
    %broadcast_in_dim3A_76 = vector.broadcast %jit3A_75 : f32 to vector<1024x1024xf32>
    %select_n3A_77 = arith.select %eq3A_74, %convert_element_type3A, %broadcast_in_dim3A_76 : vector<1024x1024xi1>, vector<1024x1024xf32>
    %reduce_min3A_78 = arith.constant dense<0x7F800000> : vector<1024xf32>
    %reduce_min3A_79 = vector.multi_reduction <minimumf>, %select_n3A_77, %reduce_min3A_78 [1] : vector<1024x1024xf32> to vector<1024xf32>
    %add3A_80 = arith.constant 2.048000e+03 : f32
    %add3A_81 = vector.broadcast %add3A_80 : f32 to vector<1024xf32>
    %add3A_82 = arith.addf %reduce_min3A_79, %add3A_81 : vector<1024xf32>
    %lt3A_83 = arith.cmpf olt, %reduce_min3A_71, %select_n3A_56 : vector<1024xf32>
    %select_n3A_84 = arith.select %lt3A_83, %reduce_min3A_71, %select_n3A_56 : vector<1024xi1>, vector<1024xf32>
    %select_n3A_85 = arith.select %lt3A_83, %add3A_82, %select_n3A_57 : vector<1024xi1>, vector<1024xf32>
    %get3A_86 = arith.constant 3072 : index
    %get3A_87 = arith.constant 0 : index
    %get3A_88 = vector.load %arg2[%get3A_86, %get3A_87] : memref<8192x64xf32, #tpu.memory_space<vmem>>, vector<1024x64xf32>
    %dot_general3A_89 = arith.constant dense<0.000000e+00> : vector<1024x1024xf32>
    %dot_general3A_90 = tpu.matmul %mul3A_3, %get3A_88, %dot_general3A_89 {dimension_numbers = #tpu.dot_dimension_numbers<[1], [1], [0], [0], [0, 0, 1, 0], [], []>, transpose_lhs_hint = false} : vector<1024x64xf32>, vector<1024x64xf32>, vector<1024x1024xf32> -> vector<1024x1024xf32>
    %sub3A_91 = vector.broadcast %broadcast_in_dim3A : vector<1024x1xf32> to vector<1024x1024xf32>
    %sub3A_92 = arith.subf %sub3A_91, %dot_general3A_90 : vector<1024x1024xf32>
    %get3A_93 = arith.constant 0 : index
    %get3A_94 = arith.constant 3072 : index
    %get3A_95 = vector.load %arg3[%get3A_93, %get3A_94] : memref<1x8192xf32, #tpu.memory_space<vmem>>, vector<1x1024xf32>
    %add3A_96 = vector.broadcast %get3A_95 : vector<1x1024xf32> to vector<1024x1024xf32>
    %add3A_97 = arith.addf %sub3A_92, %add3A_96 : vector<1024x1024xf32>
    %reduce_min3A_98 = arith.constant dense<0x7F800000> : vector<1024xf32>
    %reduce_min3A_99 = vector.multi_reduction <minimumf>, %add3A_97, %reduce_min3A_98 [1] : vector<1024x1024xf32> to vector<1024xf32>
    %broadcast_in_dim3A_100 = vector.shape_cast %reduce_min3A_99 : vector<1024xf32> to vector<1024x1xf32>
    %eq3A_101 = vector.broadcast %broadcast_in_dim3A_100 : vector<1024x1xf32> to vector<1024x1024xf32>
    %eq3A_102 = arith.cmpf oeq, %add3A_97, %eq3A_101 : vector<1024x1024xf32>
    %jit3A_103 = arith.constant 8.192000e+03 : f32
    %broadcast_in_dim3A_104 = vector.broadcast %jit3A_103 : f32 to vector<1024x1024xf32>
    %select_n3A_105 = arith.select %eq3A_102, %convert_element_type3A, %broadcast_in_dim3A_104 : vector<1024x1024xi1>, vector<1024x1024xf32>
    %reduce_min3A_106 = arith.constant dense<0x7F800000> : vector<1024xf32>
    %reduce_min3A_107 = vector.multi_reduction <minimumf>, %select_n3A_105, %reduce_min3A_106 [1] : vector<1024x1024xf32> to vector<1024xf32>
    %add3A_108 = arith.constant 3.072000e+03 : f32
    %add3A_109 = vector.broadcast %add3A_108 : f32 to vector<1024xf32>
    %add3A_110 = arith.addf %reduce_min3A_107, %add3A_109 : vector<1024xf32>
    %lt3A_111 = arith.cmpf olt, %reduce_min3A_99, %select_n3A_84 : vector<1024xf32>
    %select_n3A_112 = arith.select %lt3A_111, %reduce_min3A_99, %select_n3A_84 : vector<1024xi1>, vector<1024xf32>
    %select_n3A_113 = arith.select %lt3A_111, %add3A_110, %select_n3A_85 : vector<1024xi1>, vector<1024xf32>
    %get3A_114 = arith.constant 4096 : index
    %get3A_115 = arith.constant 0 : index
    %get3A_116 = vector.load %arg2[%get3A_114, %get3A_115] : memref<8192x64xf32, #tpu.memory_space<vmem>>, vector<1024x64xf32>
    %dot_general3A_117 = arith.constant dense<0.000000e+00> : vector<1024x1024xf32>
    %dot_general3A_118 = tpu.matmul %mul3A_3, %get3A_116, %dot_general3A_117 {dimension_numbers = #tpu.dot_dimension_numbers<[1], [1], [0], [0], [0, 0, 1, 0], [], []>, transpose_lhs_hint = false} : vector<1024x64xf32>, vector<1024x64xf32>, vector<1024x1024xf32> -> vector<1024x1024xf32>
    %sub3A_119 = vector.broadcast %broadcast_in_dim3A : vector<1024x1xf32> to vector<1024x1024xf32>
    %sub3A_120 = arith.subf %sub3A_119, %dot_general3A_118 : vector<1024x1024xf32>
    %get3A_121 = arith.constant 0 : index
    %get3A_122 = arith.constant 4096 : index
    %get3A_123 = vector.load %arg3[%get3A_121, %get3A_122] : memref<1x8192xf32, #tpu.memory_space<vmem>>, vector<1x1024xf32>
    %add3A_124 = vector.broadcast %get3A_123 : vector<1x1024xf32> to vector<1024x1024xf32>
    %add3A_125 = arith.addf %sub3A_120, %add3A_124 : vector<1024x1024xf32>
    %reduce_min3A_126 = arith.constant dense<0x7F800000> : vector<1024xf32>
    %reduce_min3A_127 = vector.multi_reduction <minimumf>, %add3A_125, %reduce_min3A_126 [1] : vector<1024x1024xf32> to vector<1024xf32>
    %broadcast_in_dim3A_128 = vector.shape_cast %reduce_min3A_127 : vector<1024xf32> to vector<1024x1xf32>
    %eq3A_129 = vector.broadcast %broadcast_in_dim3A_128 : vector<1024x1xf32> to vector<1024x1024xf32>
    %eq3A_130 = arith.cmpf oeq, %add3A_125, %eq3A_129 : vector<1024x1024xf32>
    %jit3A_131 = arith.constant 8.192000e+03 : f32
    %broadcast_in_dim3A_132 = vector.broadcast %jit3A_131 : f32 to vector<1024x1024xf32>
    %select_n3A_133 = arith.select %eq3A_130, %convert_element_type3A, %broadcast_in_dim3A_132 : vector<1024x1024xi1>, vector<1024x1024xf32>
    %reduce_min3A_134 = arith.constant dense<0x7F800000> : vector<1024xf32>
    %reduce_min3A_135 = vector.multi_reduction <minimumf>, %select_n3A_133, %reduce_min3A_134 [1] : vector<1024x1024xf32> to vector<1024xf32>
    %add3A_136 = arith.constant 4.096000e+03 : f32
    %add3A_137 = vector.broadcast %add3A_136 : f32 to vector<1024xf32>
    %add3A_138 = arith.addf %reduce_min3A_135, %add3A_137 : vector<1024xf32>
    %lt3A_139 = arith.cmpf olt, %reduce_min3A_127, %select_n3A_112 : vector<1024xf32>
    %select_n3A_140 = arith.select %lt3A_139, %reduce_min3A_127, %select_n3A_112 : vector<1024xi1>, vector<1024xf32>
    %select_n3A_141 = arith.select %lt3A_139, %add3A_138, %select_n3A_113 : vector<1024xi1>, vector<1024xf32>
    %get3A_142 = arith.constant 5120 : index
    %get3A_143 = arith.constant 0 : index
    %get3A_144 = vector.load %arg2[%get3A_142, %get3A_143] : memref<8192x64xf32, #tpu.memory_space<vmem>>, vector<1024x64xf32>
    %dot_general3A_145 = arith.constant dense<0.000000e+00> : vector<1024x1024xf32>
    %dot_general3A_146 = tpu.matmul %mul3A_3, %get3A_144, %dot_general3A_145 {dimension_numbers = #tpu.dot_dimension_numbers<[1], [1], [0], [0], [0, 0, 1, 0], [], []>, transpose_lhs_hint = false} : vector<1024x64xf32>, vector<1024x64xf32>, vector<1024x1024xf32> -> vector<1024x1024xf32>
    %sub3A_147 = vector.broadcast %broadcast_in_dim3A : vector<1024x1xf32> to vector<1024x1024xf32>
    %sub3A_148 = arith.subf %sub3A_147, %dot_general3A_146 : vector<1024x1024xf32>
    %get3A_149 = arith.constant 0 : index
    %get3A_150 = arith.constant 5120 : index
    %get3A_151 = vector.load %arg3[%get3A_149, %get3A_150] : memref<1x8192xf32, #tpu.memory_space<vmem>>, vector<1x1024xf32>
    %add3A_152 = vector.broadcast %get3A_151 : vector<1x1024xf32> to vector<1024x1024xf32>
    %add3A_153 = arith.addf %sub3A_148, %add3A_152 : vector<1024x1024xf32>
    %reduce_min3A_154 = arith.constant dense<0x7F800000> : vector<1024xf32>
    %reduce_min3A_155 = vector.multi_reduction <minimumf>, %add3A_153, %reduce_min3A_154 [1] : vector<1024x1024xf32> to vector<1024xf32>
    %broadcast_in_dim3A_156 = vector.shape_cast %reduce_min3A_155 : vector<1024xf32> to vector<1024x1xf32>
    %eq3A_157 = vector.broadcast %broadcast_in_dim3A_156 : vector<1024x1xf32> to vector<1024x1024xf32>
    %eq3A_158 = arith.cmpf oeq, %add3A_153, %eq3A_157 : vector<1024x1024xf32>
    %jit3A_159 = arith.constant 8.192000e+03 : f32
    %broadcast_in_dim3A_160 = vector.broadcast %jit3A_159 : f32 to vector<1024x1024xf32>
    %select_n3A_161 = arith.select %eq3A_158, %convert_element_type3A, %broadcast_in_dim3A_160 : vector<1024x1024xi1>, vector<1024x1024xf32>
    %reduce_min3A_162 = arith.constant dense<0x7F800000> : vector<1024xf32>
    %reduce_min3A_163 = vector.multi_reduction <minimumf>, %select_n3A_161, %reduce_min3A_162 [1] : vector<1024x1024xf32> to vector<1024xf32>
    %add3A_164 = arith.constant 5.120000e+03 : f32
    %add3A_165 = vector.broadcast %add3A_164 : f32 to vector<1024xf32>
    %add3A_166 = arith.addf %reduce_min3A_163, %add3A_165 : vector<1024xf32>
    %lt3A_167 = arith.cmpf olt, %reduce_min3A_155, %select_n3A_140 : vector<1024xf32>
    %select_n3A_168 = arith.select %lt3A_167, %reduce_min3A_155, %select_n3A_140 : vector<1024xi1>, vector<1024xf32>
    %select_n3A_169 = arith.select %lt3A_167, %add3A_166, %select_n3A_141 : vector<1024xi1>, vector<1024xf32>
    %get3A_170 = arith.constant 6144 : index
    %get3A_171 = arith.constant 0 : index
    %get3A_172 = vector.load %arg2[%get3A_170, %get3A_171] : memref<8192x64xf32, #tpu.memory_space<vmem>>, vector<1024x64xf32>
    %dot_general3A_173 = arith.constant dense<0.000000e+00> : vector<1024x1024xf32>
    %dot_general3A_174 = tpu.matmul %mul3A_3, %get3A_172, %dot_general3A_173 {dimension_numbers = #tpu.dot_dimension_numbers<[1], [1], [0], [0], [0, 0, 1, 0], [], []>, transpose_lhs_hint = false} : vector<1024x64xf32>, vector<1024x64xf32>, vector<1024x1024xf32> -> vector<1024x1024xf32>
    %sub3A_175 = vector.broadcast %broadcast_in_dim3A : vector<1024x1xf32> to vector<1024x1024xf32>
    %sub3A_176 = arith.subf %sub3A_175, %dot_general3A_174 : vector<1024x1024xf32>
    %get3A_177 = arith.constant 0 : index
    %get3A_178 = arith.constant 6144 : index
    %get3A_179 = vector.load %arg3[%get3A_177, %get3A_178] : memref<1x8192xf32, #tpu.memory_space<vmem>>, vector<1x1024xf32>
    %add3A_180 = vector.broadcast %get3A_179 : vector<1x1024xf32> to vector<1024x1024xf32>
    %add3A_181 = arith.addf %sub3A_176, %add3A_180 : vector<1024x1024xf32>
    %reduce_min3A_182 = arith.constant dense<0x7F800000> : vector<1024xf32>
    %reduce_min3A_183 = vector.multi_reduction <minimumf>, %add3A_181, %reduce_min3A_182 [1] : vector<1024x1024xf32> to vector<1024xf32>
    %broadcast_in_dim3A_184 = vector.shape_cast %reduce_min3A_183 : vector<1024xf32> to vector<1024x1xf32>
    %eq3A_185 = vector.broadcast %broadcast_in_dim3A_184 : vector<1024x1xf32> to vector<1024x1024xf32>
    %eq3A_186 = arith.cmpf oeq, %add3A_181, %eq3A_185 : vector<1024x1024xf32>
    %jit3A_187 = arith.constant 8.192000e+03 : f32
    %broadcast_in_dim3A_188 = vector.broadcast %jit3A_187 : f32 to vector<1024x1024xf32>
    %select_n3A_189 = arith.select %eq3A_186, %convert_element_type3A, %broadcast_in_dim3A_188 : vector<1024x1024xi1>, vector<1024x1024xf32>
    %reduce_min3A_190 = arith.constant dense<0x7F800000> : vector<1024xf32>
    %reduce_min3A_191 = vector.multi_reduction <minimumf>, %select_n3A_189, %reduce_min3A_190 [1] : vector<1024x1024xf32> to vector<1024xf32>
    %add3A_192 = arith.constant 6.144000e+03 : f32
    %add3A_193 = vector.broadcast %add3A_192 : f32 to vector<1024xf32>
    %add3A_194 = arith.addf %reduce_min3A_191, %add3A_193 : vector<1024xf32>
    %lt3A_195 = arith.cmpf olt, %reduce_min3A_183, %select_n3A_168 : vector<1024xf32>
    %select_n3A_196 = arith.select %lt3A_195, %reduce_min3A_183, %select_n3A_168 : vector<1024xi1>, vector<1024xf32>
    %select_n3A_197 = arith.select %lt3A_195, %add3A_194, %select_n3A_169 : vector<1024xi1>, vector<1024xf32>
    %get3A_198 = arith.constant 7168 : index
    %get3A_199 = arith.constant 0 : index
    %get3A_200 = vector.load %arg2[%get3A_198, %get3A_199] : memref<8192x64xf32, #tpu.memory_space<vmem>>, vector<1024x64xf32>
    %dot_general3A_201 = arith.constant dense<0.000000e+00> : vector<1024x1024xf32>
    %dot_general3A_202 = tpu.matmul %mul3A_3, %get3A_200, %dot_general3A_201 {dimension_numbers = #tpu.dot_dimension_numbers<[1], [1], [0], [0], [0, 0, 1, 0], [], []>, transpose_lhs_hint = false} : vector<1024x64xf32>, vector<1024x64xf32>, vector<1024x1024xf32> -> vector<1024x1024xf32>
    %sub3A_203 = vector.broadcast %broadcast_in_dim3A : vector<1024x1xf32> to vector<1024x1024xf32>
    %sub3A_204 = arith.subf %sub3A_203, %dot_general3A_202 : vector<1024x1024xf32>
    %get3A_205 = arith.constant 0 : index
    %get3A_206 = arith.constant 7168 : index
    %get3A_207 = vector.load %arg3[%get3A_205, %get3A_206] : memref<1x8192xf32, #tpu.memory_space<vmem>>, vector<1x1024xf32>
    %add3A_208 = vector.broadcast %get3A_207 : vector<1x1024xf32> to vector<1024x1024xf32>
    %add3A_209 = arith.addf %sub3A_204, %add3A_208 : vector<1024x1024xf32>
    %reduce_min3A_210 = arith.constant dense<0x7F800000> : vector<1024xf32>
    %reduce_min3A_211 = vector.multi_reduction <minimumf>, %add3A_209, %reduce_min3A_210 [1] : vector<1024x1024xf32> to vector<1024xf32>
    %broadcast_in_dim3A_212 = vector.shape_cast %reduce_min3A_211 : vector<1024xf32> to vector<1024x1xf32>
    %eq3A_213 = vector.broadcast %broadcast_in_dim3A_212 : vector<1024x1xf32> to vector<1024x1024xf32>
    %eq3A_214 = arith.cmpf oeq, %add3A_209, %eq3A_213 : vector<1024x1024xf32>
    %jit3A_215 = arith.constant 8.192000e+03 : f32
    %broadcast_in_dim3A_216 = vector.broadcast %jit3A_215 : f32 to vector<1024x1024xf32>
    %select_n3A_217 = arith.select %eq3A_214, %convert_element_type3A, %broadcast_in_dim3A_216 : vector<1024x1024xi1>, vector<1024x1024xf32>
    %reduce_min3A_218 = arith.constant dense<0x7F800000> : vector<1024xf32>
    %reduce_min3A_219 = vector.multi_reduction <minimumf>, %select_n3A_217, %reduce_min3A_218 [1] : vector<1024x1024xf32> to vector<1024xf32>
    %add3A_220 = arith.constant 7.168000e+03 : f32
    %add3A_221 = vector.broadcast %add3A_220 : f32 to vector<1024xf32>
    %add3A_222 = arith.addf %reduce_min3A_219, %add3A_221 : vector<1024xf32>
    %lt3A_223 = arith.cmpf olt, %reduce_min3A_211, %select_n3A_196 : vector<1024xf32>
    %select_n3A_224 = arith.select %lt3A_223, %add3A_222, %select_n3A_197 : vector<1024xi1>, vector<1024xf32>
    %convert_element_type3A_225 = arith.fptosi %select_n3A_224 : vector<1024xf32> to vector<1024xi32>
    %swap3A = arith.constant 0 : index
    %swap3A_226 = arith.constant 0 : index
    %swap3A_227 = arith.constant 0 : index
    %swap3A_228 = vector.load %arg4[%swap3A, %swap3A_226, %swap3A_227] : memref<1x1x1024xi32, #tpu.memory_space<vmem>>, vector<1x1x1024xi32>
    %swap3A_229 = vector.shape_cast %swap3A_228 : vector<1x1x1024xi32> to vector<1024xi32>
    %swap3A_230 = vector.shape_cast %convert_element_type3A_225 : vector<1024xi32> to vector<1x1x1024xi32>
    tpu.vector_store %arg4[%swap3A, %swap3A_226, %swap3A_227], %swap3A_230 {strides = array<i32>} : memref<1x1x1024xi32, #tpu.memory_space<vmem>>, vector<1x1x1024xi32>,
    return
  }
  func.func @transform_0(%arg0: i32) -> (i32, i32) {
    %c0_i32 = arith.constant 0 : i32
    %c0_i32_0 = arith.constant 0 : i32
    return %arg0, %c0_i32 : i32, i32
  }
  func.func @transform_1(%arg0: i32) -> (i32, i32) {
    %c0_i32 = arith.constant 0 : i32
    %c0_i32_0 = arith.constant 0 : i32
    %c0_i32_1 = arith.constant 0 : i32
    return %c0_i32, %c0_i32_0 : i32, i32
  }
  func.func @transform_2(%arg0: i32) -> (i32, i32) {
    %c0_i32 = arith.constant 0 : i32
    %c0_i32_0 = arith.constant 0 : i32
    %c0_i32_1 = arith.constant 0 : i32
    return %c0_i32, %c0_i32_0 : i32, i32
  }
  func.func @transform_3(%arg0: i32) -> (i32, i32, i32) {
    %c0_i32 = arith.constant 0 : i32
    %c0_i32_0 = arith.constant 0 : i32
    %c0_i32_1 = arith.constant 0 : i32
    return %arg0, %c0_i32, %c0_i32_0 : i32, i32, i32
  }
}

</mosaic_0001>

<sc_bundles>
// kernel: kernel.11.cloned.1.call-start
scs
__scs_entry_jumppad:
0x0: {  	(pc) =	sbr.rel $0x88, $3  }
0x1: {  	(tag) =	ssettag $0x0;
	lr =	simm.s32 $0x1  }
0x2: {  	[smem:$0x3F9D] =	sst lr;
	_ =	strace $0xD0000000  }
0x3: {  	_ = 	snop  }
0x4: {  	_ = 	snop  }
0x5: {  	_ = 	snop  }
0x6: {  	_ = 	snop  }
0x7: {  	_ = 	snop  }
__scs_overlays_trampoline_lowered:
0x8: {  	[smem:$0x3FAC] =	sst s0  }
0x9: {  	[smem:$0x3FAD] =	sst s1  }
0xa: {  	[smem:$0x3FAE] =	sst s2  }
0xb: {  	[smem:$0x3FAF] =	sst s3  }
0xc: {  	[smem:$0x3FB0] =	sst s4  }
0xd: {  	[smem:$0x3FB1] =	sst s5  }
0xe: {  	[smem:$0x3FB2] =	sst s6  }
0xf: {  	[smem:$0x3FB3] =	sst s7  }
0x10: {  	[smem:$0x3FB4] =	sst s8  }
0x11: {  	[smem:$0x3FB5] =	sst s9;
	s0 =	simm.s32 @!p0 $0x0  }
0x12: {  	s1 =	sld [smem:$0x3F9B];
	s0 =	simm.s32 @p0 $0x1  }
0x13: {  	[smem:$0x3FB6] =	sst s0;
	s0 =	simm.s32 @!p1 $0x0  }
0x14: {  	s2 =	sld [smem:$0x3F9A];
	s0 =	simm.s32 @p1 $0x1  }
0x15: {  	[smem:$0x3FB7] =	sst s0;
	s0 =	simm.s32 @!p2 $0x0  }
0x16: {  	s3 =	sld [smem:$0x3FDB];
	s0 =	simm.s32 @p2 $0x1  }
0x17: {  	s4 =	simm.s32 $0x1BF5;
	[smem:$0x3FB9] =	sst s0  }
0x18: {  	s0 =	sld [smem:$0x3F9C];
	_ =	swait.ge [sflag:s4], $0x0  }
0x19: {  	s7 =	sld [smem:$0x3F9D]  }
0x1a: {  	s8 =	sadd.s32 $0xFFFFE003, lr  }
0x1b: {  	s9 =	sadd.s32 $0xFFFFFEF7, lr;
	s5 =	simm.s32 $0xFFFFFFFF;
	p2 =	slt.u32 s8, $0xFFFFF086  }
0x1c: {  	p1 =	slt.u32 s9, $0xF7A;
	s5 =	simm.s32 @!p2 $0x0  }
0x1d: {  	s5 =	simm.s32 @p1 $0x1;
	p0 =	seq.s32 s7, s2  }
0x1e: {  	s7 =	smul.u32 @!p0 $0xF7A, s2;
	p2 =	seq.s32 @!p0 s5, $0x0  }
0x1f: {  	s9 =	smul.u32 $0xF7A, s1;
	s8 =	simm.s32 @!p0 $0x1BF5;
	p2 =	por !p2, p0  }
0x20: {  	[sflag:s8] =	ssyncset.s32 @!p0 $0xFFFFF086;
	s6 =	sadd.s32 @!p0 s3, s7;
	s7 =	simm.s32 @!p0 $0x108  }
0x21: {  	s3 =	sadd.s32 s3, s9;
	s6 =	sadd.s32 @!p0 $0x88, s6;
	s7 =	simm.s32 @p2 $0x1082  }
0x22: {  	[simem:s7], [sflag:s8] =	dma.local @!p0 [hbm:s6], $0xF7A  }
0x23: {  	s9 =	sor.u32 $0xD0000000, s2;
	s6 =	simm.s32 $0x108;
	_ =	swait.ge @!p0 [sflag:s8], $0x0  }
0x24: {  	s3 =	sadd.s32 $0x88, s3;
	s6 =	simm.s32 @!p1 $0x1082;
	[sflag:s4] =	ssyncset.s32 $0xFFFFF086  }
0x25: {  	[simem:s6], [sflag:s4] =	dma.local [hbm:s3], $0xF7A  }
0x26: {  	[smem:$0x3F9D] =	sst s1;
	(tag) =	ssettag s2;
	_ =	strace s9  }
0x27: {  	s1 =	sld [smem:$0x3FAD]  }
0x28: {  	s2 =	sld [smem:$0x3FAE]  }
0x29: {  	s4 =	sld [smem:$0x3FB0]  }
0x2a: {  	p0 =	seq.s32 s5, $0x0;
	s5 =	sld [smem:$0x3FB1]  }
0x2b: {  	s6 =	sld [smem:$0x3FB2]  }
0x2c: {  	s7 =	sld [smem:$0x3FB3]  }
0x2d: {  	s3 =	simm.s32 $0x108;
	s8 =	sld [smem:$0x3FB4]  }
0x2e: {  	s3 =	simm.s32 @!p0 $0x1082;
	s9 =	sld [smem:$0x3FB5]  }
0x2f: {  	lr =	sadd.s32 s0, s3;
	s0 =	sld [smem:$0x3FAC]  }
0x30: {  	s3 =	sld [smem:$0x3FAF]  }
0x31: {  	[smem:$0x3FB8] =	sst s10  }
0x32: {  	s10 =	sld [smem:$0x3FB6];
	_ =	sdelay $0x3  }
0x33: {  	p0 =	seq.s32 s10, $0x1;
	s10 =	sld [smem:$0x3FB8];
	_ =	sdelay $0x3  }
0x34: {  	[smem:$0x3FB8] =	sst s10  }
0x35: {  	s10 =	sld [smem:$0x3FB7];
	_ =	sdelay $0x3  }
0x36: {  	p1 =	seq.s32 s10, $0x1;
	s10 =	sld [smem:$0x3FB8];
	_ =	sdelay $0x3  }
0x37: {  	[smem:$0x3FB8] =	sst s10  }
0x38: {  	s10 =	sld [smem:$0x3FB9]  }
0x39: {  	_ = 	snop;
	(pc) =	sbr.ind lr, $3  }
0x3a: {  	_ = 	snop  }
0x3b: {  	_ = 	snop  }
0x3c: {  	p2 =	seq.s32 s10, $0x1;
	s10 =	sld [smem:$0x3FB8]  }
0x3d: {  	_ =	shalt  }
0x3e: {  	_ =	shalt  }
0x3f: {  	_ =	shalt  }
0x40: {  	_ =	shalt  }
0x41: {  	_ =	shalt  }
0x42: {  	_ =	shalt  }
0x43: {  	_ =	shalt  }
0x44: {  	_ =	shalt  }
0x45: {  	_ =	shalt  }
0x46: {  	_ =	shalt  }
0x47: {  	_ =	shalt  }
0x48: {  	_ =	shalt  }
0x49: {  	_ =	shalt  }
0x4a: {  	_ =	shalt  }
0x4b: {  	_ =	shalt  }
0x4c: {  	_ =	shalt  }
0x4d: {  	_ =	shalt  }
0x4e: {  	_ =	shalt  }
0x4f: {  	_ =	shalt  }
0x50: {  	_ =	shalt  }
0x51: {  	_ =	shalt  }
0x52: {  	_ =	shalt  }
0x53: {  	_ =	shalt  }
0x54: {  	_ =	shalt  }
0x55: {  	_ =	shalt  }
0x56: {  	_ =	shalt  }
0x57: {  	_ =	shalt  }
0x58: {  	_ =	shalt  }
0x59: {  	_ =	shalt  }
0x5a: {  	_ =	shalt  }
0x5b: {  	_ =	shalt  }
0x5c: {  	_ =	shalt  }
0x5d: {  	_ =	shalt  }
0x5e: {  	_ =	shalt  }
0x5f: {  	_ =	shalt  }
0x60: {  	_ =	shalt  }
0x61: {  	_ =	shalt  }
0x62: {  	_ =	shalt  }
0x63: {  	_ =	shalt  }
0x64: {  	_ =	shalt  }
0x65: {  	_ =	shalt  }
0x66: {  	_ =	shalt  }
0x67: {  	_ =	shalt  }
0x68: {  	_ =	shalt  }
0x69: {  	_ =	shalt  }
0x6a: {  	_ =	shalt  }
0x6b: {  	_ =	shalt  }
0x6c: {  	_ =	shalt  }
0x6d: {  	_ =	shalt  }
0x6e: {  	_ =	shalt  }
0x6f: {  	_ =	shalt  }
0x70: {  	_ =	shalt  }
0x71: {  	_ =	shalt  }
0x72: {  	_ =	shalt  }
0x73: {  	_ =	shalt  }
0x74: {  	_ =	shalt  }
0x75: {  	_ =	shalt  }
0x76: {  	_ =	shalt  }
0x77: {  	_ =	shalt  }
0x78: {  	_ =	shalt  }
0x79: {  	_ =	shalt  }
0x7a: {  	_ =	shalt  }
0x7b: {  	_ =	shalt  }
0x7c: {  	_ =	shalt  }
0x7d: {  	_ =	shalt  }
0x7e: {  	_ =	shalt  }
0x7f: {  	_ =	shalt  }
0x80: {  	_ =	shalt  }
0x81: {  	_ =	shalt  }
0x82: {  	_ =	shalt  }
0x83: {  	_ =	shalt  }
0x84: {  	_ =	shalt  }
0x85: {  	_ =	shalt  }
0x86: {  	_ =	shalt  }
0x87: {  	_ =	shalt  }
.Lfunc_end0:
.L_simem_size_0:
called_computation.1_lowered:
.L_overlay_start_0:
0x88: {  	s2 =	sld [smem:$0x3FD9]  }
0x89: {  	s3 =	sld [smem:$0x3FFE];
	_ =	sdelay $0x1  }
0x8a: {  	s1 =	srdreg.scid  }
0x8b: {  	s0 =	sand.u32 $0x1, s1  }
0x8c: {  	s14 =	sshll.u32 s0, $0xA;
	s2 =	sadd.s32 s3, s2  }
0x8d: {  	s2 =	sadd.s32 s2, s14  }
0x8e: {  	[smem:$0x3FC4] =	sst s2  }
0x8f: {  	_ = 	snop  }
0x90: {  	s2 =	sld [smem:$0x3FD0];
	_ =	sdelay $0x2  }
0x91: {  	s15 =	simm.s32 $0xA;
	s4 =	simm.s32 $0x10  }
0x92: {  	[smem:s4], [sflag:s15] =	dma.local [hbm:s2], $0x1  }
0x93: {  	_ =	swait.eq [sflag:s15], $0x1  }
0x94: {  	[sflag:s15] =	ssyncset.done $0x0  }
0x95: {  	[sflag:s15] =	ssyncadd.s32 $0xFFFFFFFF  }
0x96: {  	s16 =	sld [smem:$0x10];
	(tm) =	ssettm $0x1  }
0x97: {  	s17 =	sld [smem:$0x3FFB];
	_ =	sdelay $0x3  }
0x98: {  	_ =	strace s17  }
0x99: {  	s3 =	sld [smem:$0x3FFC];
	_ =	sdelay $0x3  }
0x9a: {  	_ =	strace s3  }
0x9b: {  	s3 =	sld [smem:$0x3FFD];
	_ =	sdelay $0x3  }
0x9c: {  	_ =	strace s3  }
0x9d: {  	_ =	strace $0x8FFFFFFF  }
0x9e: {  	s18 =	sld [smem:$0x3FDB];
	_ =	sdelay $0x1  }
0x9f: {  	s19 =	simm.s32 $_scs_section_size  }
0xa0: {  	s5 =	simm.s32 $_size__tile_overlayer_lowered;
	s6 =	simm.s32 $_tile_overlayer_lowered  }
0xa1: {  	s22 =	simm.s32 $0x1BFF;
	s21 =	sshll.u32 s6, $0x1;
	s3 =	sadd.s32 s19, s18  }
0xa2: {  	s7 =	simm.s32 $0x0;
	s20 =	sshll.u32 s5, $0x1;
	s5 =	sadd.s32 s21, s3  }
0xa3: {  	[timem:s7], [sflag:s22] =	dma.local [hbm:s5], s20  }
0xa4: {  	_ =	swait.ge [sflag:s22], s20  }
0xa5: {  	s4 =	ssub.s32 $0x0, s20;
	[sflag:s22] =	ssyncset.done $0x0  }
0xa6: {  	[sflag:s22] =	ssyncadd.s32 s4;
	_ =	sdelay $0x1  }
0xa7: {  	s23 =	simm.s32 $0x1B8B  }
0xa8: {  	_ =	swait.ge [sflag:s23], $0x1  }
0xa9: {  	[sflag:s23] =	ssyncset.done $0x0  }
0xaa: {  	s25 =	simm.s32 $0x1B8E;
	s24 =	sld [smem:$0x3FFE];
	[sflag:s23] =	ssyncadd.s32 $0xFFFFFFFF  }
0xab: {  	s26 =	simm.s32 $execute0_lowered;
	[smem:$0x3FD2] =	sst s25  }
0xac: {  	s5 =	sshll.u32 s26, $0x1;
	_ =	strace $0x80000049;
	[dreg:$0x1] =	wrdreg $0xFFFFFFFF  }
0xad: {  	s28 =	simm.s32 $_size_execute0_lowered;
	s3 =	sadd.s32 s3, s5;
	[dreg:$0x0] =	wrdreg $0x0  }
0xae: {  	s5 =	sshll.u32 s28, $0x1;
	[dreg:$0x2] =	wrdreg s3  }
0xaf: {  	[dreg:$0x3] =	wrdreg s5  }
0xb0: {  	[dreg:$0x4] =	wrdreg $0xC0  }
0xb1: {  	_ =	task [dreg:s7], $0x5FFFF  }
0xb2: {  	[dreg:$0x1] =	wrdreg $0xFFFFFFFF  }
0xb3: {  	[dreg:$0x0] =	wrdreg $0x60  }
0xb4: {  	[dreg:$0x2] =	wrdreg s24  }
0xb5: {  	[dreg:$0x3] =	wrdreg s16  }
0xb6: {  	[dreg:$0x4] =	wrdreg $0x9  }
0xb7: {  	_ =	task.clear_ibuf [dreg:s7], $0x5FFFF;
	_ =	strace $0x90000049  }
0xb8: {  	s29 =	simm.s32 $0x9;
	_ =	strace $0x8000004B  }
0xb9: {  	_ =	swait.ge [sflag:s29], $0x1  }
0xba: {  	[sflag:s29] =	ssyncadd.s32 $0xFFFFFFFF  }
0xbb: {  	_ =	strace $0x9000004B  }
0xbc: {  	_ =	sfence  }
0xbd: {  	s30 =	sld [smem:$0x0];
	_ =	sdelay $0x2  }
0xbe: {  	s31 =	sshll.u32 s1, $0xD;
	s1 =	sshrl.u32 s1, $0x2  }
0xbf: {  	s3 =	sand.u32 $0x4000, s31;
	s1 =	sadd.s32 s1, s30  }
0xc0: {  	s0 =	sor.u32 s3, s0;
	s1 =	sshll.u32 s1, $0x11  }
0xc1: {  	s0 =	sor.u32 s1, s0  }
0xc2: {  	s0 =	sadd.s32 $0x8F2B, s0  }
0xc3: {  	[sflag:s0] =	ssyncadd.remote.s32 $0x1  }
0xc4: {  	_ =	sfence.sel $0xFFFF  }
0xc5: {  	[dreg:$0x0] =	wrdreg $0xFFFFFFFF;
	(pc) =	sbr.abs _section_cstart, $3  }
0xc6: {  	[dreg:$0x1] =	wrdreg $0xFFFFFFFF  }
0xc7: {  	_ =	task.clear_ibuf [dreg:s7], $0x2FFFF;
	_ =	strace $0x9FFFFFFF  }
0xc8: {  	(tm) =	ssettm $0x7FFFFFFF  }
0xc9: {  	_ =	shalt  }
tec
execute0_lowered:
.L_overlay_start_1:
0x0: {  	(tag) =	ssettag $0x1  }
0x1: {  	s4 =	rddreg [dreg:$0x0]  }
0x2: {  	s5 =	rddreg [dreg:$0x1]  }
0x3: {  	s0 =	rddreg [dreg:$0x2]  }
0x4: {  	s2 =	simm.s32 $0x0;
	s3 =	srdreg.scid;
	s1 =	stileid.u32  }
0x5: {  	s11 =	simm.s32 $0x3;
	s12 =	simm.s32 $0x80;
	s13 =	simm.s32 $0x2  }
0x6: {  	s14 =	simm.s32 $0x1;
	s15 =	simm.s32 $0x8080;
	s16 =	simm.s32 $0xC080  }
0x7: {  	s17 =	simm.s32 $0x0;
	s6 =	sand.u32 $0x1, s3;
	s7 =	sshll.u32 s1, $0x1  }
0x8: {  	[smem:$0x7FF] =	sst s2;
	s3 =	sadd.s32 $0x51800, s4;
	s7 =	sor.u32 s6, s7  }
0x9: {  	_ =	strace $0x8000004A;
	s6 =	ssub.s32 $0x2, s6;
	s8 =	sshll.u32 s7, $0xB  }
0xa: {  	s7 =	sshll.u32 s7, $0x4;
	s31 =	sshrl.u32 s6, $0x1;
	s8 =	sadd.s32 s8, s4  }
0xb: {  	s9 =	sadd.s32 s7, s4;
	s10 =	ssub.s32 s6, s31;
	s5 =	sadd.s32 s5, s7  }
0xc: {  	s4 =	sadd.s32 $0x31600, s8;
	s6 =	sadd.s32 $0x71800, s8;
	s7 =	sadd.s32 $0x11800, s8  }
0xd: {  	s8 =	sadd.s32 $0x11600, s9;
	s9 =	smax.u32 s10, $0x1;
	s10 =	simm.s32 $0x4080  }
.LBB2_1:
0xe: {  	[tilespmem:s10], [sflag:$0x2] =	stream.linear.gather [hbm4b:s4+s2], $0x4000, $0x38;
	[tilespmem:$0xC100] =	vst v63  }
0xf: {  	_ = 	snop  }
0x10: {  	[tilespmem:s2], [sflag:$0x3] =	stream.linear.gather [hbm4b:s5+s2], $0x80, $0x38;
	[tilespmem:$0xC100] =	vst v63  }
0x11: {  	_ =	swait.ge [sflag:s11], $0x80  }
0x12: {  	[sflag:s11] =	ssyncset.done $0x0  }
0x13: {  	[sflag:s11] =	ssyncadd.s32 $0xFFFFFF80  }
0x14: {  	[tilespmem:s12], [sflag:$0x1] =	stream.indirect.gather [hbm4b:s3+s12], $0x80, s2, s12, $0xb8;
	[tilespmem:$0xC100] =	vst v63  }
0x15: {  	_ =	swait.ge [sflag:s13], $0x4000  }
0x16: {  	[sflag:s13] =	ssyncset.done $0x0  }
0x17: {  	[sflag:s13] =	ssyncadd.s32 $0xFFFFC000  }
0x18: {  	_ =	swait.ge [sflag:s14], $0x4000  }
0x19: {  	[sflag:s14] =	ssyncset.done $0x0  }
0x1a: {  	s18 =	simm.s32 $0x0;
	[sflag:s14] =	ssyncadd.s32 $0xFFFFC000  }
0x1b: {  	v0 =	vld [tilespmem:s18+$0x41A0]  }
0x1c: {  	v1 =	vld [tilespmem:s18+$0x230]  }
0x1d: {  	v2 =	vld [tilespmem:s18+$0x4200]  }
0x1e: {  	v3 =	vld [tilespmem:s18+$0x1A0]  }
0x1f: {  	v4 =	vld [tilespmem:s18+$0x4230]  }
0x20: {  	v5 =	vld [tilespmem:s18+$0x200]  }
0x21: {  	v7 =	vld [tilespmem:s18+$0x190]  }
0x22: {  	v8 =	vld [tilespmem:s18+$0x4130]  }
0x23: {  	v6 =	vld [tilespmem:s18+$0x210]  }
0x24: {  	v9 =	vld [tilespmem:s18+$0x4210]  }
0x25: {  	v10 =	vld [tilespmem:s18+$0x4180]  }
0x26: {  	v14 =	vld [tilespmem:s18+$0x180]  }
0x27: {  	v11 =	vld [tilespmem:s18+$0x4220]  }
0x28: {  	v12 =	vld [tilespmem:s18+$0x4190]  }
0x29: {  	v15 =	vld [tilespmem:s18+$0x130]  }
0x2a: {  	v16 =	vld [tilespmem:s18+$0x220];
	v1 =	vsub.f32 v1, v4  }
0x2b: {  	v17 =	vld [tilespmem:s18+$0x4090];
	v26 =	vsub.f32 v14, v10  }
0x2c: {  	v19 =	vld [tilespmem:s18+$0x1B0];
	v13 =	vadd.f32 v1, v4  }
0x2d: {  	v20 =	vld [tilespmem:s18+$0x41B0];
	v18 =	vadd.f32 v26, v10  }
0x2e: {  	v21 =	vld [tilespmem:s18+$0x40B0];
	v4 =	vsub.f32 v4, v13  }
0x2f: {  	v22 =	vld [tilespmem:s18+$0xB0];
	v29 =	vsub.f32 v3, v0;
	[tilespmem:s18+$0x8230] =	vst v13;
	v10 =	vsub.f32 v10, v18  }
0x30: {  	v24 =	vld [tilespmem:s18+$0x4080];
	[tilespmem:s18+$0x4230] =	vst v4;
	v4 =	vsub.f32 v5, v2  }
0x31: {  	v25 =	vld [tilespmem:s18+$0x80];
	v5 =	vsub.f32 v6, v9;
	[tilespmem:s18+$0x4180] =	vst v10;
	v10 =	vadd.f32 v29, v0  }
0x32: {  	v27 =	vld [tilespmem:s18+$0x4120];
	[tilespmem:s18+$0x8180] =	vst v18;
	v23 =	vadd.f32 v4, v2  }
0x33: {  	v28 =	vld [tilespmem:s18+$0x4110];
	v18 =	vsub.f32 v15, v8;
	v13 =	vadd.f32 v5, v9;
	[tilespmem:s18+$0x81A0] =	vst v10  }
0x34: {  	v30 =	vld [tilespmem:s18+$0xA0];
	v0 =	vsub.f32 v0, v10;
	[tilespmem:s18+$0x8200] =	vst v23  }
0x35: {  	v14 =	vld [tilespmem:s18+$0x120];
	v10 =	vadd.f32 v18, v8;
	[tilespmem:s18+$0x8210] =	vst v13  }
0x36: {  	v3 =	vld [tilespmem:s18+$0x110];
	v6 =	vsub.f32 v16, v11;
	v9 =	vsub.f32 v9, v13;
	[tilespmem:s18+$0x41A0] =	vst v0  }
0x37: {  	v15 =	vld [tilespmem:s18+$0x90];
	v2 =	vsub.f32 v2, v23;
	[tilespmem:s18+$0x8130] =	vst v10  }
0x38: {  	v16 =	vld [tilespmem:s18+$0x40A0];
	v23 =	vsub.f32 v7, v12;
	[tilespmem:s18+$0x4210] =	vst v9;
	v9 =	vadd.f32 v6, v11  }
0x39: {  	v0 =	vld [tilespmem:s18+$0x100];
	[tilespmem:s18+$0x4200] =	vst v2  }
0x3a: {  	s19 =	simm.s32 $0x200;
	v7 =	vld [tilespmem:s18+$0x4100];
	v2 =	vadd.f32 v23, v12;
	[tilespmem:s18+$0x8220] =	vst v9  }
0x3b: {  	v8 =	vsub.f32 v8, v10;
	v31 =	vld [tilespmem:s19+$0x41A0]  }
0x3c: {  	v35 =	vsub.f32 v22, v21;
	v32 =	vld [tilespmem:s19+$0x230];
	[tilespmem:s18+$0x8190] =	vst v2;
	v2 =	vsub.f32 v12, v2  }
0x3d: {  	v25 =	vsub.f32 v25, v24;
	v33 =	vld [tilespmem:s19+$0x4200];
	[tilespmem:s18+$0x4130] =	vst v8;
	v8 =	vsub.f32 v11, v9  }
0x3e: {  	v30 =	vsub.f32 v30, v16;
	v11 =	vadd.f32 v35, v21;
	v34 =	vld [tilespmem:s19+$0x1A0];
	[tilespmem:s18+$0x4190] =	vst v2  }
0x3f: {  	v40 =	vsub.f32 v3, v28;
	v2 =	vld [tilespmem:s19+$0x4230];
	[tilespmem:s18+$0x4220] =	vst v8;
	v8 =	vadd.f32 v25, v24  }
0x40: {  	v36 =	vadd.f32 v30, v16;
	v38 =	vsub.f32 v0, v7;
	v12 =	vld [tilespmem:s19+$0x200];
	[tilespmem:s18+$0x80B0] =	vst v11  }
0x41: {  	v22 =	vsub.f32 v19, v20;
	v39 =	vsub.f32 v14, v27;
	v37 =	vld [tilespmem:s19+$0x190];
	[tilespmem:s18+$0x8080] =	vst v8  }
0x42: {  	v3 =	vadd.f32 v40, v28;
	v41 =	vadd.f32 v38, v7;
	v9 =	vld [tilespmem:s19+$0x4130];
	[tilespmem:s18+$0x80A0] =	vst v36  }
0x43: {  	v43 =	vadd.f32 v39, v27;
	v13 =	vadd.f32 v22, v20;
	v42 =	vld [tilespmem:s19+$0x210]  }
0x44: {  	v0 =	vsub.f32 v28, v3;
	v28 =	vsub.f32 v15, v17;
	v19 =	vld [tilespmem:s19+$0x4210];
	[tilespmem:s18+$0x8100] =	vst v41  }
0x45: {  	v10 =	vsub.f32 v20, v13;
	v44 =	vld [tilespmem:s19+$0x4180];
	[tilespmem:s18+$0x8120] =	vst v43  }
0x46: {  	v15 =	vadd.f32 v28, v17;
	v45 =	vld [tilespmem:s19+$0x4220];
	[tilespmem:s18+$0x4110] =	vst v0;
	v0 =	vsub.f32 v32, v2;
	_ =	sdelay $0x1  }
0x47: {  	v14 =	vld [tilespmem:s19+$0x4190];
	[tilespmem:s18+$0x41B0] =	vst v10;
	v10 =	vsub.f32 v17, v15;
	v17 =	vadd.f32 v0, v2  }
0x48: {  	v20 =	vld [tilespmem:s19+$0x180];
	[tilespmem:s18+$0x8110] =	vst v3  }
0x49: {  	v59 =	vld [tilespmem:s19+$0x130];
	[tilespmem:s18+$0x4090] =	vst v10;
	v2 =	vsub.f32 v2, v17  }
0x4a: {  	v3 =	vsub.f32 v21, v11;
	v46 =	vld [tilespmem:s19+$0x220];
	[tilespmem:s18+$0x8090] =	vst v15  }
0x4b: {  	v10 =	vld [tilespmem:s19+$0x4090];
	[tilespmem:s19+$0x4230] =	vst v2;
	v2 =	vsub.f32 v24, v8  }
0x4c: {  	v21 =	vld [tilespmem:s19+$0x1B0];
	[tilespmem:s18+$0x40B0] =	vst v3;
	v3 =	vsub.f32 v27, v43  }
0x4d: {  	v15 =	vld [tilespmem:s19+$0x41B0];
	[tilespmem:s18+$0x4080] =	vst v2;
	v2 =	vsub.f32 v42, v19  }
0x4e: {  	v8 =	vld [tilespmem:s19+$0x40B0];
	[tilespmem:s18+$0x4120] =	vst v3;
	v3 =	vsub.f32 v12, v33  }
0x4f: {  	v11 =	vsub.f32 v16, v36;
	v42 =	vadd.f32 v2, v19  }
0x50: {  	v27 =	vld [tilespmem:s19+$0xB0];
	[tilespmem:s19+$0x8230] =	vst v17;
	v16 =	vadd.f32 v3, v33  }
0x51: {  	v12 =	vld [tilespmem:s19+$0x4080];
	[tilespmem:s18+$0x40A0] =	vst v11;
	v17 =	vsub.f32 v19, v42  }
0x52: {  	v24 =	vmul.f32 v25, v25;
	v60 =	vld [tilespmem:s19+$0x80];
	v19 =	vsub.f32 v7, v41;
	[tilespmem:s19+$0x8200] =	vst v16  }
0x53: {  	v25 =	vimm.f32 $0.0e+00;
	v11 =	vld [tilespmem:s19+$0x40A0];
	[tilespmem:s19+$0x4210] =	vst v17  }
0x54: {  	v61 =	vsub.f32 v20, v44;
	v20 =	vadd.f32 v24, v25;
	v17 =	vld [tilespmem:s19+$0x4120];
	[tilespmem:s18+$0x4100] =	vst v19;
	v19 =	vmul.f32 v28, v28  }
0x55: {  	v34 =	vsub.f32 v34, v31;
	v7 =	vsub.f32 v46, v45  }
0x56: {  	v25 =	vadd.f32 v61, v44;
	v28 =	vmul.f32 v30, v30;
	v30 =	vadd.f32 v19, v20  }
0x57: {  	v46 =	vadd.f32 v7, v45;
	v19 =	vmul.f32 v26, v26;
	v20 =	vmul.f32 v23, v23  }
0x58: {  	[tilespmem:s19+$0x8180] =	vst v25;
	v23 =	vsub.f32 v44, v25;
	v26 =	vmul.f32 v35, v35;
	v25 =	vadd.f32 v28, v30  }
0x59: {  	v62 =	vmul.f32 v39, v39;
	v35 =	vsub.f32 v37, v14;
	v37 =	vsub.f32 v45, v46  }
0x5a: {  	v47 =	vld [tilespmem:s19+$0x120];
	v30 =	vsub.f32 v33, v16;
	[tilespmem:s19+$0x4180] =	vst v23;
	v23 =	vmul.f32 v38, v38;
	v26 =	vadd.f32 v26, v25  }
0x5b: {  	v28 =	vmul.f32 v29, v29;
	v29 =	vadd.f32 v34, v31;
	v16 =	vsub.f32 v21, v15  }
0x5c: {  	[tilespmem:s19+$0x8220] =	vst v46;
	v24 =	vld [tilespmem:s19+$0x4110];
	v21 =	vmul.f32 v40, v40;
	v25 =	vsub.f32 v59, v9;
	v23 =	vadd.f32 v23, v26  }
0x5d: {  	v36 =	vld [tilespmem:s19+$0x110];
	[tilespmem:s19+$0x8210] =	vst v42;
	v33 =	vmul.f32 v18, v18;
	v18 =	vsub.f32 v27, v8;
	v26 =	vsub.f32 v31, v29  }
0x5e: {  	v40 =	vld [tilespmem:s19+$0x90];
	v32 =	vmul.f32 v35, v35;
	[tilespmem:s19+$0x81A0] =	vst v29;
	v29 =	vadd.f32 v25, v9;
	v63 =	vadd.f32 v21, v23  }
0x5f: {  	v39 =	vld [tilespmem:s19+$0x100];
	v27 =	vsub.f32 v47, v17;
	v31 =	vmul.f32 v61, v61;
	[tilespmem:s19+$0x41A0] =	vst v26;
	v21 =	vadd.f32 v16, v15  }
0x60: {  	s20 =	simm.s32 $0x1000;
	v38 =	vld [tilespmem:s19+$0xA0];
	v23 =	vmul.f32 v34, v34;
	v34 =	vsub.f32 v60, v12;
	[tilespmem:s19+$0x8130] =	vst v29;
	v41 =	vadd.f32 v62, v63  }
.LBB2_2:
0x61: {  	s21 =	sshra.s32 s20, $0x2;
	p0 =	sne.s32 s20, $0xF800;
	s20 =	sadd.s32 $0x800, s20;
	v42 =	vadd.f32 v18, v8;
	v43 =	vld [tilespmem:s19+$0x4100];
	v35 =	vadd.f32 v35, v14;
	[tilespmem:s19+$0x4200] =	vst v30  }
0x62: {  	v9 =	vsub.f32 v9, v29;
	v26 =	vld [tilespmem:s21+$0x41A0];
	v29 =	vadd.f32 v33, v41  }
0x63: {  	v30 =	vld [tilespmem:s21+$0x230];
	v33 =	vsub.f32 v40, v10;
	[tilespmem:s19+$0x8190] =	vst v35;
	v14 =	vsub.f32 v14, v35  }
0x64: {  	v40 =	vadd.f32 v34, v12;
	v35 =	vld [tilespmem:s21+$0x4200];
	[tilespmem:s19+$0x4130] =	vst v9;
	v9 =	vadd.f32 v19, v29;
	v19 =	vmov v31  }
0x65: {  	v38 =	vsub.f32 v38, v11;
	v29 =	vld [tilespmem:s21+$0x1A0];
	v31 =	vadd.f32 v33, v10;
	[tilespmem:s19+$0x4190] =	vst v14  }
0x66: {  	v36 =	vsub.f32 v36, v24;
	v41 =	vld [tilespmem:s21+$0x4230];
	[tilespmem:s19+$0x4220] =	vst v37;
	v9 =	vadd.f32 v20, v9;
	v20 =	vmov v32  }
0x67: {  	v37 =	vadd.f32 v38, v11;
	v39 =	vsub.f32 v39, v43;
	v32 =	vld [tilespmem:s21+$0x200];
	[tilespmem:s19+$0x80B0] =	vst v42  }
0x68: {  	v22 =	vmul.f32 v22, v22;
	v45 =	vadd.f32 v36, v24;
	v44 =	vld [tilespmem:s21+$0x190];
	[tilespmem:s19+$0x8080] =	vst v40;
	v14 =	vadd.f32 v28, v9  }
0x69: {  	v15 =	vsub.f32 v15, v21;
	v1 =	vmul.f32 v1, v1;
	v28 =	vadd.f32 v39, v43;
	v9 =	vld [tilespmem:s21+$0x4130];
	[tilespmem:s19+$0x80A0] =	vst v37  }
0x6a: {  	v47 =	vadd.f32 v27, v17;
	v4 =	vmul.f32 v4, v4;
	v46 =	vld [tilespmem:s21+$0x210];
	v14 =	vadd.f32 v22, v14;
	[tilespmem:s18+$0x81B0] =	vst v13;
	s18 =	smov.u32 s19;
	s19 =	smov.u32 s21  }
0x6b: {  	v5 =	vmul.f32 v5, v5;
	v24 =	vsub.f32 v24, v45;
	v13 =	vld [tilespmem:s19+$0x4210];
	v22 =	vsub.f32 v30, v41;
	[tilespmem:s18+$0x8100] =	vst v28  }
0x6c: {  	v6 =	vmul.f32 v6, v6;
	v10 =	vsub.f32 v10, v31;
	v48 =	vld [tilespmem:s19+$0x4180];
	[tilespmem:s18+$0x8120] =	vst v47;
	v4 =	vadd.f32 v4, v14  }
0x6d: {  	v17 =	vsub.f32 v17, v47;
	v30 =	vmul.f32 v34, v34;
	v34 =	vsub.f32 v43, v28;
	v49 =	vld [tilespmem:s19+$0x4220];
	[tilespmem:s18+$0x4110] =	vst v24  }
0x6e: {  	v28 =	vmul.f32 v33, v33;
	v24 =	vadd.f32 v22, v41;
	v14 =	vld [tilespmem:s19+$0x4190];
	[tilespmem:s18+$0x41B0] =	vst v15;
	v4 =	vadd.f32 v5, v4  }
0x6f: {  	v12 =	vsub.f32 v12, v40;
	v5 =	vsub.f32 v32, v35;
	v43 =	vld [tilespmem:s19+$0x180];
	[tilespmem:s18+$0x8110] =	vst v45;
	v45 =	vmul.f32 v27, v27  }
0x70: {  	v15 =	vsub.f32 v41, v24;
	v41 =	vmul.f32 v36, v36;
	v27 =	vld [tilespmem:s19+$0x130];
	[tilespmem:s18+$0x4090] =	vst v10;
	v40 =	vadd.f32 v6, v4  }
0x71: {  	v8 =	vsub.f32 v8, v42;
	v33 =	vmul.f32 v25, v25;
	v6 =	vsub.f32 v46, v13;
	v32 =	vld [tilespmem:s19+$0x220];
	[tilespmem:s18+$0x8090] =	vst v31  }
0x72: {  	v11 =	vsub.f32 v11, v37;
	v10 =	vld [tilespmem:s19+$0x4090];
	[tilespmem:s19+$0x4230] =	vst v15;
	v25 =	vadd.f32 v1, v40;
	v1 =	vmovc v0;
	v0 =	vmov v22  }
0x73: {  	v31 =	vmul.f32 v38, v38;
	v37 =	vadd.f32 v6, v13;
	v4 =	vmovc v3;
	v3 =	vmov v5;
	v36 =	vld [tilespmem:s19+$0x1B0];
	[tilespmem:s18+$0x40B0] =	vst v8  }
0x74: {  	v39 =	vmul.f32 v39, v39;
	v38 =	vadd.f32 v3, v35;
	v15 =	vld [tilespmem:s19+$0x41B0];
	v25 =	vadd.f32 v30, v25;
	[tilespmem:s18+$0x4080] =	vst v12  }
0x75: {  	v5 =	vmovc v2;
	v2 =	vmovc v6;
	v22 =	vmov v16;
	v40 =	vsub.f32 v13, v37;
	v6 =	vmov v7;
	v8 =	vld [tilespmem:s19+$0x40B0];
	[tilespmem:s18+$0x4120] =	vst v17  }
0x76: {  	v16 =	vsub.f32 v43, v48;
	v13 =	vmovc v21;
	v42 =	vld [tilespmem:s19+$0xB0];
	[tilespmem:s19+$0x8230] =	vst v24;
	v17 =	vadd.f32 v28, v25;
	v28 =	vmov v23  }
0x77: {  	v30 =	vsub.f32 v35, v38;
	v7 =	vsub.f32 v32, v49;
	v12 =	vld [tilespmem:s19+$0x4080];
	[tilespmem:s18+$0x40A0] =	vst v11  }
0x78: {  	v35 =	vsub.f32 v44, v14;
	v43 =	vld [tilespmem:s19+$0x80];
	[tilespmem:s19+$0x8200] =	vst v38;
	v21 =	vadd.f32 v31, v17  }
0x79: {  	v18 =	vmul.f32 v18, v18;
	v23 =	vadd.f32 v16, v48;
	v11 =	vld [tilespmem:s19+$0x40A0];
	[tilespmem:s19+$0x4210] =	vst v40;
	v40 =	vadd.f32 v7, v49  }
0x7a: {  	v29 =	vsub.f32 v29, v26;
	v31 =	vmul.f32 v16, v16;
	v16 =	vsub.f32 v36, v15;
	v17 =	vld [tilespmem:s19+$0x4120];
	[tilespmem:s18+$0x4100] =	vst v34  }
0x7b: {  	v38 =	vsub.f32 v48, v23;
	v21 =	vadd.f32 v18, v21;
	v34 =	vld [tilespmem:s19+$0x120];
	[tilespmem:s19+$0x8220] =	vst v40  }
0x7c: {  	v32 =	vmul.f32 v35, v35;
	v18 =	vsub.f32 v42, v8;
	v42 =	vadd.f32 v29, v26;
	v24 =	vld [tilespmem:s19+$0x4110];
	[tilespmem:s19+$0x8180] =	vst v23  }
.Ltmp0:
0x7d: {  	v25 =	vsub.f32 v27, v9;
	v21 =	vadd.f32 v39, v21;
	v36 =	vld [tilespmem:s19+$0x110];
	[tilespmem:s19+$0x4180] =	vst v38;
	(pc) =	sbr.rel @p0 .LBB2_2-.Ltmp0, $4  }
0x7e: {  	v23 =	vmul.f32 v29, v29;
	v26 =	vsub.f32 v26, v42;
	v38 =	vld [tilespmem:s19+$0xA0];
	[tilespmem:s19+$0x8210] =	vst v37;
	v37 =	vsub.f32 v49, v40  }
0x7f: {  	v29 =	vadd.f32 v25, v9;
	v41 =	vadd.f32 v41, v21;
	v40 =	vld [tilespmem:s19+$0x90];
	[tilespmem:s19+$0x81A0] =	vst v42  }
0x80: {  	v21 =	vadd.f32 v16, v15;
	v27 =	vsub.f32 v34, v17;
	[tilespmem:s19+$0x41A0] =	vst v26  }
0x81: {  	v34 =	vsub.f32 v43, v12;
	v41 =	vadd.f32 v45, v41;
	v39 =	vld [tilespmem:s19+$0x100];
	[tilespmem:s19+$0x8130] =	vst v29  }
0x82: {  	_ = 	snop  }
0x83: {  	v26 =	vadd.f32 v33, v41;
	_ =	sdelay $0x1  }
0x84: {  	v19 =	vadd.f32 v19, v26;
	_ =	sdelay $0x1  }
0x85: {  	v19 =	vadd.f32 v20, v19;
	_ =	sdelay $0x1  }
0x86: {  	v62 =	vmul.f32 v22, v22;
	v19 =	vadd.f32 v28, v19;
	_ =	sdelay $0x1  }
0x87: {  	v4 =	vmul.f32 v4, v4;
	v19 =	vadd.f32 v62, v19;
	_ =	sdelay $0x1  }
0x88: {  	v5 =	vmul.f32 v5, v5;
	v4 =	vadd.f32 v4, v19;
	_ =	sdelay $0x1  }
0x89: {  	v6 =	vmul.f32 v6, v6;
	v4 =	vadd.f32 v5, v4;
	_ =	sdelay $0x1  }
0x8a: {  	v1 =	vmul.f32 v1, v1;
	v4 =	vadd.f32 v6, v4;
	_ =	sdelay $0x1  }
0x8b: {  	v63 =	vsub.f32 v40, v10;
	v28 =	vmul.f32 v34, v34;
	v1 =	vadd.f32 v1, v4  }
0x8c: {  	v33 =	vld [tilespmem:s19+$0x4100]  }
0x8d: {  	v40 =	vsub.f32 v38, v11;
	v41 =	vmul.f32 v63, v63;
	v1 =	vadd.f32 v28, v1;
	_ =	sdelay $0x1  }
0x8e: {  	v42 =	vmul.f32 v40, v40;
	v1 =	vadd.f32 v41, v1;
	_ =	sdelay $0x1  }
0x8f: {  	v44 =	vmul.f32 v18, v18;
	v43 =	vsub.f32 v39, v33;
	v1 =	vadd.f32 v42, v1;
	_ =	sdelay $0x1  }
0x90: {  	v45 =	vsub.f32 v36, v24;
	v46 =	vmul.f32 v43, v43;
	v1 =	vadd.f32 v44, v1;
	_ =	sdelay $0x1  }
0x91: {  	v47 =	vmul.f32 v45, v45;
	v1 =	vadd.f32 v46, v1;
	_ =	sdelay $0x1  }
0x92: {  	v48 =	vadd.f32 v35, v14;
	[tilespmem:s19+$0x4200] =	vst v30;
	v49 =	vmul.f32 v27, v27;
	v1 =	vadd.f32 v47, v1  }
0x93: {  	v9 =	vsub.f32 v9, v29;
	[tilespmem:s19+$0x4220] =	vst v37  }
0x94: {  	v51 =	vmul.f32 v25, v25;
	v52 =	vadd.f32 v18, v8;
	[tilespmem:s19+$0x8190] =	vst v48;
	v1 =	vadd.f32 v49, v1  }
0x95: {  	v53 =	vadd.f32 v34, v12;
	[tilespmem:s19+$0x4130] =	vst v9  }
0x96: {  	v50 =	vsub.f32 v14, v48;
	[tilespmem:s19+$0x80B0] =	vst v52;
	v1 =	vadd.f32 v51, v1  }
0x97: {  	[tilespmem:s19+$0x8080] =	vst v53;
	v54 =	vadd.f32 v40, v11  }
0x98: {  	v55 =	vadd.f32 v45, v24;
	[tilespmem:s19+$0x4190] =	vst v50;
	v1 =	vadd.f32 v31, v1  }
0x99: {  	v57 =	vadd.f32 v27, v17;
	[tilespmem:s19+$0x80A0] =	vst v54  }
0x9a: {  	v58 =	vsub.f32 v24, v55;
	[tilespmem:s18+$0x81B0] =	vst v13;
	v1 =	vadd.f32 v32, v1  }
0x9b: {  	v15 =	vsub.f32 v15, v21;
	[tilespmem:s19+$0x8120] =	vst v57  }
0x9c: {  	v16 =	vmul.f32 v16, v16;
	[tilespmem:s19+$0x4110] =	vst v58;
	v1 =	vadd.f32 v23, v1  }
0x9d: {  	v8 =	vsub.f32 v8, v52;
	[tilespmem:s19+$0x41B0] =	vst v15  }
0x9e: {  	v3 =	vmul.f32 v3, v3;
	v59 =	vsub.f32 v12, v53;
	[tilespmem:s19+$0x8110] =	vst v55;
	v1 =	vadd.f32 v16, v1  }
0x9f: {  	v60 =	vsub.f32 v17, v57;
	[tilespmem:s19+$0x40B0] =	vst v8  }
0xa0: {  	v2 =	vmul.f32 v2, v2;
	[tilespmem:s19+$0x4080] =	vst v59;
	v1 =	vadd.f32 v3, v1  }
0xa1: {  	v56 =	vadd.f32 v43, v33;
	[tilespmem:s19+$0x4120] =	vst v60  }
0xa2: {  	v61 =	vmul.f32 v7, v7;
	[tilespmem:s19+$0x81B0] =	vst v21;
	v62 =	vsub.f32 v11, v54;
	v1 =	vadd.f32 v2, v1  }
0xa3: {  	[tilespmem:s19+$0x8100] =	vst v56;
	v5 =	vadd.f32 v63, v10  }
0xa4: {  	v0 =	vmul.f32 v0, v0;
	[tilespmem:s19+$0x40A0] =	vst v62;
	v63 =	vsub.f32 v33, v56;
	v1 =	vadd.f32 v61, v1  }
0xa5: {  	v10 =	vsub.f32 v10, v5;
	[tilespmem:s19+$0x8090] =	vst v5  }
0xa6: {  	[tilespmem:s19+$0x4100] =	vst v63;
	v0 =	vadd.f32 v0, v1  }
0xa7: {  	[tilespmem:s19+$0x4090] =	vst v10  }
0xa8: {  	[tilespmem:$0xC080] =	vst v0  }
0xa9: {  	[hbm4b:s6+s2] =	stream.linear.scatter [tilespmem:s15], [sflag:$0x1], $0x4000, $0x38;
	[tilespmem:$0xC100] =	vst v63  }
0xaa: {  	_ = 	snop  }
0xab: {  	[hbm4b:s7+s2] =	stream.linear.scatter [tilespmem:s10], [sflag:$0x2], $0x4000, $0x38;
	[tilespmem:$0xC100] =	vst v63  }
0xac: {  	_ = 	snop  }
0xad: {  	[hbm4b:s8+s2] =	stream.linear.scatter [tilespmem:s16], [sflag:$0x3], $0x80, $0x38;
	[tilespmem:$0xC100] =	vst v63  }
0xae: {  	_ =	swait.ge [sflag:s11], $0x80  }
0xaf: {  	[sflag:s11] =	ssyncset.done $0x0  }
0xb0: {  	s17 =	sadd.s32 $0x1, s17;
	[sflag:s11] =	ssyncadd.s32 $0xFFFFFF80  }
0xb1: {  	p0 =	sne.s32 s17, s9;
	_ =	swait.ge [sflag:s14], $0x4000  }
.Ltmp1:
0xb2: {  	[sflag:s14] =	ssyncset.done $0x0;
	(pc) =	sbr.rel @p0 .LBB2_1-.Ltmp1, $4  }
0xb3: {  	[sflag:s14] =	ssyncadd.s32 $0xFFFFC000  }
0xb4: {  	_ =	swait.ge [sflag:s13], $0x4000  }
0xb5: {  	[sflag:s13] =	ssyncset.done $0x0  }
0xb6: {  	[sflag:s13] =	ssyncadd.s32 $0xFFFFC000  }
0xb7: {  	_ =	sfence.sel $0x180000  }
0xb8: {  	[bflag:$0x0] =	sbarrier.arrive $0xFFFF  }
0xb9: {  	p0 =	sne.s32 s1, $0x0;
	_ =	strace $0x9000004A  }
0xba: {  	s0 =	sadd.s32 @!p0 $0x100000, s0;
	[bflag:$0x2] =	sbarrier.arrive $0xFFFF  }
0xbb: {  	[sflag:s0] =	ssyncadd.tile.s32 @!p0 $0x1;
	_ =	shalt  }
.Lfunc_end2:
_tile_overlayer_lowered:
.L_overlay_start_2:
0xbc: {  	(tag) =	ssettag $0x2  }
0xbd: {  	s0 =	rddreg [dreg:$0x0];
	s2 =	stileid.u32  }
0xbe: {  	s1 =	rddreg [dreg:$0x1];
	p0 =	sne.s32 s2, $0x0  }
0xbf: {  	s3 =	rddreg [dreg:$0x2];
	[bflag:$0x3] =	sbarrier.arrive $0xFFFF;
	s2 =	simm.s32 @!p0 $0x1C03  }
0xc0: {  	[timem:s3], [sflag:s2] =	dma.local @!p0 [hbm:s0], s1  }
0xc1: {  	s0 =	simm.s32 @!p0 $0x3  }
0xc2: {  	_ =	swait.ge @!p0 [sflag:s0], s1  }
0xc3: {  	s1 =	ssub.s32 @!p0 $0x0, s1;
	[sflag:s0] =	ssyncset.done @!p0 $0x0  }
0xc4: {  	[sflag:s0] =	ssyncadd.s32 @!p0 s1  }
0xc5: {  	[bflag:$0x3] =	sbarrier.arrive $0xFFFF  }
0xc6: {  	_ =	shalt  }

// kernel: kernel.14.cloned.1.call-start
scs
__scs_entry_jumppad:
0x0: {  	(pc) =	sbr.rel $0x88, $3  }
0x1: {  	(tag) =	ssettag $0x0;
	lr =	simm.s32 $0x1  }
0x2: {  	[smem:$0x3F9D] =	sst lr;
	_ =	strace $0xD0000000  }
0x3: {  	_ = 	snop  }
0x4: {  	_ = 	snop  }
0x5: {  	_ = 	snop  }
0x6: {  	_ = 	snop  }
0x7: {  	_ = 	snop  }
__scs_overlays_trampoline_lowered:
0x8: {  	[smem:$0x3FAC] =	sst s0  }
0x9: {  	[smem:$0x3FAD] =	sst s1  }
0xa: {  	[smem:$0x3FAE] =	sst s2  }
0xb: {  	[smem:$0x3FAF] =	sst s3  }
0xc: {  	[smem:$0x3FB0] =	sst s4  }
0xd: {  	[smem:$0x3FB1] =	sst s5  }
0xe: {  	[smem:$0x3FB2] =	sst s6  }
0xf: {  	[smem:$0x3FB3] =	sst s7  }
0x10: {  	[smem:$0x3FB4] =	sst s8  }
0x11: {  	[smem:$0x3FB5] =	sst s9;
	s0 =	simm.s32 @!p0 $0x0  }
0x12: {  	s1 =	sld [smem:$0x3F9B];
	s0 =	simm.s32 @p0 $0x1  }
0x13: {  	[smem:$0x3FB6] =	sst s0;
	s0 =	simm.s32 @!p1 $0x0  }
0x14: {  	s2 =	sld [smem:$0x3F9A];
	s0 =	simm.s32 @p1 $0x1  }
0x15: {  	[smem:$0x3FB7] =	sst s0;
	s0 =	simm.s32 @!p2 $0x0  }
0x16: {  	s3 =	sld [smem:$0x3FDB];
	s0 =	simm.s32 @p2 $0x1  }
0x17: {  	s4 =	simm.s32 $0x1BF5;
	[smem:$0x3FB9] =	sst s0  }
0x18: {  	s0 =	sld [smem:$0x3F9C];
	_ =	swait.ge [sflag:s4], $0x0  }
0x19: {  	s7 =	sld [smem:$0x3F9D]  }
0x1a: {  	s8 =	sadd.s32 $0xFFFFE003, lr  }
0x1b: {  	s9 =	sadd.s32 $0xFFFFFEF7, lr;
	s5 =	simm.s32 $0xFFFFFFFF;
	p2 =	slt.u32 s8, $0xFFFFF086  }
0x1c: {  	p1 =	slt.u32 s9, $0xF7A;
	s5 =	simm.s32 @!p2 $0x0  }
0x1d: {  	s5 =	simm.s32 @p1 $0x1;
	p0 =	seq.s32 s7, s2  }
0x1e: {  	s7 =	smul.u32 @!p0 $0xF7A, s2;
	p2 =	seq.s32 @!p0 s5, $0x0  }
0x1f: {  	s9 =	smul.u32 $0xF7A, s1;
	s8 =	simm.s32 @!p0 $0x1BF5;
	p2 =	por !p2, p0  }
0x20: {  	[sflag:s8] =	ssyncset.s32 @!p0 $0xFFFFF086;
	s6 =	sadd.s32 @!p0 s3, s7;
	s7 =	simm.s32 @!p0 $0x108  }
0x21: {  	s3 =	sadd.s32 s3, s9;
	s6 =	sadd.s32 @!p0 $0x88, s6;
	s7 =	simm.s32 @p2 $0x1082  }
0x22: {  	[simem:s7], [sflag:s8] =	dma.local @!p0 [hbm:s6], $0xF7A  }
0x23: {  	s9 =	sor.u32 $0xD0000000, s2;
	s6 =	simm.s32 $0x108;
	_ =	swait.ge @!p0 [sflag:s8], $0x0  }
0x24: {  	s3 =	sadd.s32 $0x88, s3;
	s6 =	simm.s32 @!p1 $0x1082;
	[sflag:s4] =	ssyncset.s32 $0xFFFFF086  }
0x25: {  	[simem:s6], [sflag:s4] =	dma.local [hbm:s3], $0xF7A  }
0x26: {  	[smem:$0x3F9D] =	sst s1;
	(tag) =	ssettag s2;
	_ =	strace s9  }
0x27: {  	s1 =	sld [smem:$0x3FAD]  }
0x28: {  	s2 =	sld [smem:$0x3FAE]  }
0x29: {  	s4 =	sld [smem:$0x3FB0]  }
0x2a: {  	p0 =	seq.s32 s5, $0x0;
	s5 =	sld [smem:$0x3FB1]  }
0x2b: {  	s6 =	sld [smem:$0x3FB2]  }
0x2c: {  	s7 =	sld [smem:$0x3FB3]  }
0x2d: {  	s3 =	simm.s32 $0x108;
	s8 =	sld [smem:$0x3FB4]  }
0x2e: {  	s3 =	simm.s32 @!p0 $0x1082;
	s9 =	sld [smem:$0x3FB5]  }
0x2f: {  	lr =	sadd.s32 s0, s3;
	s0 =	sld [smem:$0x3FAC]  }
0x30: {  	s3 =	sld [smem:$0x3FAF]  }
0x31: {  	[smem:$0x3FB8] =	sst s10  }
0x32: {  	s10 =	sld [smem:$0x3FB6];
	_ =	sdelay $0x3  }
0x33: {  	p0 =	seq.s32 s10, $0x1;
	s10 =	sld [smem:$0x3FB8];
	_ =	sdelay $0x3  }
0x34: {  	[smem:$0x3FB8] =	sst s10  }
0x35: {  	s10 =	sld [smem:$0x3FB7];
	_ =	sdelay $0x3  }
0x36: {  	p1 =	seq.s32 s10, $0x1;
	s10 =	sld [smem:$0x3FB8];
	_ =	sdelay $0x3  }
0x37: {  	[smem:$0x3FB8] =	sst s10  }
0x38: {  	s10 =	sld [smem:$0x3FB9]  }
0x39: {  	_ = 	snop;
	(pc) =	sbr.ind lr, $3  }
0x3a: {  	_ = 	snop  }
0x3b: {  	_ = 	snop  }
0x3c: {  	p2 =	seq.s32 s10, $0x1;
	s10 =	sld [smem:$0x3FB8]  }
0x3d: {  	_ =	shalt  }
0x3e: {  	_ =	shalt  }
0x3f: {  	_ =	shalt  }
0x40: {  	_ =	shalt  }
0x41: {  	_ =	shalt  }
0x42: {  	_ =	shalt  }
0x43: {  	_ =	shalt  }
0x44: {  	_ =	shalt  }
0x45: {  	_ =	shalt  }
0x46: {  	_ =	shalt  }
0x47: {  	_ =	shalt  }
0x48: {  	_ =	shalt  }
0x49: {  	_ =	shalt  }
0x4a: {  	_ =	shalt  }
0x4b: {  	_ =	shalt  }
0x4c: {  	_ =	shalt  }
0x4d: {  	_ =	shalt  }
0x4e: {  	_ =	shalt  }
0x4f: {  	_ =	shalt  }
0x50: {  	_ =	shalt  }
0x51: {  	_ =	shalt  }
0x52: {  	_ =	shalt  }
0x53: {  	_ =	shalt  }
0x54: {  	_ =	shalt  }
0x55: {  	_ =	shalt  }
0x56: {  	_ =	shalt  }
0x57: {  	_ =	shalt  }
0x58: {  	_ =	shalt  }
0x59: {  	_ =	shalt  }
0x5a: {  	_ =	shalt  }
0x5b: {  	_ =	shalt  }
0x5c: {  	_ =	shalt  }
0x5d: {  	_ =	shalt  }
0x5e: {  	_ =	shalt  }
0x5f: {  	_ =	shalt  }
0x60: {  	_ =	shalt  }
0x61: {  	_ =	shalt  }
0x62: {  	_ =	shalt  }
0x63: {  	_ =	shalt  }
0x64: {  	_ =	shalt  }
0x65: {  	_ =	shalt  }
0x66: {  	_ =	shalt  }
0x67: {  	_ =	shalt  }
0x68: {  	_ =	shalt  }
0x69: {  	_ =	shalt  }
0x6a: {  	_ =	shalt  }
0x6b: {  	_ =	shalt  }
0x6c: {  	_ =	shalt  }
0x6d: {  	_ =	shalt  }
0x6e: {  	_ =	shalt  }
0x6f: {  	_ =	shalt  }
0x70: {  	_ =	shalt  }
0x71: {  	_ =	shalt  }
0x72: {  	_ =	shalt  }
0x73: {  	_ =	shalt  }
0x74: {  	_ =	shalt  }
0x75: {  	_ =	shalt  }
0x76: {  	_ =	shalt  }
0x77: {  	_ =	shalt  }
0x78: {  	_ =	shalt  }
0x79: {  	_ =	shalt  }
0x7a: {  	_ =	shalt  }
0x7b: {  	_ =	shalt  }
0x7c: {  	_ =	shalt  }
0x7d: {  	_ =	shalt  }
0x7e: {  	_ =	shalt  }
0x7f: {  	_ =	shalt  }
0x80: {  	_ =	shalt  }
0x81: {  	_ =	shalt  }
0x82: {  	_ =	shalt  }
0x83: {  	_ =	shalt  }
0x84: {  	_ =	shalt  }
0x85: {  	_ =	shalt  }
0x86: {  	_ =	shalt  }
0x87: {  	_ =	shalt  }
.Lfunc_end0:
.L_simem_size_0:
called_computation.2_lowered:
.L_overlay_start_0:
0x88: {  	s2 =	sld [smem:$0x3FD9]  }
0x89: {  	s3 =	sld [smem:$0x3FFE];
	_ =	sdelay $0x1  }
0x8a: {  	s1 =	srdreg.scid  }
0x8b: {  	s0 =	sand.u32 $0x1, s1  }
0x8c: {  	s16 =	sshll.u32 s0, $0xA;
	s2 =	sadd.s32 s3, s2  }
0x8d: {  	s2 =	sadd.s32 s2, s16  }
0x8e: {  	[smem:$0x3FC4] =	sst s2  }
0x8f: {  	_ = 	snop  }
0x90: {  	(tm) =	ssettm $0x1  }
0x91: {  	s17 =	sld [smem:$0x3FFB];
	_ =	sdelay $0x3  }
0x92: {  	_ =	strace s17  }
0x93: {  	s2 =	sld [smem:$0x3FFC];
	_ =	sdelay $0x3  }
0x94: {  	_ =	strace s2  }
0x95: {  	s2 =	sld [smem:$0x3FFD];
	_ =	sdelay $0x3  }
0x96: {  	_ =	strace s2  }
0x97: {  	_ =	strace $0x8FFFFFFF  }
0x98: {  	s18 =	sld [smem:$0x3FDB];
	_ =	sdelay $0x1  }
0x99: {  	s19 =	simm.s32 $_scs_section_size  }
0x9a: {  	s4 =	simm.s32 $_size__tile_overlayer_lowered;
	s5 =	simm.s32 $_tile_overlayer_lowered  }
0x9b: {  	s22 =	simm.s32 $0x1BFF;
	s21 =	sshll.u32 s5, $0x1;
	s2 =	sadd.s32 s19, s18  }
0x9c: {  	s6 =	simm.s32 $0x0;
	s20 =	sshll.u32 s4, $0x1;
	s4 =	sadd.s32 s21, s2  }
0x9d: {  	[timem:s6], [sflag:s22] =	dma.local [hbm:s4], s20  }
0x9e: {  	_ =	swait.ge [sflag:s22], s20  }
0x9f: {  	s3 =	ssub.s32 $0x0, s20;
	[sflag:s22] =	ssyncset.done $0x0  }
0xa0: {  	[sflag:s22] =	ssyncadd.s32 s3;
	_ =	sdelay $0x1  }
0xa1: {  	s23 =	simm.s32 $0x1B8B  }
0xa2: {  	_ =	swait.ge [sflag:s23], $0x1  }
0xa3: {  	[sflag:s23] =	ssyncset.done $0x0  }
0xa4: {  	s25 =	simm.s32 $0x1B8E;
	s24 =	sld [smem:$0x3FFE];
	[sflag:s23] =	ssyncadd.s32 $0xFFFFFFFF  }
0xa5: {  	s26 =	simm.s32 $execute0_lowered;
	[smem:$0x3FD2] =	sst s25  }
0xa6: {  	s4 =	sshll.u32 s26, $0x1;
	_ =	strace $0x8000004C;
	[dreg:$0x1] =	wrdreg $0xFFFFFFFF  }
0xa7: {  	s28 =	simm.s32 $_size_execute0_lowered;
	s2 =	sadd.s32 s2, s4;
	[dreg:$0x0] =	wrdreg $0x0  }
0xa8: {  	s4 =	sshll.u32 s28, $0x1;
	[dreg:$0x2] =	wrdreg s2  }
0xa9: {  	[dreg:$0x3] =	wrdreg s4  }
0xaa: {  	[dreg:$0x4] =	wrdreg $0xC0  }
0xab: {  	_ =	task [dreg:s6], $0x5FFFF  }
0xac: {  	[dreg:$0x1] =	wrdreg $0xFFFFFFFF  }
0xad: {  	[dreg:$0x0] =	wrdreg $0x60  }
0xae: {  	[dreg:$0x2] =	wrdreg s24  }
0xaf: {  	[dreg:$0x3] =	wrdreg $0x9  }
0xb0: {  	_ =	task.clear_ibuf [dreg:s6], $0x4FFFF;
	_ =	strace $0x9000004C  }
0xb1: {  	s29 =	simm.s32 $0x9;
	_ =	strace $0x8000004E  }
0xb2: {  	_ =	swait.ge [sflag:s29], $0x1  }
0xb3: {  	[sflag:s29] =	ssyncadd.s32 $0xFFFFFFFF  }
0xb4: {  	_ =	strace $0x9000004E  }
0xb5: {  	_ =	sfence  }
0xb6: {  	s30 =	sld [smem:$0x0];
	_ =	sdelay $0x2  }
0xb7: {  	s31 =	sshll.u32 s1, $0xD;
	s1 =	sshrl.u32 s1, $0x2  }
0xb8: {  	s3 =	sand.u32 $0x4000, s31;
	s1 =	sadd.s32 s1, s30  }
0xb9: {  	s0 =	sor.u32 s3, s0;
	s1 =	sshll.u32 s1, $0x11  }
0xba: {  	s0 =	sor.u32 s1, s0  }
0xbb: {  	s0 =	sadd.s32 $0x8F2B, s0  }
0xbc: {  	[sflag:s0] =	ssyncadd.remote.s32 $0x1  }
0xbd: {  	_ =	sfence.sel $0xFFFF  }
0xbe: {  	[dreg:$0x0] =	wrdreg $0xFFFFFFFF;
	(pc) =	sbr.abs _section_cstart, $3  }
0xbf: {  	[dreg:$0x1] =	wrdreg $0xFFFFFFFF  }
0xc0: {  	_ =	task.clear_ibuf [dreg:s6], $0x2FFFF;
	_ =	strace $0x9FFFFFFF  }
0xc1: {  	(tm) =	ssettm $0x7FFFFFFF  }
tec
execute0_lowered:
.L_overlay_start_1:
0x0: {  	(tag) =	ssettag $0x1  }
0x1: {  	s4 =	rddreg [dreg:$0x0]  }
0x2: {  	s0 =	rddreg [dreg:$0x1]  }
0x3: {  	s2 =	simm.s32 $0x0;
	s3 =	srdreg.scid;
	s1 =	stileid.u32  }
0x4: {  	s10 =	simm.s32 $0x4080;
	s11 =	simm.s32 $0x3;
	s12 =	simm.s32 $0x80  }
0x5: {  	s13 =	simm.s32 $0x2;
	s14 =	simm.s32 $0x1;
	s15 =	simm.s32 $0x8080  }
0x6: {  	s16 =	simm.s32 $0xC080;
	s17 =	simm.s32 $0x0;
	[smem:$0x7FF] =	sst s2  }
0x7: {  	s5 =	sand.u32 $0x1, s3;
	s6 =	sshll.u32 s1, $0x1;
	s3 =	sadd.s32 $0x81800, s4  }
0x8: {  	_ =	strace $0x8000004D;
	s6 =	sor.u32 s5, s6;
	s5 =	ssub.s32 $0x2, s5  }
0x9: {  	s7 =	sshll.u32 s6, $0xB;
	s6 =	sshll.u32 s6, $0x4;
	s31 =	sshrl.u32 s5, $0x1  }
0xa: {  	s7 =	sadd.s32 s7, s4;
	s8 =	sadd.s32 s6, s4;
	s9 =	ssub.s32 s5, s31  }
0xb: {  	s4 =	sadd.s32 $0x11800, s7;
	s5 =	sadd.s32 $0x21800, s8;
	s6 =	sadd.s32 $0x51800, s7  }
0xc: {  	s7 =	sadd.s32 $0x21A00, s7;
	s8 =	sadd.s32 $0x31A00, s8;
	s9 =	smax.u32 s9, $0x1  }
.LBB2_1:
0xd: {  	[tilespmem:s10], [sflag:$0x2] =	stream.linear.gather [hbm4b:s4+s2], $0x4000, $0x38;
	[tilespmem:$0xC100] =	vst v63  }
0xe: {  	_ = 	snop  }
0xf: {  	[tilespmem:s2], [sflag:$0x3] =	stream.linear.gather [hbm4b:s5+s2], $0x80, $0x38;
	[tilespmem:$0xC100] =	vst v63  }
0x10: {  	_ =	swait.ge [sflag:s11], $0x80  }
0x11: {  	[sflag:s11] =	ssyncset.done $0x0  }
0x12: {  	[sflag:s11] =	ssyncadd.s32 $0xFFFFFF80  }
0x13: {  	[tilespmem:s12], [sflag:$0x1] =	stream.indirect.gather [hbm4b:s3+s12], $0x80, s2, s12, $0xb8;
	[tilespmem:$0xC100] =	vst v63  }
0x14: {  	_ =	swait.ge [sflag:s13], $0x4000  }
0x15: {  	[sflag:s13] =	ssyncset.done $0x0  }
0x16: {  	[sflag:s13] =	ssyncadd.s32 $0xFFFFC000  }
0x17: {  	_ =	swait.ge [sflag:s14], $0x4000  }
0x18: {  	[sflag:s14] =	ssyncset.done $0x0  }
0x19: {  	s18 =	simm.s32 $0x0;
	[sflag:s14] =	ssyncadd.s32 $0xFFFFC000  }
0x1a: {  	v0 =	vld [tilespmem:s18+$0x41A0]  }
0x1b: {  	v1 =	vld [tilespmem:s18+$0x230]  }
0x1c: {  	v2 =	vld [tilespmem:s18+$0x4200]  }
0x1d: {  	v3 =	vld [tilespmem:s18+$0x1A0]  }
0x1e: {  	v4 =	vld [tilespmem:s18+$0x4230]  }
0x1f: {  	v5 =	vld [tilespmem:s18+$0x200]  }
0x20: {  	v7 =	vld [tilespmem:s18+$0x190]  }
0x21: {  	v8 =	vld [tilespmem:s18+$0x4130]  }
0x22: {  	v6 =	vld [tilespmem:s18+$0x210]  }
0x23: {  	v9 =	vld [tilespmem:s18+$0x4210]  }
0x24: {  	v10 =	vld [tilespmem:s18+$0x4180]  }
0x25: {  	v14 =	vld [tilespmem:s18+$0x180]  }
0x26: {  	v11 =	vld [tilespmem:s18+$0x4220]  }
0x27: {  	v12 =	vld [tilespmem:s18+$0x4190]  }
0x28: {  	v15 =	vld [tilespmem:s18+$0x130]  }
0x29: {  	v16 =	vld [tilespmem:s18+$0x220];
	v1 =	vsub.f32 v1, v4  }
0x2a: {  	v17 =	vld [tilespmem:s18+$0x4090];
	v26 =	vsub.f32 v14, v10  }
0x2b: {  	v19 =	vld [tilespmem:s18+$0x1B0];
	v13 =	vadd.f32 v1, v4  }
0x2c: {  	v20 =	vld [tilespmem:s18+$0x41B0];
	v18 =	vadd.f32 v26, v10  }
0x2d: {  	v21 =	vld [tilespmem:s18+$0x40B0];
	v4 =	vsub.f32 v4, v13  }
0x2e: {  	v22 =	vld [tilespmem:s18+$0xB0];
	v29 =	vsub.f32 v3, v0;
	[tilespmem:s18+$0x8230] =	vst v13;
	v10 =	vsub.f32 v10, v18  }
0x2f: {  	v24 =	vld [tilespmem:s18+$0x4080];
	[tilespmem:s18+$0x4230] =	vst v4;
	v4 =	vsub.f32 v5, v2  }
0x30: {  	v25 =	vld [tilespmem:s18+$0x80];
	v5 =	vsub.f32 v6, v9;
	[tilespmem:s18+$0x4180] =	vst v10;
	v10 =	vadd.f32 v29, v0  }
0x31: {  	v27 =	vld [tilespmem:s18+$0x4120];
	[tilespmem:s18+$0x8180] =	vst v18;
	v23 =	vadd.f32 v4, v2  }
0x32: {  	v28 =	vld [tilespmem:s18+$0x4110];
	v18 =	vsub.f32 v15, v8;
	v13 =	vadd.f32 v5, v9;
	[tilespmem:s18+$0x81A0] =	vst v10  }
0x33: {  	v30 =	vld [tilespmem:s18+$0xA0];
	v0 =	vsub.f32 v0, v10;
	[tilespmem:s18+$0x8200] =	vst v23  }
0x34: {  	v14 =	vld [tilespmem:s18+$0x120];
	v10 =	vadd.f32 v18, v8;
	[tilespmem:s18+$0x8210] =	vst v13  }
0x35: {  	v3 =	vld [tilespmem:s18+$0x110];
	v6 =	vsub.f32 v16, v11;
	v9 =	vsub.f32 v9, v13;
	[tilespmem:s18+$0x41A0] =	vst v0  }
0x36: {  	v15 =	vld [tilespmem:s18+$0x90];
	v2 =	vsub.f32 v2, v23;
	[tilespmem:s18+$0x8130] =	vst v10  }
0x37: {  	v16 =	vld [tilespmem:s18+$0x40A0];
	v23 =	vsub.f32 v7, v12;
	[tilespmem:s18+$0x4210] =	vst v9;
	v9 =	vadd.f32 v6, v11  }
0x38: {  	v0 =	vld [tilespmem:s18+$0x100];
	[tilespmem:s18+$0x4200] =	vst v2  }
0x39: {  	s19 =	simm.s32 $0x200;
	v7 =	vld [tilespmem:s18+$0x4100];
	v2 =	vadd.f32 v23, v12;
	[tilespmem:s18+$0x8220] =	vst v9  }
0x3a: {  	v8 =	vsub.f32 v8, v10;
	v31 =	vld [tilespmem:s19+$0x41A0]  }
0x3b: {  	v35 =	vsub.f32 v22, v21;
	v32 =	vld [tilespmem:s19+$0x230];
	[tilespmem:s18+$0x8190] =	vst v2;
	v2 =	vsub.f32 v12, v2  }
0x3c: {  	v25 =	vsub.f32 v25, v24;
	v33 =	vld [tilespmem:s19+$0x4200];
	[tilespmem:s18+$0x4130] =	vst v8;
	v8 =	vsub.f32 v11, v9  }
0x3d: {  	v30 =	vsub.f32 v30, v16;
	v11 =	vadd.f32 v35, v21;
	v34 =	vld [tilespmem:s19+$0x1A0];
	[tilespmem:s18+$0x4190] =	vst v2  }
0x3e: {  	v40 =	vsub.f32 v3, v28;
	v2 =	vld [tilespmem:s19+$0x4230];
	[tilespmem:s18+$0x4220] =	vst v8;
	v8 =	vadd.f32 v25, v24  }
0x3f: {  	v36 =	vadd.f32 v30, v16;
	v38 =	vsub.f32 v0, v7;
	v12 =	vld [tilespmem:s19+$0x200];
	[tilespmem:s18+$0x80B0] =	vst v11  }
0x40: {  	v22 =	vsub.f32 v19, v20;
	v39 =	vsub.f32 v14, v27;
	v37 =	vld [tilespmem:s19+$0x190];
	[tilespmem:s18+$0x8080] =	vst v8  }
0x41: {  	v3 =	vadd.f32 v40, v28;
	v41 =	vadd.f32 v38, v7;
	v9 =	vld [tilespmem:s19+$0x4130];
	[tilespmem:s18+$0x80A0] =	vst v36  }
0x42: {  	v43 =	vadd.f32 v39, v27;
	v13 =	vadd.f32 v22, v20;
	v42 =	vld [tilespmem:s19+$0x210]  }
0x43: {  	v0 =	vsub.f32 v28, v3;
	v28 =	vsub.f32 v15, v17;
	v19 =	vld [tilespmem:s19+$0x4210];
	[tilespmem:s18+$0x8100] =	vst v41  }
0x44: {  	v10 =	vsub.f32 v20, v13;
	v44 =	vld [tilespmem:s19+$0x4180];
	[tilespmem:s18+$0x8120] =	vst v43  }
0x45: {  	v15 =	vadd.f32 v28, v17;
	v45 =	vld [tilespmem:s19+$0x4220];
	[tilespmem:s18+$0x4110] =	vst v0;
	v0 =	vsub.f32 v32, v2;
	_ =	sdelay $0x1  }
0x46: {  	v14 =	vld [tilespmem:s19+$0x4190];
	[tilespmem:s18+$0x41B0] =	vst v10;
	v10 =	vsub.f32 v17, v15;
	v17 =	vadd.f32 v0, v2  }
0x47: {  	v20 =	vld [tilespmem:s19+$0x180];
	[tilespmem:s18+$0x8110] =	vst v3  }
0x48: {  	v59 =	vld [tilespmem:s19+$0x130];
	[tilespmem:s18+$0x4090] =	vst v10;
	v2 =	vsub.f32 v2, v17  }
0x49: {  	v3 =	vsub.f32 v21, v11;
	v46 =	vld [tilespmem:s19+$0x220];
	[tilespmem:s18+$0x8090] =	vst v15  }
0x4a: {  	v10 =	vld [tilespmem:s19+$0x4090];
	[tilespmem:s19+$0x4230] =	vst v2;
	v2 =	vsub.f32 v24, v8  }
0x4b: {  	v21 =	vld [tilespmem:s19+$0x1B0];
	[tilespmem:s18+$0x40B0] =	vst v3;
	v3 =	vsub.f32 v27, v43  }
0x4c: {  	v15 =	vld [tilespmem:s19+$0x41B0];
	[tilespmem:s18+$0x4080] =	vst v2;
	v2 =	vsub.f32 v42, v19  }
0x4d: {  	v8 =	vld [tilespmem:s19+$0x40B0];
	[tilespmem:s18+$0x4120] =	vst v3;
	v3 =	vsub.f32 v12, v33  }
0x4e: {  	v11 =	vsub.f32 v16, v36;
	v42 =	vadd.f32 v2, v19  }
0x4f: {  	v27 =	vld [tilespmem:s19+$0xB0];
	[tilespmem:s19+$0x8230] =	vst v17;
	v16 =	vadd.f32 v3, v33  }
0x50: {  	v12 =	vld [tilespmem:s19+$0x4080];
	[tilespmem:s18+$0x40A0] =	vst v11;
	v17 =	vsub.f32 v19, v42  }
0x51: {  	v24 =	vmul.f32 v25, v25;
	v60 =	vld [tilespmem:s19+$0x80];
	v19 =	vsub.f32 v7, v41;
	[tilespmem:s19+$0x8200] =	vst v16  }
0x52: {  	v25 =	vimm.f32 $0.0e+00;
	v11 =	vld [tilespmem:s19+$0x40A0];
	[tilespmem:s19+$0x4210] =	vst v17  }
0x53: {  	v61 =	vsub.f32 v20, v44;
	v20 =	vadd.f32 v24, v25;
	v17 =	vld [tilespmem:s19+$0x4120];
	[tilespmem:s18+$0x4100] =	vst v19;
	v19 =	vmul.f32 v28, v28  }
0x54: {  	v34 =	vsub.f32 v34, v31;
	v7 =	vsub.f32 v46, v45  }
0x55: {  	v25 =	vadd.f32 v61, v44;
	v28 =	vmul.f32 v30, v30;
	v30 =	vadd.f32 v19, v20  }
0x56: {  	v46 =	vadd.f32 v7, v45;
	v19 =	vmul.f32 v26, v26;
	v20 =	vmul.f32 v23, v23  }
0x57: {  	[tilespmem:s19+$0x8180] =	vst v25;
	v23 =	vsub.f32 v44, v25;
	v26 =	vmul.f32 v35, v35;
	v25 =	vadd.f32 v28, v30  }
0x58: {  	v62 =	vmul.f32 v39, v39;
	v35 =	vsub.f32 v37, v14;
	v37 =	vsub.f32 v45, v46  }
0x59: {  	v47 =	vld [tilespmem:s19+$0x120];
	v30 =	vsub.f32 v33, v16;
	[tilespmem:s19+$0x4180] =	vst v23;
	v23 =	vmul.f32 v38, v38;
	v26 =	vadd.f32 v26, v25  }
0x5a: {  	v28 =	vmul.f32 v29, v29;
	v29 =	vadd.f32 v34, v31;
	v16 =	vsub.f32 v21, v15  }
0x5b: {  	[tilespmem:s19+$0x8220] =	vst v46;
	v24 =	vld [tilespmem:s19+$0x4110];
	v21 =	vmul.f32 v40, v40;
	v25 =	vsub.f32 v59, v9;
	v23 =	vadd.f32 v23, v26  }
0x5c: {  	v36 =	vld [tilespmem:s19+$0x110];
	[tilespmem:s19+$0x8210] =	vst v42;
	v33 =	vmul.f32 v18, v18;
	v18 =	vsub.f32 v27, v8;
	v26 =	vsub.f32 v31, v29  }
0x5d: {  	v40 =	vld [tilespmem:s19+$0x90];
	v32 =	vmul.f32 v35, v35;
	[tilespmem:s19+$0x81A0] =	vst v29;
	v29 =	vadd.f32 v25, v9;
	v63 =	vadd.f32 v21, v23  }
0x5e: {  	v39 =	vld [tilespmem:s19+$0x100];
	v27 =	vsub.f32 v47, v17;
	v31 =	vmul.f32 v61, v61;
	[tilespmem:s19+$0x41A0] =	vst v26;
	v21 =	vadd.f32 v16, v15  }
0x5f: {  	s20 =	simm.s32 $0x1000;
	v38 =	vld [tilespmem:s19+$0xA0];
	v23 =	vmul.f32 v34, v34;
	v34 =	vsub.f32 v60, v12;
	[tilespmem:s19+$0x8130] =	vst v29;
	v41 =	vadd.f32 v62, v63  }
.LBB2_2:
0x60: {  	s21 =	sshra.s32 s20, $0x2;
	p0 =	sne.s32 s20, $0xF800;
	s20 =	sadd.s32 $0x800, s20;
	v42 =	vadd.f32 v18, v8;
	v43 =	vld [tilespmem:s19+$0x4100];
	v35 =	vadd.f32 v35, v14;
	[tilespmem:s19+$0x4200] =	vst v30  }
0x61: {  	v9 =	vsub.f32 v9, v29;
	v26 =	vld [tilespmem:s21+$0x41A0];
	v29 =	vadd.f32 v33, v41  }
0x62: {  	v30 =	vld [tilespmem:s21+$0x230];
	v33 =	vsub.f32 v40, v10;
	[tilespmem:s19+$0x8190] =	vst v35;
	v14 =	vsub.f32 v14, v35  }
0x63: {  	v40 =	vadd.f32 v34, v12;
	v35 =	vld [tilespmem:s21+$0x4200];
	[tilespmem:s19+$0x4130] =	vst v9;
	v9 =	vadd.f32 v19, v29;
	v19 =	vmov v31  }
0x64: {  	v38 =	vsub.f32 v38, v11;
	v29 =	vld [tilespmem:s21+$0x1A0];
	v31 =	vadd.f32 v33, v10;
	[tilespmem:s19+$0x4190] =	vst v14  }
0x65: {  	v36 =	vsub.f32 v36, v24;
	v41 =	vld [tilespmem:s21+$0x4230];
	[tilespmem:s19+$0x4220] =	vst v37;
	v9 =	vadd.f32 v20, v9;
	v20 =	vmov v32  }
0x66: {  	v37 =	vadd.f32 v38, v11;
	v39 =	vsub.f32 v39, v43;
	v32 =	vld [tilespmem:s21+$0x200];
	[tilespmem:s19+$0x80B0] =	vst v42  }
0x67: {  	v22 =	vmul.f32 v22, v22;
	v45 =	vadd.f32 v36, v24;
	v44 =	vld [tilespmem:s21+$0x190];
	[tilespmem:s19+$0x8080] =	vst v40;
	v14 =	vadd.f32 v28, v9  }
0x68: {  	v15 =	vsub.f32 v15, v21;
	v1 =	vmul.f32 v1, v1;
	v28 =	vadd.f32 v39, v43;
	v9 =	vld [tilespmem:s21+$0x4130];
	[tilespmem:s19+$0x80A0] =	vst v37  }
0x69: {  	v47 =	vadd.f32 v27, v17;
	v4 =	vmul.f32 v4, v4;
	v46 =	vld [tilespmem:s21+$0x210];
	v14 =	vadd.f32 v22, v14;
	[tilespmem:s18+$0x81B0] =	vst v13;
	s18 =	smov.u32 s19;
	s19 =	smov.u32 s21  }
0x6a: {  	v5 =	vmul.f32 v5, v5;
	v24 =	vsub.f32 v24, v45;
	v13 =	vld [tilespmem:s19+$0x4210];
	v22 =	vsub.f32 v30, v41;
	[tilespmem:s18+$0x8100] =	vst v28  }
0x6b: {  	v6 =	vmul.f32 v6, v6;
	v10 =	vsub.f32 v10, v31;
	v48 =	vld [tilespmem:s19+$0x4180];
	[tilespmem:s18+$0x8120] =	vst v47;
	v4 =	vadd.f32 v4, v14  }
0x6c: {  	v17 =	vsub.f32 v17, v47;
	v30 =	vmul.f32 v34, v34;
	v34 =	vsub.f32 v43, v28;
	v49 =	vld [tilespmem:s19+$0x4220];
	[tilespmem:s18+$0x4110] =	vst v24  }
0x6d: {  	v28 =	vmul.f32 v33, v33;
	v24 =	vadd.f32 v22, v41;
	v14 =	vld [tilespmem:s19+$0x4190];
	[tilespmem:s18+$0x41B0] =	vst v15;
	v4 =	vadd.f32 v5, v4  }
0x6e: {  	v12 =	vsub.f32 v12, v40;
	v5 =	vsub.f32 v32, v35;
	v43 =	vld [tilespmem:s19+$0x180];
	[tilespmem:s18+$0x8110] =	vst v45;
	v45 =	vmul.f32 v27, v27  }
0x6f: {  	v15 =	vsub.f32 v41, v24;
	v41 =	vmul.f32 v36, v36;
	v27 =	vld [tilespmem:s19+$0x130];
	[tilespmem:s18+$0x4090] =	vst v10;
	v40 =	vadd.f32 v6, v4  }
0x70: {  	v8 =	vsub.f32 v8, v42;
	v33 =	vmul.f32 v25, v25;
	v6 =	vsub.f32 v46, v13;
	v32 =	vld [tilespmem:s19+$0x220];
	[tilespmem:s18+$0x8090] =	vst v31  }
0x71: {  	v11 =	vsub.f32 v11, v37;
	v10 =	vld [tilespmem:s19+$0x4090];
	[tilespmem:s19+$0x4230] =	vst v15;
	v25 =	vadd.f32 v1, v40;
	v1 =	vmovc v0;
	v0 =	vmov v22  }
0x72: {  	v31 =	vmul.f32 v38, v38;
	v37 =	vadd.f32 v6, v13;
	v4 =	vmovc v3;
	v3 =	vmov v5;
	v36 =	vld [tilespmem:s19+$0x1B0];
	[tilespmem:s18+$0x40B0] =	vst v8  }
0x73: {  	v39 =	vmul.f32 v39, v39;
	v38 =	vadd.f32 v3, v35;
	v15 =	vld [tilespmem:s19+$0x41B0];
	v25 =	vadd.f32 v30, v25;
	[tilespmem:s18+$0x4080] =	vst v12  }
0x74: {  	v5 =	vmovc v2;
	v2 =	vmovc v6;
	v22 =	vmov v16;
	v40 =	vsub.f32 v13, v37;
	v6 =	vmov v7;
	v8 =	vld [tilespmem:s19+$0x40B0];
	[tilespmem:s18+$0x4120] =	vst v17  }
0x75: {  	v16 =	vsub.f32 v43, v48;
	v13 =	vmovc v21;
	v42 =	vld [tilespmem:s19+$0xB0];
	[tilespmem:s19+$0x8230] =	vst v24;
	v17 =	vadd.f32 v28, v25;
	v28 =	vmov v23  }
0x76: {  	v30 =	vsub.f32 v35, v38;
	v7 =	vsub.f32 v32, v49;
	v12 =	vld [tilespmem:s19+$0x4080];
	[tilespmem:s18+$0x40A0] =	vst v11  }
0x77: {  	v35 =	vsub.f32 v44, v14;
	v43 =	vld [tilespmem:s19+$0x80];
	[tilespmem:s19+$0x8200] =	vst v38;
	v21 =	vadd.f32 v31, v17  }
0x78: {  	v18 =	vmul.f32 v18, v18;
	v23 =	vadd.f32 v16, v48;
	v11 =	vld [tilespmem:s19+$0x40A0];
	[tilespmem:s19+$0x4210] =	vst v40;
	v40 =	vadd.f32 v7, v49  }
0x79: {  	v29 =	vsub.f32 v29, v26;
	v31 =	vmul.f32 v16, v16;
	v16 =	vsub.f32 v36, v15;
	v17 =	vld [tilespmem:s19+$0x4120];
	[tilespmem:s18+$0x4100] =	vst v34  }
0x7a: {  	v38 =	vsub.f32 v48, v23;
	v21 =	vadd.f32 v18, v21;
	v34 =	vld [tilespmem:s19+$0x120];
	[tilespmem:s19+$0x8220] =	vst v40  }
0x7b: {  	v32 =	vmul.f32 v35, v35;
	v18 =	vsub.f32 v42, v8;
	v42 =	vadd.f32 v29, v26;
	v24 =	vld [tilespmem:s19+$0x4110];
	[tilespmem:s19+$0x8180] =	vst v23  }
.Ltmp0:
0x7c: {  	v25 =	vsub.f32 v27, v9;
	v21 =	vadd.f32 v39, v21;
	v36 =	vld [tilespmem:s19+$0x110];
	[tilespmem:s19+$0x4180] =	vst v38;
	(pc) =	sbr.rel @p0 .LBB2_2-.Ltmp0, $4  }
0x7d: {  	v23 =	vmul.f32 v29, v29;
	v26 =	vsub.f32 v26, v42;
	v38 =	vld [tilespmem:s19+$0xA0];
	[tilespmem:s19+$0x8210] =	vst v37;
	v37 =	vsub.f32 v49, v40  }
0x7e: {  	v29 =	vadd.f32 v25, v9;
	v41 =	vadd.f32 v41, v21;
	v40 =	vld [tilespmem:s19+$0x90];
	[tilespmem:s19+$0x81A0] =	vst v42  }
0x7f: {  	v21 =	vadd.f32 v16, v15;
	v27 =	vsub.f32 v34, v17;
	[tilespmem:s19+$0x41A0] =	vst v26  }
0x80: {  	v34 =	vsub.f32 v43, v12;
	v41 =	vadd.f32 v45, v41;
	v39 =	vld [tilespmem:s19+$0x100];
	[tilespmem:s19+$0x8130] =	vst v29  }
0x81: {  	_ = 	snop  }
0x82: {  	v26 =	vadd.f32 v33, v41;
	_ =	sdelay $0x1  }
0x83: {  	v19 =	vadd.f32 v19, v26;
	_ =	sdelay $0x1  }
0x84: {  	v19 =	vadd.f32 v20, v19;
	_ =	sdelay $0x1  }
0x85: {  	v62 =	vmul.f32 v22, v22;
	v19 =	vadd.f32 v28, v19;
	_ =	sdelay $0x1  }
0x86: {  	v4 =	vmul.f32 v4, v4;
	v19 =	vadd.f32 v62, v19;
	_ =	sdelay $0x1  }
0x87: {  	v5 =	vmul.f32 v5, v5;
	v4 =	vadd.f32 v4, v19;
	_ =	sdelay $0x1  }
0x88: {  	v6 =	vmul.f32 v6, v6;
	v4 =	vadd.f32 v5, v4;
	_ =	sdelay $0x1  }
0x89: {  	v1 =	vmul.f32 v1, v1;
	v4 =	vadd.f32 v6, v4;
	_ =	sdelay $0x1  }
0x8a: {  	v63 =	vsub.f32 v40, v10;
	v28 =	vmul.f32 v34, v34;
	v1 =	vadd.f32 v1, v4  }
0x8b: {  	v33 =	vld [tilespmem:s19+$0x4100]  }
0x8c: {  	v40 =	vsub.f32 v38, v11;
	v41 =	vmul.f32 v63, v63;
	v1 =	vadd.f32 v28, v1;
	_ =	sdelay $0x1  }
0x8d: {  	v42 =	vmul.f32 v40, v40;
	v1 =	vadd.f32 v41, v1;
	_ =	sdelay $0x1  }
0x8e: {  	v44 =	vmul.f32 v18, v18;
	v43 =	vsub.f32 v39, v33;
	v1 =	vadd.f32 v42, v1;
	_ =	sdelay $0x1  }
0x8f: {  	v45 =	vsub.f32 v36, v24;
	v46 =	vmul.f32 v43, v43;
	v1 =	vadd.f32 v44, v1;
	_ =	sdelay $0x1  }
0x90: {  	v47 =	vmul.f32 v45, v45;
	v1 =	vadd.f32 v46, v1;
	_ =	sdelay $0x1  }
0x91: {  	v48 =	vadd.f32 v35, v14;
	[tilespmem:s19+$0x4200] =	vst v30;
	v49 =	vmul.f32 v27, v27;
	v1 =	vadd.f32 v47, v1  }
0x92: {  	v9 =	vsub.f32 v9, v29;
	[tilespmem:s19+$0x4220] =	vst v37  }
0x93: {  	v51 =	vmul.f32 v25, v25;
	v52 =	vadd.f32 v18, v8;
	[tilespmem:s19+$0x8190] =	vst v48;
	v1 =	vadd.f32 v49, v1  }
0x94: {  	v53 =	vadd.f32 v34, v12;
	[tilespmem:s19+$0x4130] =	vst v9  }
0x95: {  	v50 =	vsub.f32 v14, v48;
	[tilespmem:s19+$0x80B0] =	vst v52;
	v1 =	vadd.f32 v51, v1  }
0x96: {  	[tilespmem:s19+$0x8080] =	vst v53;
	v54 =	vadd.f32 v40, v11  }
0x97: {  	v55 =	vadd.f32 v45, v24;
	[tilespmem:s19+$0x4190] =	vst v50;
	v1 =	vadd.f32 v31, v1  }
0x98: {  	v57 =	vadd.f32 v27, v17;
	[tilespmem:s19+$0x80A0] =	vst v54  }
0x99: {  	v58 =	vsub.f32 v24, v55;
	[tilespmem:s18+$0x81B0] =	vst v13;
	v1 =	vadd.f32 v32, v1  }
0x9a: {  	v15 =	vsub.f32 v15, v21;
	[tilespmem:s19+$0x8120] =	vst v57  }
0x9b: {  	v16 =	vmul.f32 v16, v16;
	[tilespmem:s19+$0x4110] =	vst v58;
	v1 =	vadd.f32 v23, v1  }
0x9c: {  	v8 =	vsub.f32 v8, v52;
	[tilespmem:s19+$0x41B0] =	vst v15  }
0x9d: {  	v3 =	vmul.f32 v3, v3;
	v59 =	vsub.f32 v12, v53;
	[tilespmem:s19+$0x8110] =	vst v55;
	v1 =	vadd.f32 v16, v1  }
0x9e: {  	v60 =	vsub.f32 v17, v57;
	[tilespmem:s19+$0x40B0] =	vst v8  }
0x9f: {  	v2 =	vmul.f32 v2, v2;
	[tilespmem:s19+$0x4080] =	vst v59;
	v1 =	vadd.f32 v3, v1  }
0xa0: {  	v56 =	vadd.f32 v43, v33;
	[tilespmem:s19+$0x4120] =	vst v60  }
0xa1: {  	v61 =	vmul.f32 v7, v7;
	[tilespmem:s19+$0x81B0] =	vst v21;
	v62 =	vsub.f32 v11, v54;
	v1 =	vadd.f32 v2, v1  }
0xa2: {  	[tilespmem:s19+$0x8100] =	vst v56;
	v5 =	vadd.f32 v63, v10  }
0xa3: {  	v0 =	vmul.f32 v0, v0;
	[tilespmem:s19+$0x40A0] =	vst v62;
	v63 =	vsub.f32 v33, v56;
	v1 =	vadd.f32 v61, v1  }
0xa4: {  	v10 =	vsub.f32 v10, v5;
	[tilespmem:s19+$0x8090] =	vst v5  }
0xa5: {  	[tilespmem:s19+$0x4100] =	vst v63;
	v0 =	vadd.f32 v0, v1  }
0xa6: {  	[tilespmem:s19+$0x4090] =	vst v10  }
0xa7: {  	[tilespmem:$0xC080] =	vst v0  }
0xa8: {  	[hbm4b:s6+s2] =	stream.linear.scatter [tilespmem:s15], [sflag:$0x1], $0x4000, $0x38;
	[tilespmem:$0xC100] =	vst v63  }
0xa9: {  	_ = 	snop  }
0xaa: {  	[hbm4b:s7+s2] =	stream.linear.scatter [tilespmem:s10], [sflag:$0x2], $0x4000, $0x38;
	[tilespmem:$0xC100] =	vst v63  }
0xab: {  	_ = 	snop  }
0xac: {  	[hbm4b:s8+s2] =	stream.linear.scatter [tilespmem:s16], [sflag:$0x3], $0x80, $0x38;
	[tilespmem:$0xC100] =	vst v63  }
0xad: {  	_ =	swait.ge [sflag:s11], $0x80  }
0xae: {  	[sflag:s11] =	ssyncset.done $0x0  }
0xaf: {  	s17 =	sadd.s32 $0x1, s17;
	[sflag:s11] =	ssyncadd.s32 $0xFFFFFF80  }
0xb0: {  	p0 =	sne.s32 s17, s9;
	_ =	swait.ge [sflag:s14], $0x4000  }
.Ltmp1:
0xb1: {  	[sflag:s14] =	ssyncset.done $0x0;
	(pc) =	sbr.rel @p0 .LBB2_1-.Ltmp1, $4  }
0xb2: {  	[sflag:s14] =	ssyncadd.s32 $0xFFFFC000  }
0xb3: {  	_ =	swait.ge [sflag:s13], $0x4000  }
0xb4: {  	[sflag:s13] =	ssyncset.done $0x0  }
0xb5: {  	[sflag:s13] =	ssyncadd.s32 $0xFFFFC000  }
0xb6: {  	_ =	sfence.sel $0x180000  }
0xb7: {  	[bflag:$0x0] =	sbarrier.arrive $0xFFFF  }
0xb8: {  	p0 =	sne.s32 s1, $0x0;
	_ =	strace $0x9000004D  }
0xb9: {  	s0 =	sadd.s32 @!p0 $0x100000, s0;
	[bflag:$0x2] =	sbarrier.arrive $0xFFFF  }
0xba: {  	[sflag:s0] =	ssyncadd.tile.s32 @!p0 $0x1;
	_ =	shalt  }
.Lfunc_end2:
_tile_overlayer_lowered:
.L_overlay_start_2:
0xbb: {  	(tag) =	ssettag $0x2  }
0xbc: {  	s0 =	rddreg [dreg:$0x0];
	s2 =	stileid.u32  }
0xbd: {  	s1 =	rddreg [dreg:$0x1];
	p0 =	sne.s32 s2, $0x0  }
0xbe: {  	s3 =	rddreg [dreg:$0x2];
	[bflag:$0x3] =	sbarrier.arrive $0xFFFF;
	s2 =	simm.s32 @!p0 $0x1C03  }
0xbf: {  	[timem:s3], [sflag:s2] =	dma.local @!p0 [hbm:s0], s1  }
0xc0: {  	s0 =	simm.s32 @!p0 $0x3  }
0xc1: {  	_ =	swait.ge @!p0 [sflag:s0], s1  }
0xc2: {  	s1 =	ssub.s32 @!p0 $0x0, s1;
	[sflag:s0] =	ssyncset.done @!p0 $0x0  }
0xc3: {  	[sflag:s0] =	ssyncadd.s32 @!p0 s1  }
0xc4: {  	[bflag:$0x3] =	sbarrier.arrive $0xFFFF  }
0xc5: {  	_ =	shalt  }

// kernel: kernel.8.cloned.1.call-start
scs
__scs_entry_jumppad:
0x0: {  	(pc) =	sbr.rel $0x88, $3  }
0x1: {  	(tag) =	ssettag $0x0;
	lr =	simm.s32 $0x1  }
0x2: {  	[smem:$0x3F9D] =	sst lr;
	_ =	strace $0xD0000000  }
0x3: {  	_ = 	snop  }
0x4: {  	_ = 	snop  }
0x5: {  	_ = 	snop  }
0x6: {  	_ = 	snop  }
0x7: {  	_ = 	snop  }
__scs_overlays_trampoline_lowered:
0x8: {  	[smem:$0x3FAC] =	sst s0  }
0x9: {  	[smem:$0x3FAD] =	sst s1  }
0xa: {  	[smem:$0x3FAE] =	sst s2  }
0xb: {  	[smem:$0x3FAF] =	sst s3  }
0xc: {  	[smem:$0x3FB0] =	sst s4  }
0xd: {  	[smem:$0x3FB1] =	sst s5  }
0xe: {  	[smem:$0x3FB2] =	sst s6  }
0xf: {  	[smem:$0x3FB3] =	sst s7  }
0x10: {  	[smem:$0x3FB4] =	sst s8  }
0x11: {  	[smem:$0x3FB5] =	sst s9;
	s0 =	simm.s32 @!p0 $0x0  }
0x12: {  	s1 =	sld [smem:$0x3F9B];
	s0 =	simm.s32 @p0 $0x1  }
0x13: {  	[smem:$0x3FB6] =	sst s0;
	s0 =	simm.s32 @!p1 $0x0  }
0x14: {  	s2 =	sld [smem:$0x3F9A];
	s0 =	simm.s32 @p1 $0x1  }
0x15: {  	[smem:$0x3FB7] =	sst s0;
	s0 =	simm.s32 @!p2 $0x0  }
0x16: {  	s3 =	sld [smem:$0x3FDB];
	s0 =	simm.s32 @p2 $0x1  }
0x17: {  	s4 =	simm.s32 $0x1BF5;
	[smem:$0x3FB9] =	sst s0  }
0x18: {  	s0 =	sld [smem:$0x3F9C];
	_ =	swait.ge [sflag:s4], $0x0  }
0x19: {  	s7 =	sld [smem:$0x3F9D]  }
0x1a: {  	s8 =	sadd.s32 $0xFFFFE003, lr  }
0x1b: {  	s9 =	sadd.s32 $0xFFFFFEF7, lr;
	s5 =	simm.s32 $0xFFFFFFFF;
	p2 =	slt.u32 s8, $0xFFFFF086  }
0x1c: {  	p1 =	slt.u32 s9, $0xF7A;
	s5 =	simm.s32 @!p2 $0x0  }
0x1d: {  	s5 =	simm.s32 @p1 $0x1;
	p0 =	seq.s32 s7, s2  }
0x1e: {  	s7 =	smul.u32 @!p0 $0xF7A, s2;
	p2 =	seq.s32 @!p0 s5, $0x0  }
0x1f: {  	s9 =	smul.u32 $0xF7A, s1;
	s8 =	simm.s32 @!p0 $0x1BF5;
	p2 =	por !p2, p0  }
0x20: {  	[sflag:s8] =	ssyncset.s32 @!p0 $0xFFFFF086;
	s6 =	sadd.s32 @!p0 s3, s7;
	s7 =	simm.s32 @!p0 $0x108  }
0x21: {  	s3 =	sadd.s32 s3, s9;
	s6 =	sadd.s32 @!p0 $0x88, s6;
	s7 =	simm.s32 @p2 $0x1082  }
0x22: {  	[simem:s7], [sflag:s8] =	dma.local @!p0 [hbm:s6], $0xF7A  }
0x23: {  	s9 =	sor.u32 $0xD0000000, s2;
	s6 =	simm.s32 $0x108;
	_ =	swait.ge @!p0 [sflag:s8], $0x0  }
0x24: {  	s3 =	sadd.s32 $0x88, s3;
	s6 =	simm.s32 @!p1 $0x1082;
	[sflag:s4] =	ssyncset.s32 $0xFFFFF086  }
0x25: {  	[simem:s6], [sflag:s4] =	dma.local [hbm:s3], $0xF7A  }
0x26: {  	[smem:$0x3F9D] =	sst s1;
	(tag) =	ssettag s2;
	_ =	strace s9  }
0x27: {  	s1 =	sld [smem:$0x3FAD]  }
0x28: {  	s2 =	sld [smem:$0x3FAE]  }
0x29: {  	s4 =	sld [smem:$0x3FB0]  }
0x2a: {  	p0 =	seq.s32 s5, $0x0;
	s5 =	sld [smem:$0x3FB1]  }
0x2b: {  	s6 =	sld [smem:$0x3FB2]  }
0x2c: {  	s7 =	sld [smem:$0x3FB3]  }
0x2d: {  	s3 =	simm.s32 $0x108;
	s8 =	sld [smem:$0x3FB4]  }
0x2e: {  	s3 =	simm.s32 @!p0 $0x1082;
	s9 =	sld [smem:$0x3FB5]  }
0x2f: {  	lr =	sadd.s32 s0, s3;
	s0 =	sld [smem:$0x3FAC]  }
0x30: {  	s3 =	sld [smem:$0x3FAF]  }
0x31: {  	[smem:$0x3FB8] =	sst s10  }
0x32: {  	s10 =	sld [smem:$0x3FB6];
	_ =	sdelay $0x3  }
0x33: {  	p0 =	seq.s32 s10, $0x1;
	s10 =	sld [smem:$0x3FB8];
	_ =	sdelay $0x3  }
0x34: {  	[smem:$0x3FB8] =	sst s10  }
0x35: {  	s10 =	sld [smem:$0x3FB7];
	_ =	sdelay $0x3  }
0x36: {  	p1 =	seq.s32 s10, $0x1;
	s10 =	sld [smem:$0x3FB8];
	_ =	sdelay $0x3  }
0x37: {  	[smem:$0x3FB8] =	sst s10  }
0x38: {  	s10 =	sld [smem:$0x3FB9]  }
0x39: {  	_ = 	snop;
	(pc) =	sbr.ind lr, $3  }
0x3a: {  	_ = 	snop  }
0x3b: {  	_ = 	snop  }
0x3c: {  	p2 =	seq.s32 s10, $0x1;
	s10 =	sld [smem:$0x3FB8]  }
0x3d: {  	_ =	shalt  }
0x3e: {  	_ =	shalt  }
0x3f: {  	_ =	shalt  }
0x40: {  	_ =	shalt  }
0x41: {  	_ =	shalt  }
0x42: {  	_ =	shalt  }
0x43: {  	_ =	shalt  }
0x44: {  	_ =	shalt  }
0x45: {  	_ =	shalt  }
0x46: {  	_ =	shalt  }
0x47: {  	_ =	shalt  }
0x48: {  	_ =	shalt  }
0x49: {  	_ =	shalt  }
0x4a: {  	_ =	shalt  }
0x4b: {  	_ =	shalt  }
0x4c: {  	_ =	shalt  }
0x4d: {  	_ =	shalt  }
0x4e: {  	_ =	shalt  }
0x4f: {  	_ =	shalt  }
0x50: {  	_ =	shalt  }
0x51: {  	_ =	shalt  }
0x52: {  	_ =	shalt  }
0x53: {  	_ =	shalt  }
0x54: {  	_ =	shalt  }
0x55: {  	_ =	shalt  }
0x56: {  	_ =	shalt  }
0x57: {  	_ =	shalt  }
0x58: {  	_ =	shalt  }
0x59: {  	_ =	shalt  }
0x5a: {  	_ =	shalt  }
0x5b: {  	_ =	shalt  }
0x5c: {  	_ =	shalt  }
0x5d: {  	_ =	shalt  }
0x5e: {  	_ =	shalt  }
0x5f: {  	_ =	shalt  }
0x60: {  	_ =	shalt  }
0x61: {  	_ =	shalt  }
0x62: {  	_ =	shalt  }
0x63: {  	_ =	shalt  }
0x64: {  	_ =	shalt  }
0x65: {  	_ =	shalt  }
0x66: {  	_ =	shalt  }
0x67: {  	_ =	shalt  }
0x68: {  	_ =	shalt  }
0x69: {  	_ =	shalt  }
0x6a: {  	_ =	shalt  }
0x6b: {  	_ =	shalt  }
0x6c: {  	_ =	shalt  }
0x6d: {  	_ =	shalt  }
0x6e: {  	_ =	shalt  }
0x6f: {  	_ =	shalt  }
0x70: {  	_ =	shalt  }
0x71: {  	_ =	shalt  }
0x72: {  	_ =	shalt  }
0x73: {  	_ =	shalt  }
0x74: {  	_ =	shalt  }
0x75: {  	_ =	shalt  }
0x76: {  	_ =	shalt  }
0x77: {  	_ =	shalt  }
0x78: {  	_ =	shalt  }
0x79: {  	_ =	shalt  }
0x7a: {  	_ =	shalt  }
0x7b: {  	_ =	shalt  }
0x7c: {  	_ =	shalt  }
0x7d: {  	_ =	shalt  }
0x7e: {  	_ =	shalt  }
0x7f: {  	_ =	shalt  }
0x80: {  	_ =	shalt  }
0x81: {  	_ =	shalt  }
0x82: {  	_ =	shalt  }
0x83: {  	_ =	shalt  }
0x84: {  	_ =	shalt  }
0x85: {  	_ =	shalt  }
0x86: {  	_ =	shalt  }
0x87: {  	_ =	shalt  }
.Lfunc_end0:
.L_simem_size_0:
called_computation_lowered:
.L_overlay_start_0:
0x88: {  	s2 =	sld [smem:$0x3FD9]  }
0x89: {  	s3 =	sld [smem:$0x3FFE];
	_ =	sdelay $0x1  }
0x8a: {  	s1 =	srdreg.scid  }
0x8b: {  	s0 =	sand.u32 $0x1, s1  }
0x8c: {  	s14 =	sshll.u32 s0, $0xA;
	s2 =	sadd.s32 s3, s2  }
0x8d: {  	s2 =	sadd.s32 s2, s14  }
0x8e: {  	[smem:$0x3FC4] =	sst s2  }
0x8f: {  	_ = 	snop  }
0x90: {  	s2 =	sld [smem:$0x3FD0];
	_ =	sdelay $0x2  }
0x91: {  	s15 =	simm.s32 $0xA;
	s4 =	simm.s32 $0x10  }
0x92: {  	[smem:s4], [sflag:s15] =	dma.local [hbm:s2], $0x1  }
0x93: {  	_ =	swait.eq [sflag:s15], $0x1  }
0x94: {  	[sflag:s15] =	ssyncset.done $0x0  }
0x95: {  	[sflag:s15] =	ssyncadd.s32 $0xFFFFFFFF  }
0x96: {  	s16 =	sld [smem:$0x11];
	(tm) =	ssettm $0x1  }
0x97: {  	s17 =	sld [smem:$0x3FFB];
	_ =	sdelay $0x3  }
0x98: {  	_ =	strace s17  }
0x99: {  	s3 =	sld [smem:$0x3FFC];
	_ =	sdelay $0x3  }
0x9a: {  	_ =	strace s3  }
0x9b: {  	s3 =	sld [smem:$0x3FFD];
	_ =	sdelay $0x3  }
0x9c: {  	_ =	strace s3  }
0x9d: {  	_ =	strace $0x8FFFFFFF  }
0x9e: {  	s18 =	sld [smem:$0x3FDB];
	_ =	sdelay $0x1  }
0x9f: {  	s19 =	simm.s32 $_scs_section_size  }
0xa0: {  	s5 =	simm.s32 $_size__tile_overlayer_lowered;
	s6 =	simm.s32 $_tile_overlayer_lowered  }
0xa1: {  	s22 =	simm.s32 $0x1BFF;
	s21 =	sshll.u32 s6, $0x1;
	s3 =	sadd.s32 s19, s18  }
0xa2: {  	s7 =	simm.s32 $0x0;
	s20 =	sshll.u32 s5, $0x1;
	s5 =	sadd.s32 s21, s3  }
0xa3: {  	[timem:s7], [sflag:s22] =	dma.local [hbm:s5], s20  }
0xa4: {  	_ =	swait.ge [sflag:s22], s20  }
0xa5: {  	s4 =	ssub.s32 $0x0, s20;
	[sflag:s22] =	ssyncset.done $0x0  }
0xa6: {  	[sflag:s22] =	ssyncadd.s32 s4;
	_ =	sdelay $0x1  }
0xa7: {  	s23 =	simm.s32 $0x1B8B  }
0xa8: {  	_ =	swait.ge [sflag:s23], $0x1  }
0xa9: {  	[sflag:s23] =	ssyncset.done $0x0  }
0xaa: {  	s25 =	simm.s32 $0x1B8E;
	s24 =	sld [smem:$0x3FFE];
	[sflag:s23] =	ssyncadd.s32 $0xFFFFFFFF  }
0xab: {  	s26 =	simm.s32 $execute0_lowered;
	[smem:$0x3FD2] =	sst s25  }
0xac: {  	s5 =	sshll.u32 s26, $0x1;
	_ =	strace $0x80000046;
	[dreg:$0x1] =	wrdreg $0xFFFFFFFF  }
0xad: {  	s28 =	simm.s32 $_size_execute0_lowered;
	s3 =	sadd.s32 s3, s5;
	[dreg:$0x0] =	wrdreg $0x0  }
0xae: {  	s5 =	sshll.u32 s28, $0x1;
	[dreg:$0x2] =	wrdreg s3  }
0xaf: {  	[dreg:$0x3] =	wrdreg s5  }
0xb0: {  	[dreg:$0x4] =	wrdreg $0xC0  }
0xb1: {  	_ =	task [dreg:s7], $0x5FFFF  }
0xb2: {  	[dreg:$0x1] =	wrdreg $0xFFFFFFFF  }
0xb3: {  	[dreg:$0x0] =	wrdreg $0x60  }
0xb4: {  	[dreg:$0x2] =	wrdreg s24  }
0xb5: {  	[dreg:$0x3] =	wrdreg s16  }
0xb6: {  	[dreg:$0x4] =	wrdreg $0x9  }
0xb7: {  	_ =	task.clear_ibuf [dreg:s7], $0x5FFFF;
	_ =	strace $0x90000046  }
0xb8: {  	s29 =	simm.s32 $0x9;
	_ =	strace $0x80000048  }
0xb9: {  	_ =	swait.ge [sflag:s29], $0x1  }
0xba: {  	[sflag:s29] =	ssyncadd.s32 $0xFFFFFFFF  }
0xbb: {  	_ =	strace $0x90000048  }
0xbc: {  	_ =	sfence  }
0xbd: {  	s30 =	sld [smem:$0x0];
	_ =	sdelay $0x2  }
0xbe: {  	s31 =	sshll.u32 s1, $0xD;
	s1 =	sshrl.u32 s1, $0x2  }
0xbf: {  	s3 =	sand.u32 $0x4000, s31;
	s1 =	sadd.s32 s1, s30  }
0xc0: {  	s0 =	sor.u32 s3, s0;
	s1 =	sshll.u32 s1, $0x11  }
0xc1: {  	s0 =	sor.u32 s1, s0  }
0xc2: {  	s0 =	sadd.s32 $0x8F2B, s0  }
0xc3: {  	[sflag:s0] =	ssyncadd.remote.s32 $0x1  }
0xc4: {  	_ =	sfence.sel $0xFFFF  }
0xc5: {  	[dreg:$0x0] =	wrdreg $0xFFFFFFFF;
	(pc) =	sbr.abs _section_cstart, $3  }
0xc6: {  	[dreg:$0x1] =	wrdreg $0xFFFFFFFF  }
0xc7: {  	_ =	task.clear_ibuf [dreg:s7], $0x2FFFF;
	_ =	strace $0x9FFFFFFF  }
0xc8: {  	(tm) =	ssettm $0x7FFFFFFF  }
0xc9: {  	_ =	shalt  }
tec
execute0_lowered:
.L_overlay_start_1:
0x0: {  	(tag) =	ssettag $0x1  }
0x1: {  	s4 =	rddreg [dreg:$0x0]  }
0x2: {  	s5 =	rddreg [dreg:$0x1]  }
0x3: {  	s0 =	rddreg [dreg:$0x2]  }
0x4: {  	s2 =	simm.s32 $0x0;
	s3 =	srdreg.scid;
	s1 =	stileid.u32  }
0x5: {  	s11 =	simm.s32 $0x3;
	s12 =	simm.s32 $0x80;
	s13 =	simm.s32 $0x2  }
0x6: {  	s14 =	simm.s32 $0x1;
	s15 =	simm.s32 $0x8080;
	s16 =	simm.s32 $0xC080  }
0x7: {  	s17 =	simm.s32 $0x0;
	s6 =	sand.u32 $0x1, s3;
	s7 =	sshll.u32 s1, $0x1  }
0x8: {  	[smem:$0x7FF] =	sst s2;
	s3 =	sadd.s32 $0x11600, s4;
	s7 =	sor.u32 s6, s7  }
0x9: {  	_ =	strace $0x80000047;
	s6 =	ssub.s32 $0x2, s6;
	s8 =	sshll.u32 s7, $0xB  }
0xa: {  	s7 =	sshll.u32 s7, $0x4;
	s31 =	sshrl.u32 s6, $0x1;
	s8 =	sadd.s32 s8, s4  }
0xb: {  	s9 =	sadd.s32 s7, s4;
	s10 =	ssub.s32 s6, s31;
	s5 =	sadd.s32 s5, s7  }
0xc: {  	s4 =	sadd.s32 $0x1600, s8;
	s6 =	sadd.s32 $0x41800, s8;
	s7 =	sadd.s32 $0x31600, s8  }
0xd: {  	s8 =	sadd.s32 $0x41600, s9;
	s9 =	smax.u32 s10, $0x1;
	s10 =	simm.s32 $0x4080  }
.LBB2_1:
0xe: {  	[tilespmem:s10], [sflag:$0x2] =	stream.linear.gather [hbm4b:s4+s2], $0x4000, $0x38;
	[tilespmem:$0xC100] =	vst v63  }
0xf: {  	_ = 	snop  }
0x10: {  	[tilespmem:s2], [sflag:$0x3] =	stream.linear.gather [hbm4b:s5+s2], $0x80, $0x38;
	[tilespmem:$0xC100] =	vst v63  }
0x11: {  	_ =	swait.ge [sflag:s11], $0x80  }
0x12: {  	[sflag:s11] =	ssyncset.done $0x0  }
0x13: {  	[sflag:s11] =	ssyncadd.s32 $0xFFFFFF80  }
0x14: {  	[tilespmem:s12], [sflag:$0x1] =	stream.indirect.gather [hbm4b:s3+s12], $0x80, s2, s12, $0xb8;
	[tilespmem:$0xC100] =	vst v63  }
0x15: {  	_ =	swait.ge [sflag:s13], $0x4000  }
0x16: {  	[sflag:s13] =	ssyncset.done $0x0  }
0x17: {  	[sflag:s13] =	ssyncadd.s32 $0xFFFFC000  }
0x18: {  	_ =	swait.ge [sflag:s14], $0x4000  }
0x19: {  	[sflag:s14] =	ssyncset.done $0x0  }
0x1a: {  	s18 =	simm.s32 $0x0;
	[sflag:s14] =	ssyncadd.s32 $0xFFFFC000  }
0x1b: {  	v0 =	vld [tilespmem:s18+$0x41A0]  }
0x1c: {  	v1 =	vld [tilespmem:s18+$0x230]  }
0x1d: {  	v2 =	vld [tilespmem:s18+$0x4200]  }
0x1e: {  	v3 =	vld [tilespmem:s18+$0x1A0]  }
0x1f: {  	v4 =	vld [tilespmem:s18+$0x4230]  }
0x20: {  	v5 =	vld [tilespmem:s18+$0x200]  }
0x21: {  	v7 =	vld [tilespmem:s18+$0x190]  }
0x22: {  	v8 =	vld [tilespmem:s18+$0x4130]  }
0x23: {  	v6 =	vld [tilespmem:s18+$0x210]  }
0x24: {  	v9 =	vld [tilespmem:s18+$0x4210]  }
0x25: {  	v10 =	vld [tilespmem:s18+$0x4180]  }
0x26: {  	v14 =	vld [tilespmem:s18+$0x180]  }
0x27: {  	v11 =	vld [tilespmem:s18+$0x4220]  }
0x28: {  	v12 =	vld [tilespmem:s18+$0x4190]  }
0x29: {  	v15 =	vld [tilespmem:s18+$0x130]  }
0x2a: {  	v16 =	vld [tilespmem:s18+$0x220];
	v1 =	vsub.f32 v1, v4  }
0x2b: {  	v17 =	vld [tilespmem:s18+$0x4090];
	v26 =	vsub.f32 v14, v10  }
0x2c: {  	v19 =	vld [tilespmem:s18+$0x1B0];
	v13 =	vadd.f32 v1, v4  }
0x2d: {  	v20 =	vld [tilespmem:s18+$0x41B0];
	v18 =	vadd.f32 v26, v10  }
0x2e: {  	v21 =	vld [tilespmem:s18+$0x40B0];
	v4 =	vsub.f32 v4, v13  }
0x2f: {  	v22 =	vld [tilespmem:s18+$0xB0];
	v29 =	vsub.f32 v3, v0;
	[tilespmem:s18+$0x8230] =	vst v13;
	v10 =	vsub.f32 v10, v18  }
0x30: {  	v24 =	vld [tilespmem:s18+$0x4080];
	[tilespmem:s18+$0x4230] =	vst v4;
	v4 =	vsub.f32 v5, v2  }
0x31: {  	v25 =	vld [tilespmem:s18+$0x80];
	v5 =	vsub.f32 v6, v9;
	[tilespmem:s18+$0x4180] =	vst v10;
	v10 =	vadd.f32 v29, v0  }
0x32: {  	v27 =	vld [tilespmem:s18+$0x4120];
	[tilespmem:s18+$0x8180] =	vst v18;
	v23 =	vadd.f32 v4, v2  }
0x33: {  	v28 =	vld [tilespmem:s18+$0x4110];
	v18 =	vsub.f32 v15, v8;
	v13 =	vadd.f32 v5, v9;
	[tilespmem:s18+$0x81A0] =	vst v10  }
0x34: {  	v30 =	vld [tilespmem:s18+$0xA0];
	v0 =	vsub.f32 v0, v10;
	[tilespmem:s18+$0x8200] =	vst v23  }
0x35: {  	v14 =	vld [tilespmem:s18+$0x120];
	v10 =	vadd.f32 v18, v8;
	[tilespmem:s18+$0x8210] =	vst v13  }
0x36: {  	v3 =	vld [tilespmem:s18+$0x110];
	v6 =	vsub.f32 v16, v11;
	v9 =	vsub.f32 v9, v13;
	[tilespmem:s18+$0x41A0] =	vst v0  }
0x37: {  	v15 =	vld [tilespmem:s18+$0x90];
	v2 =	vsub.f32 v2, v23;
	[tilespmem:s18+$0x8130] =	vst v10  }
0x38: {  	v16 =	vld [tilespmem:s18+$0x40A0];
	v23 =	vsub.f32 v7, v12;
	[tilespmem:s18+$0x4210] =	vst v9;
	v9 =	vadd.f32 v6, v11  }
0x39: {  	v0 =	vld [tilespmem:s18+$0x100];
	[tilespmem:s18+$0x4200] =	vst v2  }
0x3a: {  	s19 =	simm.s32 $0x200;
	v7 =	vld [tilespmem:s18+$0x4100];
	v2 =	vadd.f32 v23, v12;
	[tilespmem:s18+$0x8220] =	vst v9  }
0x3b: {  	v8 =	vsub.f32 v8, v10;
	v31 =	vld [tilespmem:s19+$0x41A0]  }
0x3c: {  	v35 =	vsub.f32 v22, v21;
	v32 =	vld [tilespmem:s19+$0x230];
	[tilespmem:s18+$0x8190] =	vst v2;
	v2 =	vsub.f32 v12, v2  }
0x3d: {  	v25 =	vsub.f32 v25, v24;
	v33 =	vld [tilespmem:s19+$0x4200];
	[tilespmem:s18+$0x4130] =	vst v8;
	v8 =	vsub.f32 v11, v9  }
0x3e: {  	v30 =	vsub.f32 v30, v16;
	v11 =	vadd.f32 v35, v21;
	v34 =	vld [tilespmem:s19+$0x1A0];
	[tilespmem:s18+$0x4190] =	vst v2  }
0x3f: {  	v40 =	vsub.f32 v3, v28;
	v2 =	vld [tilespmem:s19+$0x4230];
	[tilespmem:s18+$0x4220] =	vst v8;
	v8 =	vadd.f32 v25, v24  }
0x40: {  	v36 =	vadd.f32 v30, v16;
	v38 =	vsub.f32 v0, v7;
	v12 =	vld [tilespmem:s19+$0x200];
	[tilespmem:s18+$0x80B0] =	vst v11  }
0x41: {  	v22 =	vsub.f32 v19, v20;
	v39 =	vsub.f32 v14, v27;
	v37 =	vld [tilespmem:s19+$0x190];
	[tilespmem:s18+$0x8080] =	vst v8  }
0x42: {  	v3 =	vadd.f32 v40, v28;
	v41 =	vadd.f32 v38, v7;
	v9 =	vld [tilespmem:s19+$0x4130];
	[tilespmem:s18+$0x80A0] =	vst v36  }
0x43: {  	v43 =	vadd.f32 v39, v27;
	v13 =	vadd.f32 v22, v20;
	v42 =	vld [tilespmem:s19+$0x210]  }
0x44: {  	v0 =	vsub.f32 v28, v3;
	v28 =	vsub.f32 v15, v17;
	v19 =	vld [tilespmem:s19+$0x4210];
	[tilespmem:s18+$0x8100] =	vst v41  }
0x45: {  	v10 =	vsub.f32 v20, v13;
	v44 =	vld [tilespmem:s19+$0x4180];
	[tilespmem:s18+$0x8120] =	vst v43  }
0x46: {  	v15 =	vadd.f32 v28, v17;
	v45 =	vld [tilespmem:s19+$0x4220];
	[tilespmem:s18+$0x4110] =	vst v0;
	v0 =	vsub.f32 v32, v2;
	_ =	sdelay $0x1  }
0x47: {  	v14 =	vld [tilespmem:s19+$0x4190];
	[tilespmem:s18+$0x41B0] =	vst v10;
	v10 =	vsub.f32 v17, v15;
	v17 =	vadd.f32 v0, v2  }
0x48: {  	v20 =	vld [tilespmem:s19+$0x180];
	[tilespmem:s18+$0x8110] =	vst v3  }
0x49: {  	v59 =	vld [tilespmem:s19+$0x130];
	[tilespmem:s18+$0x4090] =	vst v10;
	v2 =	vsub.f32 v2, v17  }
0x4a: {  	v3 =	vsub.f32 v21, v11;
	v46 =	vld [tilespmem:s19+$0x220];
	[tilespmem:s18+$0x8090] =	vst v15  }
0x4b: {  	v10 =	vld [tilespmem:s19+$0x4090];
	[tilespmem:s19+$0x4230] =	vst v2;
	v2 =	vsub.f32 v24, v8  }
0x4c: {  	v21 =	vld [tilespmem:s19+$0x1B0];
	[tilespmem:s18+$0x40B0] =	vst v3;
	v3 =	vsub.f32 v27, v43  }
0x4d: {  	v15 =	vld [tilespmem:s19+$0x41B0];
	[tilespmem:s18+$0x4080] =	vst v2;
	v2 =	vsub.f32 v42, v19  }
0x4e: {  	v8 =	vld [tilespmem:s19+$0x40B0];
	[tilespmem:s18+$0x4120] =	vst v3;
	v3 =	vsub.f32 v12, v33  }
0x4f: {  	v11 =	vsub.f32 v16, v36;
	v42 =	vadd.f32 v2, v19  }
0x50: {  	v27 =	vld [tilespmem:s19+$0xB0];
	[tilespmem:s19+$0x8230] =	vst v17;
	v16 =	vadd.f32 v3, v33  }
0x51: {  	v12 =	vld [tilespmem:s19+$0x4080];
	[tilespmem:s18+$0x40A0] =	vst v11;
	v17 =	vsub.f32 v19, v42  }
0x52: {  	v24 =	vmul.f32 v25, v25;
	v60 =	vld [tilespmem:s19+$0x80];
	v19 =	vsub.f32 v7, v41;
	[tilespmem:s19+$0x8200] =	vst v16  }
0x53: {  	v25 =	vimm.f32 $0.0e+00;
	v11 =	vld [tilespmem:s19+$0x40A0];
	[tilespmem:s19+$0x4210] =	vst v17  }
0x54: {  	v61 =	vsub.f32 v20, v44;
	v20 =	vadd.f32 v24, v25;
	v17 =	vld [tilespmem:s19+$0x4120];
	[tilespmem:s18+$0x4100] =	vst v19;
	v19 =	vmul.f32 v28, v28  }
0x55: {  	v34 =	vsub.f32 v34, v31;
	v7 =	vsub.f32 v46, v45  }
0x56: {  	v25 =	vadd.f32 v61, v44;
	v28 =	vmul.f32 v30, v30;
	v30 =	vadd.f32 v19, v20  }
0x57: {  	v46 =	vadd.f32 v7, v45;
	v19 =	vmul.f32 v26, v26;
	v20 =	vmul.f32 v23, v23  }
0x58: {  	[tilespmem:s19+$0x8180] =	vst v25;
	v23 =	vsub.f32 v44, v25;
	v26 =	vmul.f32 v35, v35;
	v25 =	vadd.f32 v28, v30  }
0x59: {  	v62 =	vmul.f32 v39, v39;
	v35 =	vsub.f32 v37, v14;
	v37 =	vsub.f32 v45, v46  }
0x5a: {  	v47 =	vld [tilespmem:s19+$0x120];
	v30 =	vsub.f32 v33, v16;
	[tilespmem:s19+$0x4180] =	vst v23;
	v23 =	vmul.f32 v38, v38;
	v26 =	vadd.f32 v26, v25  }
0x5b: {  	v28 =	vmul.f32 v29, v29;
	v29 =	vadd.f32 v34, v31;
	v16 =	vsub.f32 v21, v15  }
0x5c: {  	[tilespmem:s19+$0x8220] =	vst v46;
	v24 =	vld [tilespmem:s19+$0x4110];
	v21 =	vmul.f32 v40, v40;
	v25 =	vsub.f32 v59, v9;
	v23 =	vadd.f32 v23, v26  }
0x5d: {  	v36 =	vld [tilespmem:s19+$0x110];
	[tilespmem:s19+$0x8210] =	vst v42;
	v33 =	vmul.f32 v18, v18;
	v18 =	vsub.f32 v27, v8;
	v26 =	vsub.f32 v31, v29  }
0x5e: {  	v40 =	vld [tilespmem:s19+$0x90];
	v32 =	vmul.f32 v35, v35;
	[tilespmem:s19+$0x81A0] =	vst v29;
	v29 =	vadd.f32 v25, v9;
	v63 =	vadd.f32 v21, v23  }
0x5f: {  	v39 =	vld [tilespmem:s19+$0x100];
	v27 =	vsub.f32 v47, v17;
	v31 =	vmul.f32 v61, v61;
	[tilespmem:s19+$0x41A0] =	vst v26;
	v21 =	vadd.f32 v16, v15  }
0x60: {  	s20 =	simm.s32 $0x1000;
	v38 =	vld [tilespmem:s19+$0xA0];
	v23 =	vmul.f32 v34, v34;
	v34 =	vsub.f32 v60, v12;
	[tilespmem:s19+$0x8130] =	vst v29;
	v41 =	vadd.f32 v62, v63  }
.LBB2_2:
0x61: {  	s21 =	sshra.s32 s20, $0x2;
	p0 =	sne.s32 s20, $0xF800;
	s20 =	sadd.s32 $0x800, s20;
	v42 =	vadd.f32 v18, v8;
	v43 =	vld [tilespmem:s19+$0x4100];
	v35 =	vadd.f32 v35, v14;
	[tilespmem:s19+$0x4200] =	vst v30  }
0x62: {  	v9 =	vsub.f32 v9, v29;
	v26 =	vld [tilespmem:s21+$0x41A0];
	v29 =	vadd.f32 v33, v41  }
0x63: {  	v30 =	vld [tilespmem:s21+$0x230];
	v33 =	vsub.f32 v40, v10;
	[tilespmem:s19+$0x8190] =	vst v35;
	v14 =	vsub.f32 v14, v35  }
0x64: {  	v40 =	vadd.f32 v34, v12;
	v35 =	vld [tilespmem:s21+$0x4200];
	[tilespmem:s19+$0x4130] =	vst v9;
	v9 =	vadd.f32 v19, v29;
	v19 =	vmov v31  }
0x65: {  	v38 =	vsub.f32 v38, v11;
	v29 =	vld [tilespmem:s21+$0x1A0];
	v31 =	vadd.f32 v33, v10;
	[tilespmem:s19+$0x4190] =	vst v14  }
0x66: {  	v36 =	vsub.f32 v36, v24;
	v41 =	vld [tilespmem:s21+$0x4230];
	[tilespmem:s19+$0x4220] =	vst v37;
	v9 =	vadd.f32 v20, v9;
	v20 =	vmov v32  }
0x67: {  	v37 =	vadd.f32 v38, v11;
	v39 =	vsub.f32 v39, v43;
	v32 =	vld [tilespmem:s21+$0x200];
	[tilespmem:s19+$0x80B0] =	vst v42  }
0x68: {  	v22 =	vmul.f32 v22, v22;
	v45 =	vadd.f32 v36, v24;
	v44 =	vld [tilespmem:s21+$0x190];
	[tilespmem:s19+$0x8080] =	vst v40;
	v14 =	vadd.f32 v28, v9  }
0x69: {  	v15 =	vsub.f32 v15, v21;
	v1 =	vmul.f32 v1, v1;
	v28 =	vadd.f32 v39, v43;
	v9 =	vld [tilespmem:s21+$0x4130];
	[tilespmem:s19+$0x80A0] =	vst v37  }
0x6a: {  	v47 =	vadd.f32 v27, v17;
	v4 =	vmul.f32 v4, v4;
	v46 =	vld [tilespmem:s21+$0x210];
	v14 =	vadd.f32 v22, v14;
	[tilespmem:s18+$0x81B0] =	vst v13;
	s18 =	smov.u32 s19;
	s19 =	smov.u32 s21  }
0x6b: {  	v5 =	vmul.f32 v5, v5;
	v24 =	vsub.f32 v24, v45;
	v13 =	vld [tilespmem:s19+$0x4210];
	v22 =	vsub.f32 v30, v41;
	[tilespmem:s18+$0x8100] =	vst v28  }
0x6c: {  	v6 =	vmul.f32 v6, v6;
	v10 =	vsub.f32 v10, v31;
	v48 =	vld [tilespmem:s19+$0x4180];
	[tilespmem:s18+$0x8120] =	vst v47;
	v4 =	vadd.f32 v4, v14  }
0x6d: {  	v17 =	vsub.f32 v17, v47;
	v30 =	vmul.f32 v34, v34;
	v34 =	vsub.f32 v43, v28;
	v49 =	vld [tilespmem:s19+$0x4220];
	[tilespmem:s18+$0x4110] =	vst v24  }
0x6e: {  	v28 =	vmul.f32 v33, v33;
	v24 =	vadd.f32 v22, v41;
	v14 =	vld [tilespmem:s19+$0x4190];
	[tilespmem:s18+$0x41B0] =	vst v15;
	v4 =	vadd.f32 v5, v4  }
0x6f: {  	v12 =	vsub.f32 v12, v40;
	v5 =	vsub.f32 v32, v35;
	v43 =	vld [tilespmem:s19+$0x180];
	[tilespmem:s18+$0x8110] =	vst v45;
	v45 =	vmul.f32 v27, v27  }
0x70: {  	v15 =	vsub.f32 v41, v24;
	v41 =	vmul.f32 v36, v36;
	v27 =	vld [tilespmem:s19+$0x130];
	[tilespmem:s18+$0x4090] =	vst v10;
	v40 =	vadd.f32 v6, v4  }
0x71: {  	v8 =	vsub.f32 v8, v42;
	v33 =	vmul.f32 v25, v25;
	v6 =	vsub.f32 v46, v13;
	v32 =	vld [tilespmem:s19+$0x220];
	[tilespmem:s18+$0x8090] =	vst v31  }
0x72: {  	v11 =	vsub.f32 v11, v37;
	v10 =	vld [tilespmem:s19+$0x4090];
	[tilespmem:s19+$0x4230] =	vst v15;
	v25 =	vadd.f32 v1, v40;
	v1 =	vmovc v0;
	v0 =	vmov v22  }
0x73: {  	v31 =	vmul.f32 v38, v38;
	v37 =	vadd.f32 v6, v13;
	v4 =	vmovc v3;
	v3 =	vmov v5;
	v36 =	vld [tilespmem:s19+$0x1B0];
	[tilespmem:s18+$0x40B0] =	vst v8  }
0x74: {  	v39 =	vmul.f32 v39, v39;
	v38 =	vadd.f32 v3, v35;
	v15 =	vld [tilespmem:s19+$0x41B0];
	v25 =	vadd.f32 v30, v25;
	[tilespmem:s18+$0x4080] =	vst v12  }
0x75: {  	v5 =	vmovc v2;
	v2 =	vmovc v6;
	v22 =	vmov v16;
	v40 =	vsub.f32 v13, v37;
	v6 =	vmov v7;
	v8 =	vld [tilespmem:s19+$0x40B0];
	[tilespmem:s18+$0x4120] =	vst v17  }
0x76: {  	v16 =	vsub.f32 v43, v48;
	v13 =	vmovc v21;
	v42 =	vld [tilespmem:s19+$0xB0];
	[tilespmem:s19+$0x8230] =	vst v24;
	v17 =	vadd.f32 v28, v25;
	v28 =	vmov v23  }
0x77: {  	v30 =	vsub.f32 v35, v38;
	v7 =	vsub.f32 v32, v49;
	v12 =	vld [tilespmem:s19+$0x4080];
	[tilespmem:s18+$0x40A0] =	vst v11  }
0x78: {  	v35 =	vsub.f32 v44, v14;
	v43 =	vld [tilespmem:s19+$0x80];
	[tilespmem:s19+$0x8200] =	vst v38;
	v21 =	vadd.f32 v31, v17  }
0x79: {  	v18 =	vmul.f32 v18, v18;
	v23 =	vadd.f32 v16, v48;
	v11 =	vld [tilespmem:s19+$0x40A0];
	[tilespmem:s19+$0x4210] =	vst v40;
	v40 =	vadd.f32 v7, v49  }
0x7a: {  	v29 =	vsub.f32 v29, v26;
	v31 =	vmul.f32 v16, v16;
	v16 =	vsub.f32 v36, v15;
	v17 =	vld [tilespmem:s19+$0x4120];
	[tilespmem:s18+$0x4100] =	vst v34  }
0x7b: {  	v38 =	vsub.f32 v48, v23;
	v21 =	vadd.f32 v18, v21;
	v34 =	vld [tilespmem:s19+$0x120];
	[tilespmem:s19+$0x8220] =	vst v40  }
0x7c: {  	v32 =	vmul.f32 v35, v35;
	v18 =	vsub.f32 v42, v8;
	v42 =	vadd.f32 v29, v26;
	v24 =	vld [tilespmem:s19+$0x4110];
	[tilespmem:s19+$0x8180] =	vst v23  }
.Ltmp0:
0x7d: {  	v25 =	vsub.f32 v27, v9;
	v21 =	vadd.f32 v39, v21;
	v36 =	vld [tilespmem:s19+$0x110];
	[tilespmem:s19+$0x4180] =	vst v38;
	(pc) =	sbr.rel @p0 .LBB2_2-.Ltmp0, $4  }
0x7e: {  	v23 =	vmul.f32 v29, v29;
	v26 =	vsub.f32 v26, v42;
	v38 =	vld [tilespmem:s19+$0xA0];
	[tilespmem:s19+$0x8210] =	vst v37;
	v37 =	vsub.f32 v49, v40  }
0x7f: {  	v29 =	vadd.f32 v25, v9;
	v41 =	vadd.f32 v41, v21;
	v40 =	vld [tilespmem:s19+$0x90];
	[tilespmem:s19+$0x81A0] =	vst v42  }
0x80: {  	v21 =	vadd.f32 v16, v15;
	v27 =	vsub.f32 v34, v17;
	[tilespmem:s19+$0x41A0] =	vst v26  }
0x81: {  	v34 =	vsub.f32 v43, v12;
	v41 =	vadd.f32 v45, v41;
	v39 =	vld [tilespmem:s19+$0x100];
	[tilespmem:s19+$0x8130] =	vst v29  }
0x82: {  	_ = 	snop  }
0x83: {  	v26 =	vadd.f32 v33, v41;
	_ =	sdelay $0x1  }
0x84: {  	v19 =	vadd.f32 v19, v26;
	_ =	sdelay $0x1  }
0x85: {  	v19 =	vadd.f32 v20, v19;
	_ =	sdelay $0x1  }
0x86: {  	v62 =	vmul.f32 v22, v22;
	v19 =	vadd.f32 v28, v19;
	_ =	sdelay $0x1  }
0x87: {  	v4 =	vmul.f32 v4, v4;
	v19 =	vadd.f32 v62, v19;
	_ =	sdelay $0x1  }
0x88: {  	v5 =	vmul.f32 v5, v5;
	v4 =	vadd.f32 v4, v19;
	_ =	sdelay $0x1  }
0x89: {  	v6 =	vmul.f32 v6, v6;
	v4 =	vadd.f32 v5, v4;
	_ =	sdelay $0x1  }
0x8a: {  	v1 =	vmul.f32 v1, v1;
	v4 =	vadd.f32 v6, v4;
	_ =	sdelay $0x1  }
0x8b: {  	v63 =	vsub.f32 v40, v10;
	v28 =	vmul.f32 v34, v34;
	v1 =	vadd.f32 v1, v4  }
0x8c: {  	v33 =	vld [tilespmem:s19+$0x4100]  }
0x8d: {  	v40 =	vsub.f32 v38, v11;
	v41 =	vmul.f32 v63, v63;
	v1 =	vadd.f32 v28, v1;
	_ =	sdelay $0x1  }
0x8e: {  	v42 =	vmul.f32 v40, v40;
	v1 =	vadd.f32 v41, v1;
	_ =	sdelay $0x1  }
0x8f: {  	v44 =	vmul.f32 v18, v18;
	v43 =	vsub.f32 v39, v33;
	v1 =	vadd.f32 v42, v1;
	_ =	sdelay $0x1  }
0x90: {  	v45 =	vsub.f32 v36, v24;
	v46 =	vmul.f32 v43, v43;
	v1 =	vadd.f32 v44, v1;
	_ =	sdelay $0x1  }
0x91: {  	v47 =	vmul.f32 v45, v45;
	v1 =	vadd.f32 v46, v1;
	_ =	sdelay $0x1  }
0x92: {  	v48 =	vadd.f32 v35, v14;
	[tilespmem:s19+$0x4200] =	vst v30;
	v49 =	vmul.f32 v27, v27;
	v1 =	vadd.f32 v47, v1  }
0x93: {  	v9 =	vsub.f32 v9, v29;
	[tilespmem:s19+$0x4220] =	vst v37  }
0x94: {  	v51 =	vmul.f32 v25, v25;
	v52 =	vadd.f32 v18, v8;
	[tilespmem:s19+$0x8190] =	vst v48;
	v1 =	vadd.f32 v49, v1  }
0x95: {  	v53 =	vadd.f32 v34, v12;
	[tilespmem:s19+$0x4130] =	vst v9  }
0x96: {  	v50 =	vsub.f32 v14, v48;
	[tilespmem:s19+$0x80B0] =	vst v52;
	v1 =	vadd.f32 v51, v1  }
0x97: {  	[tilespmem:s19+$0x8080] =	vst v53;
	v54 =	vadd.f32 v40, v11  }
0x98: {  	v55 =	vadd.f32 v45, v24;
	[tilespmem:s19+$0x4190] =	vst v50;
	v1 =	vadd.f32 v31, v1  }
0x99: {  	v57 =	vadd.f32 v27, v17;
	[tilespmem:s19+$0x80A0] =	vst v54  }
0x9a: {  	v58 =	vsub.f32 v24, v55;
	[tilespmem:s18+$0x81B0] =	vst v13;
	v1 =	vadd.f32 v32, v1  }
0x9b: {  	v15 =	vsub.f32 v15, v21;
	[tilespmem:s19+$0x8120] =	vst v57  }
0x9c: {  	v16 =	vmul.f32 v16, v16;
	[tilespmem:s19+$0x4110] =	vst v58;
	v1 =	vadd.f32 v23, v1  }
0x9d: {  	v8 =	vsub.f32 v8, v52;
	[tilespmem:s19+$0x41B0] =	vst v15  }
0x9e: {  	v3 =	vmul.f32 v3, v3;
	v59 =	vsub.f32 v12, v53;
	[tilespmem:s19+$0x8110] =	vst v55;
	v1 =	vadd.f32 v16, v1  }
0x9f: {  	v60 =	vsub.f32 v17, v57;
	[tilespmem:s19+$0x40B0] =	vst v8  }
0xa0: {  	v2 =	vmul.f32 v2, v2;
	[tilespmem:s19+$0x4080] =	vst v59;
	v1 =	vadd.f32 v3, v1  }
0xa1: {  	v56 =	vadd.f32 v43, v33;
	[tilespmem:s19+$0x4120] =	vst v60  }
0xa2: {  	v61 =	vmul.f32 v7, v7;
	[tilespmem:s19+$0x81B0] =	vst v21;
	v62 =	vsub.f32 v11, v54;
	v1 =	vadd.f32 v2, v1  }
0xa3: {  	[tilespmem:s19+$0x8100] =	vst v56;
	v5 =	vadd.f32 v63, v10  }
0xa4: {  	v0 =	vmul.f32 v0, v0;
	[tilespmem:s19+$0x40A0] =	vst v62;
	v63 =	vsub.f32 v33, v56;
	v1 =	vadd.f32 v61, v1  }
0xa5: {  	v10 =	vsub.f32 v10, v5;
	[tilespmem:s19+$0x8090] =	vst v5  }
0xa6: {  	[tilespmem:s19+$0x4100] =	vst v63;
	v0 =	vadd.f32 v0, v1  }
0xa7: {  	[tilespmem:s19+$0x4090] =	vst v10  }
0xa8: {  	[tilespmem:$0xC080] =	vst v0  }
0xa9: {  	[hbm4b:s6+s2] =	stream.linear.scatter [tilespmem:s15], [sflag:$0x1], $0x4000, $0x38;
	[tilespmem:$0xC100] =	vst v63  }
0xaa: {  	_ = 	snop  }
0xab: {  	[hbm4b:s7+s2] =	stream.linear.scatter [tilespmem:s10], [sflag:$0x2], $0x4000, $0x38;
	[tilespmem:$0xC100] =	vst v63  }
0xac: {  	_ = 	snop  }
0xad: {  	[hbm4b:s8+s2] =	stream.linear.scatter [tilespmem:s16], [sflag:$0x3], $0x80, $0x38;
	[tilespmem:$0xC100] =	vst v63  }
0xae: {  	_ =	swait.ge [sflag:s11], $0x80  }
0xaf: {  	[sflag:s11] =	ssyncset.done $0x0  }
0xb0: {  	s17 =	sadd.s32 $0x1, s17;
	[sflag:s11] =	ssyncadd.s32 $0xFFFFFF80  }
0xb1: {  	p0 =	sne.s32 s17, s9;
	_ =	swait.ge [sflag:s14], $0x4000  }
.Ltmp1:
0xb2: {  	[sflag:s14] =	ssyncset.done $0x0;
	(pc) =	sbr.rel @p0 .LBB2_1-.Ltmp1, $4  }
0xb3: {  	[sflag:s14] =	ssyncadd.s32 $0xFFFFC000  }
0xb4: {  	_ =	swait.ge [sflag:s13], $0x4000  }
0xb5: {  	[sflag:s13] =	ssyncset.done $0x0  }
0xb6: {  	[sflag:s13] =	ssyncadd.s32 $0xFFFFC000  }
0xb7: {  	_ =	sfence.sel $0x180000  }
0xb8: {  	[bflag:$0x0] =	sbarrier.arrive $0xFFFF  }
0xb9: {  	p0 =	sne.s32 s1, $0x0;
	_ =	strace $0x90000047  }
0xba: {  	s0 =	sadd.s32 @!p0 $0x100000, s0;
	[bflag:$0x2] =	sbarrier.arrive $0xFFFF  }
0xbb: {  	[sflag:s0] =	ssyncadd.tile.s32 @!p0 $0x1;
	_ =	shalt  }
.Lfunc_end2:
_tile_overlayer_lowered:
.L_overlay_start_2:
0xbc: {  	(tag) =	ssettag $0x2  }
0xbd: {  	s0 =	rddreg [dreg:$0x0];
	s2 =	stileid.u32  }
0xbe: {  	s1 =	rddreg [dreg:$0x1];
	p0 =	sne.s32 s2, $0x0  }
0xbf: {  	s3 =	rddreg [dreg:$0x2];
	[bflag:$0x3] =	sbarrier.arrive $0xFFFF;
	s2 =	simm.s32 @!p0 $0x1C03  }
0xc0: {  	[timem:s3], [sflag:s2] =	dma.local @!p0 [hbm:s0], s1  }
0xc1: {  	s0 =	simm.s32 @!p0 $0x3  }
0xc2: {  	_ =	swait.ge @!p0 [sflag:s0], s1  }
0xc3: {  	s1 =	ssub.s32 @!p0 $0x0, s1;
	[sflag:s0] =	ssyncset.done @!p0 $0x0  }
0xc4: {  	[sflag:s0] =	ssyncadd.s32 @!p0 s1  }
0xc5: {  	[bflag:$0x3] =	sbarrier.arrive $0xFFFF  }
0xc6: {  	_ =	shalt  }

</sc_bundles>
